<compile_context>
chip_gen: v7x
topology: tpu7x:2x2x1
jax: 0.10.2.dev20260603
libtpu: 0.0.44.dev20260713+nightly
codegen_flags: <defaults>
</compile_context>

<pallas_src>
import functools

import jax
import jax.numpy as jnp
from jax import lax
from jax.experimental import pallas as pl
from jax.experimental.pallas import tpu as pltpu, tpu_sc as plsc

VOCAB = 1000000
EMB_DIM = 16
BATCH = 16384
FIELDS = 26

_INFO = plsc.get_sparse_core_info()
_NC, _NS = _INFO.num_cores, _INFO.num_subcores
_NW = _NC * _NS
_TOTAL = BATCH * FIELDS
_PER_W = _TOTAL // _NW
_CHUNK = 3328
_NCHUNK = _PER_W // _CHUNK
_NBUF = 2

assert _PER_W * _NW == _TOTAL
assert _NCHUNK * _CHUNK == _PER_W
assert _CHUNK % 8 == 0 and _PER_W % 8 == 0


def _gather_kernel(idx_hbm, *rest):
    cols = rest[:EMB_DIM]
    out_hbm = rest[EMB_DIM]
    idx_v, rows, gsems, osems = rest[EMB_DIM + 1:]
    wid = lax.axis_index("s") * _NC + lax.axis_index("c")
    base = wid * _PER_W
    pltpu.sync_copy(idx_hbm.at[pl.ds(base, _PER_W)], idx_v)

    def start_gathers(c):
        b = c % _NBUF
        idx_c = idx_v.at[pl.ds(c * _CHUNK, _CHUNK)]
        for e in range(EMB_DIM):
            pltpu.async_copy(cols[e].at[idx_c], rows[b].at[e], gsems[b])

    def drain_gathers(c):
        b = c % _NBUF
        idx_c = idx_v.at[pl.ds(c * _CHUNK, _CHUNK)]
        for e in range(EMB_DIM):
            pltpu.make_async_copy(
                cols[e].at[idx_c], rows[b].at[e], gsems[b]).wait()

    def start_out(c):
        b = c % _NBUF
        pltpu.async_copy(
            rows[b], out_hbm.at[:, pl.ds(base + c * _CHUNK, _CHUNK)], osems[b])

    def wait_out(c):
        b = c % _NBUF
        pltpu.make_async_copy(
            rows[b], out_hbm.at[:, pl.ds(base + c * _CHUNK, _CHUNK)],
            osems[b]).wait()

    start_gathers(0)
    for c in range(_NCHUNK):
        drain_gathers(c)
        start_out(c)
        if c + 1 < _NCHUNK:
            if c >= 1:
                wait_out(c - 1)
            start_gathers(c + 1)
    wait_out(_NCHUNK - 2)
    wait_out(_NCHUNK - 1)


@jax.jit
def _embedding_lookup(idx_flat, *cols):
    mesh = plsc.VectorSubcoreMesh(core_axis_name="c", subcore_axis_name="s")
    k = functools.partial(
        pl.kernel,
        mesh=mesh,
        out_type=jax.ShapeDtypeStruct((EMB_DIM, _TOTAL), jnp.float32),
        scratch_types=[
            pltpu.VMEM((_PER_W,), jnp.int32),
            [pltpu.VMEM((EMB_DIM, _CHUNK), jnp.float32) for _ in range(_NBUF)],
            [pltpu.SemaphoreType.DMA for _ in range(_NBUF)],
            [pltpu.SemaphoreType.DMA for _ in range(_NBUF)],
        ],
        compiler_params=pltpu.CompilerParams(use_tc_tiling_on_sc=False),
    )(_gather_kernel)
    return k(idx_flat, *cols)


def kernel(x, table):
    idx_flat = x.reshape(-1).astype(jnp.int32)
    cols = tuple(table[:, e] for e in range(EMB_DIM))
    out_t = _embedding_lookup(idx_flat, *cols)
    return out_t.reshape(EMB_DIM, BATCH, FIELDS).transpose(1, 2, 0)

# --- scband reference (transcript-rebuilt; emitter-appended) ---
"""Pipeline reference for scband-embedding-layer-27633819583122 (READ-ONLY COPY).

The authoritative reference and input builder live on the scoring server;
editing this copy changes nothing except your own understanding.
"""

import jax, jax.numpy as jnp
import numpy as np

VOCAB = 1000000
EMB_DIM = 16
BATCH = 16384
FIELDS = 26

def setup_inputs(seed: int = 0) -> dict:
    key = jax.random.key(seed)
    k_idx, k_tab = jax.random.split(key)
    x = jax.random.randint(k_idx, (BATCH, FIELDS), 0, VOCAB, dtype=jnp.int64 if jax.config.jax_enable_x64 else jnp.int32)
    table = jax.random.normal(k_tab, (VOCAB, EMB_DIM), dtype=jnp.float32)
    return {"x": x, "table": table}

def reference(x, table):
    # nn.Embedding lookup: out[b, f, :] = table[x[b, f], :]
    return jnp.take(table, x, axis=0)

if __name__ == "__main__":
    import jax
    _d = setup_inputs()
    print(jax.jit(kernel)(*tuple(_d.values())))

</pallas_src>

<mosaic_0001>
#map = affine_map<(d0, d1) -> (0)>
#map1 = affine_map<(d0, d1) -> (0, 0)>
module attributes {stable_mosaic.version = 14 : i64} {
  func.func @_gather_kernel(%arg0: i32, %arg1: i32, %arg2: memref<425984xi32, #tpu.memory_space<hbm>>, %arg3: memref<1000000xf32, #tpu.memory_space<hbm>>, %arg4: memref<1000000xf32, #tpu.memory_space<hbm>>, %arg5: memref<1000000xf32, #tpu.memory_space<hbm>>, %arg6: memref<1000000xf32, #tpu.memory_space<hbm>>, %arg7: memref<1000000xf32, #tpu.memory_space<hbm>>, %arg8: memref<1000000xf32, #tpu.memory_space<hbm>>, %arg9: memref<1000000xf32, #tpu.memory_space<hbm>>, %arg10: memref<1000000xf32, #tpu.memory_space<hbm>>, %arg11: memref<1000000xf32, #tpu.memory_space<hbm>>, %arg12: memref<1000000xf32, #tpu.memory_space<hbm>>, %arg13: memref<1000000xf32, #tpu.memory_space<hbm>>, %arg14: memref<1000000xf32, #tpu.memory_space<hbm>>, %arg15: memref<1000000xf32, #tpu.memory_space<hbm>>, %arg16: memref<1000000xf32, #tpu.memory_space<hbm>>, %arg17: memref<1000000xf32, #tpu.memory_space<hbm>>, %arg18: memref<1000000xf32, #tpu.memory_space<hbm>>, %arg19: memref<16x425984xf32, #tpu.memory_space<hbm>>, %arg20: memref<13312xi32, #tpu.memory_space<vmem>>, %arg21: memref<16x3328xf32, #tpu.memory_space<vmem>>, %arg22: memref<16x3328xf32, #tpu.memory_space<vmem>>, %arg23: memref<!tpu.dma_semaphore, #tpu.memory_space<semaphore_mem>>, %arg24: memref<!tpu.dma_semaphore, #tpu.memory_space<semaphore_mem>>, %arg25: memref<!tpu.dma_semaphore, #tpu.memory_space<semaphore_mem>>, %arg26: memref<!tpu.dma_semaphore, #tpu.memory_space<semaphore_mem>>) attributes {dimension_semantics = [#tpu.dimension_semantics<core_parallel>, #tpu.dimension_semantics<subcore_parallel>], iteration_bounds = array<i64: 2, 16>, scalar_prefetch = 0 : i64, scratch_operands = 7 : i64, tpu.core_type = #tpu.core_type<sc_vector_subcore>, window_params = [{transform_indices = #map}, {transform_indices = #map}, {transform_indices = #map}, {transform_indices = #map}, {transform_indices = #map}, {transform_indices = #map}, {transform_indices = #map}, {transform_indices = #map}, {transform_indices = #map}, {transform_indices = #map}, {transform_indices = #map}, {transform_indices = #map}, {transform_indices = #map}, {transform_indices = #map}, {transform_indices = #map}, {transform_indices = #map}, {transform_indices = #map}, {transform_indices = #map1}]} {
    %mul3A = arith.constant 2 : i32
    %mul3A_0 = arith.muli %arg1, %mul3A : i32
    %add3A = arith.addi %mul3A_0, %arg0 : i32
    %mul3A_1 = arith.constant 13312 : i32
    %mul3A_2 = arith.muli %add3A, %mul3A_1 : i32
    "tpu.region"() ({
      %run_scoped3A = tpu.sem_alloc : memref<!tpu.dma_semaphore, #tpu.memory_space<semaphore_mem>>
      %dma_start3A_1073 = tpu.memref_slice %arg2[%mul3A_2] : memref<425984xi32, #tpu.memory_space<hbm>> -> memref<13312xi32, #tpu.memory_space<hbm>>
      %dma_start3A_1074 = tpu.memref_slice %arg2[%mul3A_2] : memref<425984xi32, #tpu.memory_space<hbm>> -> memref<13312xi32, #tpu.memory_space<hbm>>
      tpu.enqueue_dma source(%dma_start3A_1074 : memref<13312xi32, #tpu.memory_space<hbm>>) target(%arg20 : memref<13312xi32, #tpu.memory_space<vmem>>) target_semaphore(%run_scoped3A : memref<!tpu.dma_semaphore, #tpu.memory_space<semaphore_mem>>)
      %dma_wait3A_1075 = tpu.memref_slice %arg2[%mul3A_2] : memref<425984xi32, #tpu.memory_space<hbm>> -> memref<13312xi32, #tpu.memory_space<hbm>>
      %dma_wait3A_1076 = tpu.memref_slice %arg2[%mul3A_2] : memref<425984xi32, #tpu.memory_space<hbm>> -> memref<13312xi32, #tpu.memory_space<hbm>>
      tpu.wait_dma2 semaphore(%run_scoped3A : memref<!tpu.dma_semaphore, #tpu.memory_space<semaphore_mem>>) src(%dma_wait3A_1076 : memref<13312xi32, #tpu.memory_space<hbm>>) dst(%arg20 : memref<13312xi32, #tpu.memory_space<vmem>>)
      tpu.yield
    }) : () -> ()
    %dma_start3A = arith.constant 0 : i32
    %dma_start3A_3 = arith.constant 0 : i32
    %dma_start3A_4 = tpu.memref_slice %arg21[%dma_start3A, %dma_start3A_3] : memref<16x3328xf32, #tpu.memory_space<vmem>> -> memref<1x3328xf32, #tpu.memory_space<vmem>>
    %dma_start3A_5 = tpu.memref_squeeze %dma_start3A_4 : memref<1x3328xf32, #tpu.memory_space<vmem>> -> memref<3328xf32, #tpu.memory_space<vmem>>
    %dma_start3A_6 = arith.constant 0 : i32
    %dma_start3A_7 = tpu.memref_slice %arg20[%dma_start3A_6] : memref<13312xi32, #tpu.memory_space<vmem>> -> memref<3328xi32, #tpu.memory_space<vmem>>
    %dma_start3A_8 = arith.constant 0 : i32
    %dma_start3A_9 = tpu.memref_slice %arg3[%dma_start3A_8] : memref<1000000xf32, #tpu.memory_space<hbm>> -> memref<1000000xf32, #tpu.memory_space<hbm>>
    tpu.enqueue_indirect_dma source(%dma_start3A_9 : memref<1000000xf32, #tpu.memory_space<hbm>>) target(%dma_start3A_5 : memref<3328xf32, #tpu.memory_space<vmem>>) offsets(%dma_start3A_7 : memref<3328xi32, #tpu.memory_space<vmem>>) semaphore(%arg23 : memref<!tpu.dma_semaphore, #tpu.memory_space<semaphore_mem>>)
    %dma_start3A_10 = arith.constant 1 : i32
    %dma_start3A_11 = arith.constant 0 : i32
    %dma_start3A_12 = tpu.memref_slice %arg21[%dma_start3A_10, %dma_start3A_11] : memref<16x3328xf32, #tpu.memory_space<vmem>> -> memref<1x3328xf32, #tpu.memory_space<vmem>>
    %dma_start3A_13 = tpu.memref_squeeze %dma_start3A_12 : memref<1x3328xf32, #tpu.memory_space<vmem>> -> memref<3328xf32, #tpu.memory_space<vmem>>
    %dma_start3A_14 = arith.constant 0 : i32
    %dma_start3A_15 = tpu.memref_slice %arg20[%dma_start3A_14] : memref<13312xi32, #tpu.memory_space<vmem>> -> memref<3328xi32, #tpu.memory_space<vmem>>
    %dma_start3A_16 = arith.constant 0 : i32
    %dma_start3A_17 = tpu.memref_slice %arg4[%dma_start3A_16] : memref<1000000xf32, #tpu.memory_space<hbm>> -> memref<1000000xf32, #tpu.memory_space<hbm>>
    tpu.enqueue_indirect_dma source(%dma_start3A_17 : memref<1000000xf32, #tpu.memory_space<hbm>>) target(%dma_start3A_13 : memref<3328xf32, #tpu.memory_space<vmem>>) offsets(%dma_start3A_15 : memref<3328xi32, #tpu.memory_space<vmem>>) semaphore(%arg23 : memref<!tpu.dma_semaphore, #tpu.memory_space<semaphore_mem>>)
    %dma_start3A_18 = arith.constant 2 : i32
    %dma_start3A_19 = arith.constant 0 : i32
    %dma_start3A_20 = tpu.memref_slice %arg21[%dma_start3A_18, %dma_start3A_19] : memref<16x3328xf32, #tpu.memory_space<vmem>> -> memref<1x3328xf32, #tpu.memory_space<vmem>>
    %dma_start3A_21 = tpu.memref_squeeze %dma_start3A_20 : memref<1x3328xf32, #tpu.memory_space<vmem>> -> memref<3328xf32, #tpu.memory_space<vmem>>
    %dma_start3A_22 = arith.constant 0 : i32
    %dma_start3A_23 = tpu.memref_slice %arg20[%dma_start3A_22] : memref<13312xi32, #tpu.memory_space<vmem>> -> memref<3328xi32, #tpu.memory_space<vmem>>
    %dma_start3A_24 = arith.constant 0 : i32
    %dma_start3A_25 = tpu.memref_slice %arg5[%dma_start3A_24] : memref<1000000xf32, #tpu.memory_space<hbm>> -> memref<1000000xf32, #tpu.memory_space<hbm>>
    tpu.enqueue_indirect_dma source(%dma_start3A_25 : memref<1000000xf32, #tpu.memory_space<hbm>>) target(%dma_start3A_21 : memref<3328xf32, #tpu.memory_space<vmem>>) offsets(%dma_start3A_23 : memref<3328xi32, #tpu.memory_space<vmem>>) semaphore(%arg23 : memref<!tpu.dma_semaphore, #tpu.memory_space<semaphore_mem>>)
    %dma_start3A_26 = arith.constant 3 : i32
    %dma_start3A_27 = arith.constant 0 : i32
    %dma_start3A_28 = tpu.memref_slice %arg21[%dma_start3A_26, %dma_start3A_27] : memref<16x3328xf32, #tpu.memory_space<vmem>> -> memref<1x3328xf32, #tpu.memory_space<vmem>>
    %dma_start3A_29 = tpu.memref_squeeze %dma_start3A_28 : memref<1x3328xf32, #tpu.memory_space<vmem>> -> memref<3328xf32, #tpu.memory_space<vmem>>
    %dma_start3A_30 = arith.constant 0 : i32
    %dma_start3A_31 = tpu.memref_slice %arg20[%dma_start3A_30] : memref<13312xi32, #tpu.memory_space<vmem>> -> memref<3328xi32, #tpu.memory_space<vmem>>
    %dma_start3A_32 = arith.constant 0 : i32
    %dma_start3A_33 = tpu.memref_slice %arg6[%dma_start3A_32] : memref<1000000xf32, #tpu.memory_space<hbm>> -> memref<1000000xf32, #tpu.memory_space<hbm>>
    tpu.enqueue_indirect_dma source(%dma_start3A_33 : memref<1000000xf32, #tpu.memory_space<hbm>>) target(%dma_start3A_29 : memref<3328xf32, #tpu.memory_space<vmem>>) offsets(%dma_start3A_31 : memref<3328xi32, #tpu.memory_space<vmem>>) semaphore(%arg23 : memref<!tpu.dma_semaphore, #tpu.memory_space<semaphore_mem>>)
    %dma_start3A_34 = arith.constant 4 : i32
    %dma_start3A_35 = arith.constant 0 : i32
    %dma_start3A_36 = tpu.memref_slice %arg21[%dma_start3A_34, %dma_start3A_35] : memref<16x3328xf32, #tpu.memory_space<vmem>> -> memref<1x3328xf32, #tpu.memory_space<vmem>>
    %dma_start3A_37 = tpu.memref_squeeze %dma_start3A_36 : memref<1x3328xf32, #tpu.memory_space<vmem>> -> memref<3328xf32, #tpu.memory_space<vmem>>
    %dma_start3A_38 = arith.constant 0 : i32
    %dma_start3A_39 = tpu.memref_slice %arg20[%dma_start3A_38] : memref<13312xi32, #tpu.memory_space<vmem>> -> memref<3328xi32, #tpu.memory_space<vmem>>
    %dma_start3A_40 = arith.constant 0 : i32
    %dma_start3A_41 = tpu.memref_slice %arg7[%dma_start3A_40] : memref<1000000xf32, #tpu.memory_space<hbm>> -> memref<1000000xf32, #tpu.memory_space<hbm>>
    tpu.enqueue_indirect_dma source(%dma_start3A_41 : memref<1000000xf32, #tpu.memory_space<hbm>>) target(%dma_start3A_37 : memref<3328xf32, #tpu.memory_space<vmem>>) offsets(%dma_start3A_39 : memref<3328xi32, #tpu.memory_space<vmem>>) semaphore(%arg23 : memref<!tpu.dma_semaphore, #tpu.memory_space<semaphore_mem>>)
    %dma_start3A_42 = arith.constant 5 : i32
    %dma_start3A_43 = arith.constant 0 : i32
    %dma_start3A_44 = tpu.memref_slice %arg21[%dma_start3A_42, %dma_start3A_43] : memref<16x3328xf32, #tpu.memory_space<vmem>> -> memref<1x3328xf32, #tpu.memory_space<vmem>>
    %dma_start3A_45 = tpu.memref_squeeze %dma_start3A_44 : memref<1x3328xf32, #tpu.memory_space<vmem>> -> memref<3328xf32, #tpu.memory_space<vmem>>
    %dma_start3A_46 = arith.constant 0 : i32
    %dma_start3A_47 = tpu.memref_slice %arg20[%dma_start3A_46] : memref<13312xi32, #tpu.memory_space<vmem>> -> memref<3328xi32, #tpu.memory_space<vmem>>
    %dma_start3A_48 = arith.constant 0 : i32
    %dma_start3A_49 = tpu.memref_slice %arg8[%dma_start3A_48] : memref<1000000xf32, #tpu.memory_space<hbm>> -> memref<1000000xf32, #tpu.memory_space<hbm>>
    tpu.enqueue_indirect_dma source(%dma_start3A_49 : memref<1000000xf32, #tpu.memory_space<hbm>>) target(%dma_start3A_45 : memref<3328xf32, #tpu.memory_space<vmem>>) offsets(%dma_start3A_47 : memref<3328xi32, #tpu.memory_space<vmem>>) semaphore(%arg23 : memref<!tpu.dma_semaphore, #tpu.memory_space<semaphore_mem>>)
    %dma_start3A_50 = arith.constant 6 : i32
    %dma_start3A_51 = arith.constant 0 : i32
    %dma_start3A_52 = tpu.memref_slice %arg21[%dma_start3A_50, %dma_start3A_51] : memref<16x3328xf32, #tpu.memory_space<vmem>> -> memref<1x3328xf32, #tpu.memory_space<vmem>>
    %dma_start3A_53 = tpu.memref_squeeze %dma_start3A_52 : memref<1x3328xf32, #tpu.memory_space<vmem>> -> memref<3328xf32, #tpu.memory_space<vmem>>
    %dma_start3A_54 = arith.constant 0 : i32
    %dma_start3A_55 = tpu.memref_slice %arg20[%dma_start3A_54] : memref<13312xi32, #tpu.memory_space<vmem>> -> memref<3328xi32, #tpu.memory_space<vmem>>
    %dma_start3A_56 = arith.constant 0 : i32
    %dma_start3A_57 = tpu.memref_slice %arg9[%dma_start3A_56] : memref<1000000xf32, #tpu.memory_space<hbm>> -> memref<1000000xf32, #tpu.memory_space<hbm>>
    tpu.enqueue_indirect_dma source(%dma_start3A_57 : memref<1000000xf32, #tpu.memory_space<hbm>>) target(%dma_start3A_53 : memref<3328xf32, #tpu.memory_space<vmem>>) offsets(%dma_start3A_55 : memref<3328xi32, #tpu.memory_space<vmem>>) semaphore(%arg23 : memref<!tpu.dma_semaphore, #tpu.memory_space<semaphore_mem>>)
    %dma_start3A_58 = arith.constant 7 : i32
    %dma_start3A_59 = arith.constant 0 : i32
    %dma_start3A_60 = tpu.memref_slice %arg21[%dma_start3A_58, %dma_start3A_59] : memref<16x3328xf32, #tpu.memory_space<vmem>> -> memref<1x3328xf32, #tpu.memory_space<vmem>>
    %dma_start3A_61 = tpu.memref_squeeze %dma_start3A_60 : memref<1x3328xf32, #tpu.memory_space<vmem>> -> memref<3328xf32, #tpu.memory_space<vmem>>
    %dma_start3A_62 = arith.constant 0 : i32
    %dma_start3A_63 = tpu.memref_slice %arg20[%dma_start3A_62] : memref<13312xi32, #tpu.memory_space<vmem>> -> memref<3328xi32, #tpu.memory_space<vmem>>
    %dma_start3A_64 = arith.constant 0 : i32
    %dma_start3A_65 = tpu.memref_slice %arg10[%dma_start3A_64] : memref<1000000xf32, #tpu.memory_space<hbm>> -> memref<1000000xf32, #tpu.memory_space<hbm>>
    tpu.enqueue_indirect_dma source(%dma_start3A_65 : memref<1000000xf32, #tpu.memory_space<hbm>>) target(%dma_start3A_61 : memref<3328xf32, #tpu.memory_space<vmem>>) offsets(%dma_start3A_63 : memref<3328xi32, #tpu.memory_space<vmem>>) semaphore(%arg23 : memref<!tpu.dma_semaphore, #tpu.memory_space<semaphore_mem>>)
    %dma_start3A_66 = arith.constant 8 : i32
    %dma_start3A_67 = arith.constant 0 : i32
    %dma_start3A_68 = tpu.memref_slice %arg21[%dma_start3A_66, %dma_start3A_67] : memref<16x3328xf32, #tpu.memory_space<vmem>> -> memref<1x3328xf32, #tpu.memory_space<vmem>>
    %dma_start3A_69 = tpu.memref_squeeze %dma_start3A_68 : memref<1x3328xf32, #tpu.memory_space<vmem>> -> memref<3328xf32, #tpu.memory_space<vmem>>
    %dma_start3A_70 = arith.constant 0 : i32
    %dma_start3A_71 = tpu.memref_slice %arg20[%dma_start3A_70] : memref<13312xi32, #tpu.memory_space<vmem>> -> memref<3328xi32, #tpu.memory_space<vmem>>
    %dma_start3A_72 = arith.constant 0 : i32
    %dma_start3A_73 = tpu.memref_slice %arg11[%dma_start3A_72] : memref<1000000xf32, #tpu.memory_space<hbm>> -> memref<1000000xf32, #tpu.memory_space<hbm>>
    tpu.enqueue_indirect_dma source(%dma_start3A_73 : memref<1000000xf32, #tpu.memory_space<hbm>>) target(%dma_start3A_69 : memref<3328xf32, #tpu.memory_space<vmem>>) offsets(%dma_start3A_71 : memref<3328xi32, #tpu.memory_space<vmem>>) semaphore(%arg23 : memref<!tpu.dma_semaphore, #tpu.memory_space<semaphore_mem>>)
    %dma_start3A_74 = arith.constant 9 : i32
    %dma_start3A_75 = arith.constant 0 : i32
    %dma_start3A_76 = tpu.memref_slice %arg21[%dma_start3A_74, %dma_start3A_75] : memref<16x3328xf32, #tpu.memory_space<vmem>> -> memref<1x3328xf32, #tpu.memory_space<vmem>>
    %dma_start3A_77 = tpu.memref_squeeze %dma_start3A_76 : memref<1x3328xf32, #tpu.memory_space<vmem>> -> memref<3328xf32, #tpu.memory_space<vmem>>
    %dma_start3A_78 = arith.constant 0 : i32
    %dma_start3A_79 = tpu.memref_slice %arg20[%dma_start3A_78] : memref<13312xi32, #tpu.memory_space<vmem>> -> memref<3328xi32, #tpu.memory_space<vmem>>
    %dma_start3A_80 = arith.constant 0 : i32
    %dma_start3A_81 = tpu.memref_slice %arg12[%dma_start3A_80] : memref<1000000xf32, #tpu.memory_space<hbm>> -> memref<1000000xf32, #tpu.memory_space<hbm>>
    tpu.enqueue_indirect_dma source(%dma_start3A_81 : memref<1000000xf32, #tpu.memory_space<hbm>>) target(%dma_start3A_77 : memref<3328xf32, #tpu.memory_space<vmem>>) offsets(%dma_start3A_79 : memref<3328xi32, #tpu.memory_space<vmem>>) semaphore(%arg23 : memref<!tpu.dma_semaphore, #tpu.memory_space<semaphore_mem>>)
    %dma_start3A_82 = arith.constant 10 : i32
    %dma_start3A_83 = arith.constant 0 : i32
    %dma_start3A_84 = tpu.memref_slice %arg21[%dma_start3A_82, %dma_start3A_83] : memref<16x3328xf32, #tpu.memory_space<vmem>> -> memref<1x3328xf32, #tpu.memory_space<vmem>>
    %dma_start3A_85 = tpu.memref_squeeze %dma_start3A_84 : memref<1x3328xf32, #tpu.memory_space<vmem>> -> memref<3328xf32, #tpu.memory_space<vmem>>
    %dma_start3A_86 = arith.constant 0 : i32
    %dma_start3A_87 = tpu.memref_slice %arg20[%dma_start3A_86] : memref<13312xi32, #tpu.memory_space<vmem>> -> memref<3328xi32, #tpu.memory_space<vmem>>
    %dma_start3A_88 = arith.constant 0 : i32
    %dma_start3A_89 = tpu.memref_slice %arg13[%dma_start3A_88] : memref<1000000xf32, #tpu.memory_space<hbm>> -> memref<1000000xf32, #tpu.memory_space<hbm>>
    tpu.enqueue_indirect_dma source(%dma_start3A_89 : memref<1000000xf32, #tpu.memory_space<hbm>>) target(%dma_start3A_85 : memref<3328xf32, #tpu.memory_space<vmem>>) offsets(%dma_start3A_87 : memref<3328xi32, #tpu.memory_space<vmem>>) semaphore(%arg23 : memref<!tpu.dma_semaphore, #tpu.memory_space<semaphore_mem>>)
    %dma_start3A_90 = arith.constant 11 : i32
    %dma_start3A_91 = arith.constant 0 : i32
    %dma_start3A_92 = tpu.memref_slice %arg21[%dma_start3A_90, %dma_start3A_91] : memref<16x3328xf32, #tpu.memory_space<vmem>> -> memref<1x3328xf32, #tpu.memory_space<vmem>>
    %dma_start3A_93 = tpu.memref_squeeze %dma_start3A_92 : memref<1x3328xf32, #tpu.memory_space<vmem>> -> memref<3328xf32, #tpu.memory_space<vmem>>
    %dma_start3A_94 = arith.constant 0 : i32
    %dma_start3A_95 = tpu.memref_slice %arg20[%dma_start3A_94] : memref<13312xi32, #tpu.memory_space<vmem>> -> memref<3328xi32, #tpu.memory_space<vmem>>
    %dma_start3A_96 = arith.constant 0 : i32
    %dma_start3A_97 = tpu.memref_slice %arg14[%dma_start3A_96] : memref<1000000xf32, #tpu.memory_space<hbm>> -> memref<1000000xf32, #tpu.memory_space<hbm>>
    tpu.enqueue_indirect_dma source(%dma_start3A_97 : memref<1000000xf32, #tpu.memory_space<hbm>>) target(%dma_start3A_93 : memref<3328xf32, #tpu.memory_space<vmem>>) offsets(%dma_start3A_95 : memref<3328xi32, #tpu.memory_space<vmem>>) semaphore(%arg23 : memref<!tpu.dma_semaphore, #tpu.memory_space<semaphore_mem>>)
    %dma_start3A_98 = arith.constant 12 : i32
    %dma_start3A_99 = arith.constant 0 : i32
    %dma_start3A_100 = tpu.memref_slice %arg21[%dma_start3A_98, %dma_start3A_99] : memref<16x3328xf32, #tpu.memory_space<vmem>> -> memref<1x3328xf32, #tpu.memory_space<vmem>>
    %dma_start3A_101 = tpu.memref_squeeze %dma_start3A_100 : memref<1x3328xf32, #tpu.memory_space<vmem>> -> memref<3328xf32, #tpu.memory_space<vmem>>
    %dma_start3A_102 = arith.constant 0 : i32
    %dma_start3A_103 = tpu.memref_slice %arg20[%dma_start3A_102] : memref<13312xi32, #tpu.memory_space<vmem>> -> memref<3328xi32, #tpu.memory_space<vmem>>
    %dma_start3A_104 = arith.constant 0 : i32
    %dma_start3A_105 = tpu.memref_slice %arg15[%dma_start3A_104] : memref<1000000xf32, #tpu.memory_space<hbm>> -> memref<1000000xf32, #tpu.memory_space<hbm>>
    tpu.enqueue_indirect_dma source(%dma_start3A_105 : memref<1000000xf32, #tpu.memory_space<hbm>>) target(%dma_start3A_101 : memref<3328xf32, #tpu.memory_space<vmem>>) offsets(%dma_start3A_103 : memref<3328xi32, #tpu.memory_space<vmem>>) semaphore(%arg23 : memref<!tpu.dma_semaphore, #tpu.memory_space<semaphore_mem>>)
    %dma_start3A_106 = arith.constant 13 : i32
    %dma_start3A_107 = arith.constant 0 : i32
    %dma_start3A_108 = tpu.memref_slice %arg21[%dma_start3A_106, %dma_start3A_107] : memref<16x3328xf32, #tpu.memory_space<vmem>> -> memref<1x3328xf32, #tpu.memory_space<vmem>>
    %dma_start3A_109 = tpu.memref_squeeze %dma_start3A_108 : memref<1x3328xf32, #tpu.memory_space<vmem>> -> memref<3328xf32, #tpu.memory_space<vmem>>
    %dma_start3A_110 = arith.constant 0 : i32
    %dma_start3A_111 = tpu.memref_slice %arg20[%dma_start3A_110] : memref<13312xi32, #tpu.memory_space<vmem>> -> memref<3328xi32, #tpu.memory_space<vmem>>
    %dma_start3A_112 = arith.constant 0 : i32
    %dma_start3A_113 = tpu.memref_slice %arg16[%dma_start3A_112] : memref<1000000xf32, #tpu.memory_space<hbm>> -> memref<1000000xf32, #tpu.memory_space<hbm>>
    tpu.enqueue_indirect_dma source(%dma_start3A_113 : memref<1000000xf32, #tpu.memory_space<hbm>>) target(%dma_start3A_109 : memref<3328xf32, #tpu.memory_space<vmem>>) offsets(%dma_start3A_111 : memref<3328xi32, #tpu.memory_space<vmem>>) semaphore(%arg23 : memref<!tpu.dma_semaphore, #tpu.memory_space<semaphore_mem>>)
    %dma_start3A_114 = arith.constant 14 : i32
    %dma_start3A_115 = arith.constant 0 : i32
    %dma_start3A_116 = tpu.memref_slice %arg21[%dma_start3A_114, %dma_start3A_115] : memref<16x3328xf32, #tpu.memory_space<vmem>> -> memref<1x3328xf32, #tpu.memory_space<vmem>>
    %dma_start3A_117 = tpu.memref_squeeze %dma_start3A_116 : memref<1x3328xf32, #tpu.memory_space<vmem>> -> memref<3328xf32, #tpu.memory_space<vmem>>
    %dma_start3A_118 = arith.constant 0 : i32
    %dma_start3A_119 = tpu.memref_slice %arg20[%dma_start3A_118] : memref<13312xi32, #tpu.memory_space<vmem>> -> memref<3328xi32, #tpu.memory_space<vmem>>
    %dma_start3A_120 = arith.constant 0 : i32
    %dma_start3A_121 = tpu.memref_slice %arg17[%dma_start3A_120] : memref<1000000xf32, #tpu.memory_space<hbm>> -> memref<1000000xf32, #tpu.memory_space<hbm>>
    tpu.enqueue_indirect_dma source(%dma_start3A_121 : memref<1000000xf32, #tpu.memory_space<hbm>>) target(%dma_start3A_117 : memref<3328xf32, #tpu.memory_space<vmem>>) offsets(%dma_start3A_119 : memref<3328xi32, #tpu.memory_space<vmem>>) semaphore(%arg23 : memref<!tpu.dma_semaphore, #tpu.memory_space<semaphore_mem>>)
    %dma_start3A_122 = arith.constant 15 : i32
    %dma_start3A_123 = arith.constant 0 : i32
    %dma_start3A_124 = tpu.memref_slice %arg21[%dma_start3A_122, %dma_start3A_123] : memref<16x3328xf32, #tpu.memory_space<vmem>> -> memref<1x3328xf32, #tpu.memory_space<vmem>>
    %dma_start3A_125 = tpu.memref_squeeze %dma_start3A_124 : memref<1x3328xf32, #tpu.memory_space<vmem>> -> memref<3328xf32, #tpu.memory_space<vmem>>
    %dma_start3A_126 = arith.constant 0 : i32
    %dma_start3A_127 = tpu.memref_slice %arg20[%dma_start3A_126] : memref<13312xi32, #tpu.memory_space<vmem>> -> memref<3328xi32, #tpu.memory_space<vmem>>
    %dma_start3A_128 = arith.constant 0 : i32
    %dma_start3A_129 = tpu.memref_slice %arg18[%dma_start3A_128] : memref<1000000xf32, #tpu.memory_space<hbm>> -> memref<1000000xf32, #tpu.memory_space<hbm>>
    tpu.enqueue_indirect_dma source(%dma_start3A_129 : memref<1000000xf32, #tpu.memory_space<hbm>>) target(%dma_start3A_125 : memref<3328xf32, #tpu.memory_space<vmem>>) offsets(%dma_start3A_127 : memref<3328xi32, #tpu.memory_space<vmem>>) semaphore(%arg23 : memref<!tpu.dma_semaphore, #tpu.memory_space<semaphore_mem>>)
    %dma_wait3A = arith.constant 0 : i32
    %dma_wait3A_130 = arith.constant 0 : i32
    %dma_wait3A_131 = tpu.memref_slice %arg21[%dma_wait3A, %dma_wait3A_130] : memref<16x3328xf32, #tpu.memory_space<vmem>> -> memref<1x3328xf32, #tpu.memory_space<vmem>>
    %dma_wait3A_132 = tpu.memref_squeeze %dma_wait3A_131 : memref<1x3328xf32, #tpu.memory_space<vmem>> -> memref<3328xf32, #tpu.memory_space<vmem>>
    %dma_wait3A_133 = arith.constant 0 : i32
    %dma_wait3A_134 = tpu.memref_slice %arg20[%dma_wait3A_133] : memref<13312xi32, #tpu.memory_space<vmem>> -> memref<3328xi32, #tpu.memory_space<vmem>>
    %dma_wait3A_135 = arith.constant 0 : i32
    %dma_wait3A_136 = tpu.memref_slice %arg3[%dma_wait3A_135] : memref<1000000xf32, #tpu.memory_space<hbm>> -> memref<1000000xf32, #tpu.memory_space<hbm>>
    tpu.wait_indirect_dma semaphore(%arg23 : memref<!tpu.dma_semaphore, #tpu.memory_space<semaphore_mem>>) src(%dma_wait3A_136 : memref<1000000xf32, #tpu.memory_space<hbm>>) dst(%dma_wait3A_132 : memref<3328xf32, #tpu.memory_space<vmem>>)
    %dma_wait3A_137 = arith.constant 1 : i32
    %dma_wait3A_138 = arith.constant 0 : i32
    %dma_wait3A_139 = tpu.memref_slice %arg21[%dma_wait3A_137, %dma_wait3A_138] : memref<16x3328xf32, #tpu.memory_space<vmem>> -> memref<1x3328xf32, #tpu.memory_space<vmem>>
    %dma_wait3A_140 = tpu.memref_squeeze %dma_wait3A_139 : memref<1x3328xf32, #tpu.memory_space<vmem>> -> memref<3328xf32, #tpu.memory_space<vmem>>
    %dma_wait3A_141 = arith.constant 0 : i32
    %dma_wait3A_142 = tpu.memref_slice %arg20[%dma_wait3A_141] : memref<13312xi32, #tpu.memory_space<vmem>> -> memref<3328xi32, #tpu.memory_space<vmem>>
    %dma_wait3A_143 = arith.constant 0 : i32
    %dma_wait3A_144 = tpu.memref_slice %arg4[%dma_wait3A_143] : memref<1000000xf32, #tpu.memory_space<hbm>> -> memref<1000000xf32, #tpu.memory_space<hbm>>
    tpu.wait_indirect_dma semaphore(%arg23 : memref<!tpu.dma_semaphore, #tpu.memory_space<semaphore_mem>>) src(%dma_wait3A_144 : memref<1000000xf32, #tpu.memory_space<hbm>>) dst(%dma_wait3A_140 : memref<3328xf32, #tpu.memory_space<vmem>>)
    %dma_wait3A_145 = arith.constant 2 : i32
    %dma_wait3A_146 = arith.constant 0 : i32
    %dma_wait3A_147 = tpu.memref_slice %arg21[%dma_wait3A_145, %dma_wait3A_146] : memref<16x3328xf32, #tpu.memory_space<vmem>> -> memref<1x3328xf32, #tpu.memory_space<vmem>>
    %dma_wait3A_148 = tpu.memref_squeeze %dma_wait3A_147 : memref<1x3328xf32, #tpu.memory_space<vmem>> -> memref<3328xf32, #tpu.memory_space<vmem>>
    %dma_wait3A_149 = arith.constant 0 : i32
    %dma_wait3A_150 = tpu.memref_slice %arg20[%dma_wait3A_149] : memref<13312xi32, #tpu.memory_space<vmem>> -> memref<3328xi32, #tpu.memory_space<vmem>>
    %dma_wait3A_151 = arith.constant 0 : i32
    %dma_wait3A_152 = tpu.memref_slice %arg5[%dma_wait3A_151] : memref<1000000xf32, #tpu.memory_space<hbm>> -> memref<1000000xf32, #tpu.memory_space<hbm>>
    tpu.wait_indirect_dma semaphore(%arg23 : memref<!tpu.dma_semaphore, #tpu.memory_space<semaphore_mem>>) src(%dma_wait3A_152 : memref<1000000xf32, #tpu.memory_space<hbm>>) dst(%dma_wait3A_148 : memref<3328xf32, #tpu.memory_space<vmem>>)
    %dma_wait3A_153 = arith.constant 3 : i32
    %dma_wait3A_154 = arith.constant 0 : i32
    %dma_wait3A_155 = tpu.memref_slice %arg21[%dma_wait3A_153, %dma_wait3A_154] : memref<16x3328xf32, #tpu.memory_space<vmem>> -> memref<1x3328xf32, #tpu.memory_space<vmem>>
    %dma_wait3A_156 = tpu.memref_squeeze %dma_wait3A_155 : memref<1x3328xf32, #tpu.memory_space<vmem>> -> memref<3328xf32, #tpu.memory_space<vmem>>
    %dma_wait3A_157 = arith.constant 0 : i32
    %dma_wait3A_158 = tpu.memref_slice %arg20[%dma_wait3A_157] : memref<13312xi32, #tpu.memory_space<vmem>> -> memref<3328xi32, #tpu.memory_space<vmem>>
    %dma_wait3A_159 = arith.constant 0 : i32
    %dma_wait3A_160 = tpu.memref_slice %arg6[%dma_wait3A_159] : memref<1000000xf32, #tpu.memory_space<hbm>> -> memref<1000000xf32, #tpu.memory_space<hbm>>
    tpu.wait_indirect_dma semaphore(%arg23 : memref<!tpu.dma_semaphore, #tpu.memory_space<semaphore_mem>>) src(%dma_wait3A_160 : memref<1000000xf32, #tpu.memory_space<hbm>>) dst(%dma_wait3A_156 : memref<3328xf32, #tpu.memory_space<vmem>>)
    %dma_wait3A_161 = arith.constant 4 : i32
    %dma_wait3A_162 = arith.constant 0 : i32
    %dma_wait3A_163 = tpu.memref_slice %arg21[%dma_wait3A_161, %dma_wait3A_162] : memref<16x3328xf32, #tpu.memory_space<vmem>> -> memref<1x3328xf32, #tpu.memory_space<vmem>>
    %dma_wait3A_164 = tpu.memref_squeeze %dma_wait3A_163 : memref<1x3328xf32, #tpu.memory_space<vmem>> -> memref<3328xf32, #tpu.memory_space<vmem>>
    %dma_wait3A_165 = arith.constant 0 : i32
    %dma_wait3A_166 = tpu.memref_slice %arg20[%dma_wait3A_165] : memref<13312xi32, #tpu.memory_space<vmem>> -> memref<3328xi32, #tpu.memory_space<vmem>>
    %dma_wait3A_167 = arith.constant 0 : i32
    %dma_wait3A_168 = tpu.memref_slice %arg7[%dma_wait3A_167] : memref<1000000xf32, #tpu.memory_space<hbm>> -> memref<1000000xf32, #tpu.memory_space<hbm>>
    tpu.wait_indirect_dma semaphore(%arg23 : memref<!tpu.dma_semaphore, #tpu.memory_space<semaphore_mem>>) src(%dma_wait3A_168 : memref<1000000xf32, #tpu.memory_space<hbm>>) dst(%dma_wait3A_164 : memref<3328xf32, #tpu.memory_space<vmem>>)
    %dma_wait3A_169 = arith.constant 5 : i32
    %dma_wait3A_170 = arith.constant 0 : i32
    %dma_wait3A_171 = tpu.memref_slice %arg21[%dma_wait3A_169, %dma_wait3A_170] : memref<16x3328xf32, #tpu.memory_space<vmem>> -> memref<1x3328xf32, #tpu.memory_space<vmem>>
    %dma_wait3A_172 = tpu.memref_squeeze %dma_wait3A_171 : memref<1x3328xf32, #tpu.memory_space<vmem>> -> memref<3328xf32, #tpu.memory_space<vmem>>
    %dma_wait3A_173 = arith.constant 0 : i32
    %dma_wait3A_174 = tpu.memref_slice %arg20[%dma_wait3A_173] : memref<13312xi32, #tpu.memory_space<vmem>> -> memref<3328xi32, #tpu.memory_space<vmem>>
    %dma_wait3A_175 = arith.constant 0 : i32
    %dma_wait3A_176 = tpu.memref_slice %arg8[%dma_wait3A_175] : memref<1000000xf32, #tpu.memory_space<hbm>> -> memref<1000000xf32, #tpu.memory_space<hbm>>
    tpu.wait_indirect_dma semaphore(%arg23 : memref<!tpu.dma_semaphore, #tpu.memory_space<semaphore_mem>>) src(%dma_wait3A_176 : memref<1000000xf32, #tpu.memory_space<hbm>>) dst(%dma_wait3A_172 : memref<3328xf32, #tpu.memory_space<vmem>>)
    %dma_wait3A_177 = arith.constant 6 : i32
    %dma_wait3A_178 = arith.constant 0 : i32
    %dma_wait3A_179 = tpu.memref_slice %arg21[%dma_wait3A_177, %dma_wait3A_178] : memref<16x3328xf32, #tpu.memory_space<vmem>> -> memref<1x3328xf32, #tpu.memory_space<vmem>>
    %dma_wait3A_180 = tpu.memref_squeeze %dma_wait3A_179 : memref<1x3328xf32, #tpu.memory_space<vmem>> -> memref<3328xf32, #tpu.memory_space<vmem>>
    %dma_wait3A_181 = arith.constant 0 : i32
    %dma_wait3A_182 = tpu.memref_slice %arg20[%dma_wait3A_181] : memref<13312xi32, #tpu.memory_space<vmem>> -> memref<3328xi32, #tpu.memory_space<vmem>>
    %dma_wait3A_183 = arith.constant 0 : i32
    %dma_wait3A_184 = tpu.memref_slice %arg9[%dma_wait3A_183] : memref<1000000xf32, #tpu.memory_space<hbm>> -> memref<1000000xf32, #tpu.memory_space<hbm>>
    tpu.wait_indirect_dma semaphore(%arg23 : memref<!tpu.dma_semaphore, #tpu.memory_space<semaphore_mem>>) src(%dma_wait3A_184 : memref<1000000xf32, #tpu.memory_space<hbm>>) dst(%dma_wait3A_180 : memref<3328xf32, #tpu.memory_space<vmem>>)
    %dma_wait3A_185 = arith.constant 7 : i32
    %dma_wait3A_186 = arith.constant 0 : i32
    %dma_wait3A_187 = tpu.memref_slice %arg21[%dma_wait3A_185, %dma_wait3A_186] : memref<16x3328xf32, #tpu.memory_space<vmem>> -> memref<1x3328xf32, #tpu.memory_space<vmem>>
    %dma_wait3A_188 = tpu.memref_squeeze %dma_wait3A_187 : memref<1x3328xf32, #tpu.memory_space<vmem>> -> memref<3328xf32, #tpu.memory_space<vmem>>
    %dma_wait3A_189 = arith.constant 0 : i32
    %dma_wait3A_190 = tpu.memref_slice %arg20[%dma_wait3A_189] : memref<13312xi32, #tpu.memory_space<vmem>> -> memref<3328xi32, #tpu.memory_space<vmem>>
    %dma_wait3A_191 = arith.constant 0 : i32
    %dma_wait3A_192 = tpu.memref_slice %arg10[%dma_wait3A_191] : memref<1000000xf32, #tpu.memory_space<hbm>> -> memref<1000000xf32, #tpu.memory_space<hbm>>
    tpu.wait_indirect_dma semaphore(%arg23 : memref<!tpu.dma_semaphore, #tpu.memory_space<semaphore_mem>>) src(%dma_wait3A_192 : memref<1000000xf32, #tpu.memory_space<hbm>>) dst(%dma_wait3A_188 : memref<3328xf32, #tpu.memory_space<vmem>>)
    %dma_wait3A_193 = arith.constant 8 : i32
    %dma_wait3A_194 = arith.constant 0 : i32
    %dma_wait3A_195 = tpu.memref_slice %arg21[%dma_wait3A_193, %dma_wait3A_194] : memref<16x3328xf32, #tpu.memory_space<vmem>> -> memref<1x3328xf32, #tpu.memory_space<vmem>>
    %dma_wait3A_196 = tpu.memref_squeeze %dma_wait3A_195 : memref<1x3328xf32, #tpu.memory_space<vmem>> -> memref<3328xf32, #tpu.memory_space<vmem>>
    %dma_wait3A_197 = arith.constant 0 : i32
    %dma_wait3A_198 = tpu.memref_slice %arg20[%dma_wait3A_197] : memref<13312xi32, #tpu.memory_space<vmem>> -> memref<3328xi32, #tpu.memory_space<vmem>>
    %dma_wait3A_199 = arith.constant 0 : i32
    %dma_wait3A_200 = tpu.memref_slice %arg11[%dma_wait3A_199] : memref<1000000xf32, #tpu.memory_space<hbm>> -> memref<1000000xf32, #tpu.memory_space<hbm>>
    tpu.wait_indirect_dma semaphore(%arg23 : memref<!tpu.dma_semaphore, #tpu.memory_space<semaphore_mem>>) src(%dma_wait3A_200 : memref<1000000xf32, #tpu.memory_space<hbm>>) dst(%dma_wait3A_196 : memref<3328xf32, #tpu.memory_space<vmem>>)
    %dma_wait3A_201 = arith.constant 9 : i32
    %dma_wait3A_202 = arith.constant 0 : i32
    %dma_wait3A_203 = tpu.memref_slice %arg21[%dma_wait3A_201, %dma_wait3A_202] : memref<16x3328xf32, #tpu.memory_space<vmem>> -> memref<1x3328xf32, #tpu.memory_space<vmem>>
    %dma_wait3A_204 = tpu.memref_squeeze %dma_wait3A_203 : memref<1x3328xf32, #tpu.memory_space<vmem>> -> memref<3328xf32, #tpu.memory_space<vmem>>
    %dma_wait3A_205 = arith.constant 0 : i32
    %dma_wait3A_206 = tpu.memref_slice %arg20[%dma_wait3A_205] : memref<13312xi32, #tpu.memory_space<vmem>> -> memref<3328xi32, #tpu.memory_space<vmem>>
    %dma_wait3A_207 = arith.constant 0 : i32
    %dma_wait3A_208 = tpu.memref_slice %arg12[%dma_wait3A_207] : memref<1000000xf32, #tpu.memory_space<hbm>> -> memref<1000000xf32, #tpu.memory_space<hbm>>
    tpu.wait_indirect_dma semaphore(%arg23 : memref<!tpu.dma_semaphore, #tpu.memory_space<semaphore_mem>>) src(%dma_wait3A_208 : memref<1000000xf32, #tpu.memory_space<hbm>>) dst(%dma_wait3A_204 : memref<3328xf32, #tpu.memory_space<vmem>>)
    %dma_wait3A_209 = arith.constant 10 : i32
    %dma_wait3A_210 = arith.constant 0 : i32
    %dma_wait3A_211 = tpu.memref_slice %arg21[%dma_wait3A_209, %dma_wait3A_210] : memref<16x3328xf32, #tpu.memory_space<vmem>> -> memref<1x3328xf32, #tpu.memory_space<vmem>>
    %dma_wait3A_212 = tpu.memref_squeeze %dma_wait3A_211 : memref<1x3328xf32, #tpu.memory_space<vmem>> -> memref<3328xf32, #tpu.memory_space<vmem>>
    %dma_wait3A_213 = arith.constant 0 : i32
    %dma_wait3A_214 = tpu.memref_slice %arg20[%dma_wait3A_213] : memref<13312xi32, #tpu.memory_space<vmem>> -> memref<3328xi32, #tpu.memory_space<vmem>>
    %dma_wait3A_215 = arith.constant 0 : i32
    %dma_wait3A_216 = tpu.memref_slice %arg13[%dma_wait3A_215] : memref<1000000xf32, #tpu.memory_space<hbm>> -> memref<1000000xf32, #tpu.memory_space<hbm>>
    tpu.wait_indirect_dma semaphore(%arg23 : memref<!tpu.dma_semaphore, #tpu.memory_space<semaphore_mem>>) src(%dma_wait3A_216 : memref<1000000xf32, #tpu.memory_space<hbm>>) dst(%dma_wait3A_212 : memref<3328xf32, #tpu.memory_space<vmem>>)
    %dma_wait3A_217 = arith.constant 11 : i32
    %dma_wait3A_218 = arith.constant 0 : i32
    %dma_wait3A_219 = tpu.memref_slice %arg21[%dma_wait3A_217, %dma_wait3A_218] : memref<16x3328xf32, #tpu.memory_space<vmem>> -> memref<1x3328xf32, #tpu.memory_space<vmem>>
    %dma_wait3A_220 = tpu.memref_squeeze %dma_wait3A_219 : memref<1x3328xf32, #tpu.memory_space<vmem>> -> memref<3328xf32, #tpu.memory_space<vmem>>
    %dma_wait3A_221 = arith.constant 0 : i32
    %dma_wait3A_222 = tpu.memref_slice %arg20[%dma_wait3A_221] : memref<13312xi32, #tpu.memory_space<vmem>> -> memref<3328xi32, #tpu.memory_space<vmem>>
    %dma_wait3A_223 = arith.constant 0 : i32
    %dma_wait3A_224 = tpu.memref_slice %arg14[%dma_wait3A_223] : memref<1000000xf32, #tpu.memory_space<hbm>> -> memref<1000000xf32, #tpu.memory_space<hbm>>
    tpu.wait_indirect_dma semaphore(%arg23 : memref<!tpu.dma_semaphore, #tpu.memory_space<semaphore_mem>>) src(%dma_wait3A_224 : memref<1000000xf32, #tpu.memory_space<hbm>>) dst(%dma_wait3A_220 : memref<3328xf32, #tpu.memory_space<vmem>>)
    %dma_wait3A_225 = arith.constant 12 : i32
    %dma_wait3A_226 = arith.constant 0 : i32
    %dma_wait3A_227 = tpu.memref_slice %arg21[%dma_wait3A_225, %dma_wait3A_226] : memref<16x3328xf32, #tpu.memory_space<vmem>> -> memref<1x3328xf32, #tpu.memory_space<vmem>>
    %dma_wait3A_228 = tpu.memref_squeeze %dma_wait3A_227 : memref<1x3328xf32, #tpu.memory_space<vmem>> -> memref<3328xf32, #tpu.memory_space<vmem>>
    %dma_wait3A_229 = arith.constant 0 : i32
    %dma_wait3A_230 = tpu.memref_slice %arg20[%dma_wait3A_229] : memref<13312xi32, #tpu.memory_space<vmem>> -> memref<3328xi32, #tpu.memory_space<vmem>>
    %dma_wait3A_231 = arith.constant 0 : i32
    %dma_wait3A_232 = tpu.memref_slice %arg15[%dma_wait3A_231] : memref<1000000xf32, #tpu.memory_space<hbm>> -> memref<1000000xf32, #tpu.memory_space<hbm>>
    tpu.wait_indirect_dma semaphore(%arg23 : memref<!tpu.dma_semaphore, #tpu.memory_space<semaphore_mem>>) src(%dma_wait3A_232 : memref<1000000xf32, #tpu.memory_space<hbm>>) dst(%dma_wait3A_228 : memref<3328xf32, #tpu.memory_space<vmem>>)
    %dma_wait3A_233 = arith.constant 13 : i32
    %dma_wait3A_234 = arith.constant 0 : i32
    %dma_wait3A_235 = tpu.memref_slice %arg21[%dma_wait3A_233, %dma_wait3A_234] : memref<16x3328xf32, #tpu.memory_space<vmem>> -> memref<1x3328xf32, #tpu.memory_space<vmem>>
    %dma_wait3A_236 = tpu.memref_squeeze %dma_wait3A_235 : memref<1x3328xf32, #tpu.memory_space<vmem>> -> memref<3328xf32, #tpu.memory_space<vmem>>
    %dma_wait3A_237 = arith.constant 0 : i32
    %dma_wait3A_238 = tpu.memref_slice %arg20[%dma_wait3A_237] : memref<13312xi32, #tpu.memory_space<vmem>> -> memref<3328xi32, #tpu.memory_space<vmem>>
    %dma_wait3A_239 = arith.constant 0 : i32
    %dma_wait3A_240 = tpu.memref_slice %arg16[%dma_wait3A_239] : memref<1000000xf32, #tpu.memory_space<hbm>> -> memref<1000000xf32, #tpu.memory_space<hbm>>
    tpu.wait_indirect_dma semaphore(%arg23 : memref<!tpu.dma_semaphore, #tpu.memory_space<semaphore_mem>>) src(%dma_wait3A_240 : memref<1000000xf32, #tpu.memory_space<hbm>>) dst(%dma_wait3A_236 : memref<3328xf32, #tpu.memory_space<vmem>>)
    %dma_wait3A_241 = arith.constant 14 : i32
    %dma_wait3A_242 = arith.constant 0 : i32
    %dma_wait3A_243 = tpu.memref_slice %arg21[%dma_wait3A_241, %dma_wait3A_242] : memref<16x3328xf32, #tpu.memory_space<vmem>> -> memref<1x3328xf32, #tpu.memory_space<vmem>>
    %dma_wait3A_244 = tpu.memref_squeeze %dma_wait3A_243 : memref<1x3328xf32, #tpu.memory_space<vmem>> -> memref<3328xf32, #tpu.memory_space<vmem>>
    %dma_wait3A_245 = arith.constant 0 : i32
    %dma_wait3A_246 = tpu.memref_slice %arg20[%dma_wait3A_245] : memref<13312xi32, #tpu.memory_space<vmem>> -> memref<3328xi32, #tpu.memory_space<vmem>>
    %dma_wait3A_247 = arith.constant 0 : i32
    %dma_wait3A_248 = tpu.memref_slice %arg17[%dma_wait3A_247] : memref<1000000xf32, #tpu.memory_space<hbm>> -> memref<1000000xf32, #tpu.memory_space<hbm>>
    tpu.wait_indirect_dma semaphore(%arg23 : memref<!tpu.dma_semaphore, #tpu.memory_space<semaphore_mem>>) src(%dma_wait3A_248 : memref<1000000xf32, #tpu.memory_space<hbm>>) dst(%dma_wait3A_244 : memref<3328xf32, #tpu.memory_space<vmem>>)
    %dma_wait3A_249 = arith.constant 15 : i32
    %dma_wait3A_250 = arith.constant 0 : i32
    %dma_wait3A_251 = tpu.memref_slice %arg21[%dma_wait3A_249, %dma_wait3A_250] : memref<16x3328xf32, #tpu.memory_space<vmem>> -> memref<1x3328xf32, #tpu.memory_space<vmem>>
    %dma_wait3A_252 = tpu.memref_squeeze %dma_wait3A_251 : memref<1x3328xf32, #tpu.memory_space<vmem>> -> memref<3328xf32, #tpu.memory_space<vmem>>
    %dma_wait3A_253 = arith.constant 0 : i32
    %dma_wait3A_254 = tpu.memref_slice %arg20[%dma_wait3A_253] : memref<13312xi32, #tpu.memory_space<vmem>> -> memref<3328xi32, #tpu.memory_space<vmem>>
    %dma_wait3A_255 = arith.constant 0 : i32
    %dma_wait3A_256 = tpu.memref_slice %arg18[%dma_wait3A_255] : memref<1000000xf32, #tpu.memory_space<hbm>> -> memref<1000000xf32, #tpu.memory_space<hbm>>
    tpu.wait_indirect_dma semaphore(%arg23 : memref<!tpu.dma_semaphore, #tpu.memory_space<semaphore_mem>>) src(%dma_wait3A_256 : memref<1000000xf32, #tpu.memory_space<hbm>>) dst(%dma_wait3A_252 : memref<3328xf32, #tpu.memory_space<vmem>>)
    %add3A_257 = arith.constant 0 : i32
    %add3A_258 = arith.addi %mul3A_2, %add3A_257 : i32
    %dma_start3A_259 = arith.constant 0 : i32
    %dma_start3A_260 = tpu.memref_slice %arg19[%dma_start3A_259, %add3A_258] : memref<16x425984xf32, #tpu.memory_space<hbm>> -> memref<16x3328xf32, #tpu.memory_space<hbm>>
    %dma_start3A_261 = arith.constant 0 : i32
    %dma_start3A_262 = tpu.memref_slice %arg19[%dma_start3A_261, %add3A_258] : memref<16x425984xf32, #tpu.memory_space<hbm>> -> memref<16x3328xf32, #tpu.memory_space<hbm>>
    tpu.enqueue_dma source(%arg21 : memref<16x3328xf32, #tpu.memory_space<vmem>>) target(%dma_start3A_262 : memref<16x3328xf32, #tpu.memory_space<hbm>>) target_semaphore(%arg25 : memref<!tpu.dma_semaphore, #tpu.memory_space<semaphore_mem>>)
    %dma_start3A_263 = arith.constant 0 : i32
    %dma_start3A_264 = arith.constant 0 : i32
    %dma_start3A_265 = tpu.memref_slice %arg22[%dma_start3A_263, %dma_start3A_264] : memref<16x3328xf32, #tpu.memory_space<vmem>> -> memref<1x3328xf32, #tpu.memory_space<vmem>>
    %dma_start3A_266 = tpu.memref_squeeze %dma_start3A_265 : memref<1x3328xf32, #tpu.memory_space<vmem>> -> memref<3328xf32, #tpu.memory_space<vmem>>
    %dma_start3A_267 = arith.constant 3328 : i32
    %dma_start3A_268 = tpu.memref_slice %arg20[%dma_start3A_267] : memref<13312xi32, #tpu.memory_space<vmem>> -> memref<3328xi32, #tpu.memory_space<vmem>>
    %dma_start3A_269 = arith.constant 0 : i32
    %dma_start3A_270 = tpu.memref_slice %arg3[%dma_start3A_269] : memref<1000000xf32, #tpu.memory_space<hbm>> -> memref<1000000xf32, #tpu.memory_space<hbm>>
    tpu.enqueue_indirect_dma source(%dma_start3A_270 : memref<1000000xf32, #tpu.memory_space<hbm>>) target(%dma_start3A_266 : memref<3328xf32, #tpu.memory_space<vmem>>) offsets(%dma_start3A_268 : memref<3328xi32, #tpu.memory_space<vmem>>) semaphore(%arg24 : memref<!tpu.dma_semaphore, #tpu.memory_space<semaphore_mem>>)
    %dma_start3A_271 = arith.constant 1 : i32
    %dma_start3A_272 = arith.constant 0 : i32
    %dma_start3A_273 = tpu.memref_slice %arg22[%dma_start3A_271, %dma_start3A_272] : memref<16x3328xf32, #tpu.memory_space<vmem>> -> memref<1x3328xf32, #tpu.memory_space<vmem>>
    %dma_start3A_274 = tpu.memref_squeeze %dma_start3A_273 : memref<1x3328xf32, #tpu.memory_space<vmem>> -> memref<3328xf32, #tpu.memory_space<vmem>>
    %dma_start3A_275 = arith.constant 3328 : i32
    %dma_start3A_276 = tpu.memref_slice %arg20[%dma_start3A_275] : memref<13312xi32, #tpu.memory_space<vmem>> -> memref<3328xi32, #tpu.memory_space<vmem>>
    %dma_start3A_277 = arith.constant 0 : i32
    %dma_start3A_278 = tpu.memref_slice %arg4[%dma_start3A_277] : memref<1000000xf32, #tpu.memory_space<hbm>> -> memref<1000000xf32, #tpu.memory_space<hbm>>
    tpu.enqueue_indirect_dma source(%dma_start3A_278 : memref<1000000xf32, #tpu.memory_space<hbm>>) target(%dma_start3A_274 : memref<3328xf32, #tpu.memory_space<vmem>>) offsets(%dma_start3A_276 : memref<3328xi32, #tpu.memory_space<vmem>>) semaphore(%arg24 : memref<!tpu.dma_semaphore, #tpu.memory_space<semaphore_mem>>)
    %dma_start3A_279 = arith.constant 2 : i32
    %dma_start3A_280 = arith.constant 0 : i32
    %dma_start3A_281 = tpu.memref_slice %arg22[%dma_start3A_279, %dma_start3A_280] : memref<16x3328xf32, #tpu.memory_space<vmem>> -> memref<1x3328xf32, #tpu.memory_space<vmem>>
    %dma_start3A_282 = tpu.memref_squeeze %dma_start3A_281 : memref<1x3328xf32, #tpu.memory_space<vmem>> -> memref<3328xf32, #tpu.memory_space<vmem>>
    %dma_start3A_283 = arith.constant 3328 : i32
    %dma_start3A_284 = tpu.memref_slice %arg20[%dma_start3A_283] : memref<13312xi32, #tpu.memory_space<vmem>> -> memref<3328xi32, #tpu.memory_space<vmem>>
    %dma_start3A_285 = arith.constant 0 : i32
    %dma_start3A_286 = tpu.memref_slice %arg5[%dma_start3A_285] : memref<1000000xf32, #tpu.memory_space<hbm>> -> memref<1000000xf32, #tpu.memory_space<hbm>>
    tpu.enqueue_indirect_dma source(%dma_start3A_286 : memref<1000000xf32, #tpu.memory_space<hbm>>) target(%dma_start3A_282 : memref<3328xf32, #tpu.memory_space<vmem>>) offsets(%dma_start3A_284 : memref<3328xi32, #tpu.memory_space<vmem>>) semaphore(%arg24 : memref<!tpu.dma_semaphore, #tpu.memory_space<semaphore_mem>>)
    %dma_start3A_287 = arith.constant 3 : i32
    %dma_start3A_288 = arith.constant 0 : i32
    %dma_start3A_289 = tpu.memref_slice %arg22[%dma_start3A_287, %dma_start3A_288] : memref<16x3328xf32, #tpu.memory_space<vmem>> -> memref<1x3328xf32, #tpu.memory_space<vmem>>
    %dma_start3A_290 = tpu.memref_squeeze %dma_start3A_289 : memref<1x3328xf32, #tpu.memory_space<vmem>> -> memref<3328xf32, #tpu.memory_space<vmem>>
    %dma_start3A_291 = arith.constant 3328 : i32
    %dma_start3A_292 = tpu.memref_slice %arg20[%dma_start3A_291] : memref<13312xi32, #tpu.memory_space<vmem>> -> memref<3328xi32, #tpu.memory_space<vmem>>
    %dma_start3A_293 = arith.constant 0 : i32
    %dma_start3A_294 = tpu.memref_slice %arg6[%dma_start3A_293] : memref<1000000xf32, #tpu.memory_space<hbm>> -> memref<1000000xf32, #tpu.memory_space<hbm>>
    tpu.enqueue_indirect_dma source(%dma_start3A_294 : memref<1000000xf32, #tpu.memory_space<hbm>>) target(%dma_start3A_290 : memref<3328xf32, #tpu.memory_space<vmem>>) offsets(%dma_start3A_292 : memref<3328xi32, #tpu.memory_space<vmem>>) semaphore(%arg24 : memref<!tpu.dma_semaphore, #tpu.memory_space<semaphore_mem>>)
    %dma_start3A_295 = arith.constant 4 : i32
    %dma_start3A_296 = arith.constant 0 : i32
    %dma_start3A_297 = tpu.memref_slice %arg22[%dma_start3A_295, %dma_start3A_296] : memref<16x3328xf32, #tpu.memory_space<vmem>> -> memref<1x3328xf32, #tpu.memory_space<vmem>>
    %dma_start3A_298 = tpu.memref_squeeze %dma_start3A_297 : memref<1x3328xf32, #tpu.memory_space<vmem>> -> memref<3328xf32, #tpu.memory_space<vmem>>
    %dma_start3A_299 = arith.constant 3328 : i32
    %dma_start3A_300 = tpu.memref_slice %arg20[%dma_start3A_299] : memref<13312xi32, #tpu.memory_space<vmem>> -> memref<3328xi32, #tpu.memory_space<vmem>>
    %dma_start3A_301 = arith.constant 0 : i32
    %dma_start3A_302 = tpu.memref_slice %arg7[%dma_start3A_301] : memref<1000000xf32, #tpu.memory_space<hbm>> -> memref<1000000xf32, #tpu.memory_space<hbm>>
    tpu.enqueue_indirect_dma source(%dma_start3A_302 : memref<1000000xf32, #tpu.memory_space<hbm>>) target(%dma_start3A_298 : memref<3328xf32, #tpu.memory_space<vmem>>) offsets(%dma_start3A_300 : memref<3328xi32, #tpu.memory_space<vmem>>) semaphore(%arg24 : memref<!tpu.dma_semaphore, #tpu.memory_space<semaphore_mem>>)
    %dma_start3A_303 = arith.constant 5 : i32
    %dma_start3A_304 = arith.constant 0 : i32
    %dma_start3A_305 = tpu.memref_slice %arg22[%dma_start3A_303, %dma_start3A_304] : memref<16x3328xf32, #tpu.memory_space<vmem>> -> memref<1x3328xf32, #tpu.memory_space<vmem>>
    %dma_start3A_306 = tpu.memref_squeeze %dma_start3A_305 : memref<1x3328xf32, #tpu.memory_space<vmem>> -> memref<3328xf32, #tpu.memory_space<vmem>>
    %dma_start3A_307 = arith.constant 3328 : i32
    %dma_start3A_308 = tpu.memref_slice %arg20[%dma_start3A_307] : memref<13312xi32, #tpu.memory_space<vmem>> -> memref<3328xi32, #tpu.memory_space<vmem>>
    %dma_start3A_309 = arith.constant 0 : i32
    %dma_start3A_310 = tpu.memref_slice %arg8[%dma_start3A_309] : memref<1000000xf32, #tpu.memory_space<hbm>> -> memref<1000000xf32, #tpu.memory_space<hbm>>
    tpu.enqueue_indirect_dma source(%dma_start3A_310 : memref<1000000xf32, #tpu.memory_space<hbm>>) target(%dma_start3A_306 : memref<3328xf32, #tpu.memory_space<vmem>>) offsets(%dma_start3A_308 : memref<3328xi32, #tpu.memory_space<vmem>>) semaphore(%arg24 : memref<!tpu.dma_semaphore, #tpu.memory_space<semaphore_mem>>)
    %dma_start3A_311 = arith.constant 6 : i32
    %dma_start3A_312 = arith.constant 0 : i32
    %dma_start3A_313 = tpu.memref_slice %arg22[%dma_start3A_311, %dma_start3A_312] : memref<16x3328xf32, #tpu.memory_space<vmem>> -> memref<1x3328xf32, #tpu.memory_space<vmem>>
    %dma_start3A_314 = tpu.memref_squeeze %dma_start3A_313 : memref<1x3328xf32, #tpu.memory_space<vmem>> -> memref<3328xf32, #tpu.memory_space<vmem>>
    %dma_start3A_315 = arith.constant 3328 : i32
    %dma_start3A_316 = tpu.memref_slice %arg20[%dma_start3A_315] : memref<13312xi32, #tpu.memory_space<vmem>> -> memref<3328xi32, #tpu.memory_space<vmem>>
    %dma_start3A_317 = arith.constant 0 : i32
    %dma_start3A_318 = tpu.memref_slice %arg9[%dma_start3A_317] : memref<1000000xf32, #tpu.memory_space<hbm>> -> memref<1000000xf32, #tpu.memory_space<hbm>>
    tpu.enqueue_indirect_dma source(%dma_start3A_318 : memref<1000000xf32, #tpu.memory_space<hbm>>) target(%dma_start3A_314 : memref<3328xf32, #tpu.memory_space<vmem>>) offsets(%dma_start3A_316 : memref<3328xi32, #tpu.memory_space<vmem>>) semaphore(%arg24 : memref<!tpu.dma_semaphore, #tpu.memory_space<semaphore_mem>>)
    %dma_start3A_319 = arith.constant 7 : i32
    %dma_start3A_320 = arith.constant 0 : i32
    %dma_start3A_321 = tpu.memref_slice %arg22[%dma_start3A_319, %dma_start3A_320] : memref<16x3328xf32, #tpu.memory_space<vmem>> -> memref<1x3328xf32, #tpu.memory_space<vmem>>
    %dma_start3A_322 = tpu.memref_squeeze %dma_start3A_321 : memref<1x3328xf32, #tpu.memory_space<vmem>> -> memref<3328xf32, #tpu.memory_space<vmem>>
    %dma_start3A_323 = arith.constant 3328 : i32
    %dma_start3A_324 = tpu.memref_slice %arg20[%dma_start3A_323] : memref<13312xi32, #tpu.memory_space<vmem>> -> memref<3328xi32, #tpu.memory_space<vmem>>
    %dma_start3A_325 = arith.constant 0 : i32
    %dma_start3A_326 = tpu.memref_slice %arg10[%dma_start3A_325] : memref<1000000xf32, #tpu.memory_space<hbm>> -> memref<1000000xf32, #tpu.memory_space<hbm>>
    tpu.enqueue_indirect_dma source(%dma_start3A_326 : memref<1000000xf32, #tpu.memory_space<hbm>>) target(%dma_start3A_322 : memref<3328xf32, #tpu.memory_space<vmem>>) offsets(%dma_start3A_324 : memref<3328xi32, #tpu.memory_space<vmem>>) semaphore(%arg24 : memref<!tpu.dma_semaphore, #tpu.memory_space<semaphore_mem>>)
    %dma_start3A_327 = arith.constant 8 : i32
    %dma_start3A_328 = arith.constant 0 : i32
    %dma_start3A_329 = tpu.memref_slice %arg22[%dma_start3A_327, %dma_start3A_328] : memref<16x3328xf32, #tpu.memory_space<vmem>> -> memref<1x3328xf32, #tpu.memory_space<vmem>>
    %dma_start3A_330 = tpu.memref_squeeze %dma_start3A_329 : memref<1x3328xf32, #tpu.memory_space<vmem>> -> memref<3328xf32, #tpu.memory_space<vmem>>
    %dma_start3A_331 = arith.constant 3328 : i32
    %dma_start3A_332 = tpu.memref_slice %arg20[%dma_start3A_331] : memref<13312xi32, #tpu.memory_space<vmem>> -> memref<3328xi32, #tpu.memory_space<vmem>>
    %dma_start3A_333 = arith.constant 0 : i32
    %dma_start3A_334 = tpu.memref_slice %arg11[%dma_start3A_333] : memref<1000000xf32, #tpu.memory_space<hbm>> -> memref<1000000xf32, #tpu.memory_space<hbm>>
    tpu.enqueue_indirect_dma source(%dma_start3A_334 : memref<1000000xf32, #tpu.memory_space<hbm>>) target(%dma_start3A_330 : memref<3328xf32, #tpu.memory_space<vmem>>) offsets(%dma_start3A_332 : memref<3328xi32, #tpu.memory_space<vmem>>) semaphore(%arg24 : memref<!tpu.dma_semaphore, #tpu.memory_space<semaphore_mem>>)
    %dma_start3A_335 = arith.constant 9 : i32
    %dma_start3A_336 = arith.constant 0 : i32
    %dma_start3A_337 = tpu.memref_slice %arg22[%dma_start3A_335, %dma_start3A_336] : memref<16x3328xf32, #tpu.memory_space<vmem>> -> memref<1x3328xf32, #tpu.memory_space<vmem>>
    %dma_start3A_338 = tpu.memref_squeeze %dma_start3A_337 : memref<1x3328xf32, #tpu.memory_space<vmem>> -> memref<3328xf32, #tpu.memory_space<vmem>>
    %dma_start3A_339 = arith.constant 3328 : i32
    %dma_start3A_340 = tpu.memref_slice %arg20[%dma_start3A_339] : memref<13312xi32, #tpu.memory_space<vmem>> -> memref<3328xi32, #tpu.memory_space<vmem>>
    %dma_start3A_341 = arith.constant 0 : i32
    %dma_start3A_342 = tpu.memref_slice %arg12[%dma_start3A_341] : memref<1000000xf32, #tpu.memory_space<hbm>> -> memref<1000000xf32, #tpu.memory_space<hbm>>
    tpu.enqueue_indirect_dma source(%dma_start3A_342 : memref<1000000xf32, #tpu.memory_space<hbm>>) target(%dma_start3A_338 : memref<3328xf32, #tpu.memory_space<vmem>>) offsets(%dma_start3A_340 : memref<3328xi32, #tpu.memory_space<vmem>>) semaphore(%arg24 : memref<!tpu.dma_semaphore, #tpu.memory_space<semaphore_mem>>)
    %dma_start3A_343 = arith.constant 10 : i32
    %dma_start3A_344 = arith.constant 0 : i32
    %dma_start3A_345 = tpu.memref_slice %arg22[%dma_start3A_343, %dma_start3A_344] : memref<16x3328xf32, #tpu.memory_space<vmem>> -> memref<1x3328xf32, #tpu.memory_space<vmem>>
    %dma_start3A_346 = tpu.memref_squeeze %dma_start3A_345 : memref<1x3328xf32, #tpu.memory_space<vmem>> -> memref<3328xf32, #tpu.memory_space<vmem>>
    %dma_start3A_347 = arith.constant 3328 : i32
    %dma_start3A_348 = tpu.memref_slice %arg20[%dma_start3A_347] : memref<13312xi32, #tpu.memory_space<vmem>> -> memref<3328xi32, #tpu.memory_space<vmem>>
    %dma_start3A_349 = arith.constant 0 : i32
    %dma_start3A_350 = tpu.memref_slice %arg13[%dma_start3A_349] : memref<1000000xf32, #tpu.memory_space<hbm>> -> memref<1000000xf32, #tpu.memory_space<hbm>>
    tpu.enqueue_indirect_dma source(%dma_start3A_350 : memref<1000000xf32, #tpu.memory_space<hbm>>) target(%dma_start3A_346 : memref<3328xf32, #tpu.memory_space<vmem>>) offsets(%dma_start3A_348 : memref<3328xi32, #tpu.memory_space<vmem>>) semaphore(%arg24 : memref<!tpu.dma_semaphore, #tpu.memory_space<semaphore_mem>>)
    %dma_start3A_351 = arith.constant 11 : i32
    %dma_start3A_352 = arith.constant 0 : i32
    %dma_start3A_353 = tpu.memref_slice %arg22[%dma_start3A_351, %dma_start3A_352] : memref<16x3328xf32, #tpu.memory_space<vmem>> -> memref<1x3328xf32, #tpu.memory_space<vmem>>
    %dma_start3A_354 = tpu.memref_squeeze %dma_start3A_353 : memref<1x3328xf32, #tpu.memory_space<vmem>> -> memref<3328xf32, #tpu.memory_space<vmem>>
    %dma_start3A_355 = arith.constant 3328 : i32
    %dma_start3A_356 = tpu.memref_slice %arg20[%dma_start3A_355] : memref<13312xi32, #tpu.memory_space<vmem>> -> memref<3328xi32, #tpu.memory_space<vmem>>
    %dma_start3A_357 = arith.constant 0 : i32
    %dma_start3A_358 = tpu.memref_slice %arg14[%dma_start3A_357] : memref<1000000xf32, #tpu.memory_space<hbm>> -> memref<1000000xf32, #tpu.memory_space<hbm>>
    tpu.enqueue_indirect_dma source(%dma_start3A_358 : memref<1000000xf32, #tpu.memory_space<hbm>>) target(%dma_start3A_354 : memref<3328xf32, #tpu.memory_space<vmem>>) offsets(%dma_start3A_356 : memref<3328xi32, #tpu.memory_space<vmem>>) semaphore(%arg24 : memref<!tpu.dma_semaphore, #tpu.memory_space<semaphore_mem>>)
    %dma_start3A_359 = arith.constant 12 : i32
    %dma_start3A_360 = arith.constant 0 : i32
    %dma_start3A_361 = tpu.memref_slice %arg22[%dma_start3A_359, %dma_start3A_360] : memref<16x3328xf32, #tpu.memory_space<vmem>> -> memref<1x3328xf32, #tpu.memory_space<vmem>>
    %dma_start3A_362 = tpu.memref_squeeze %dma_start3A_361 : memref<1x3328xf32, #tpu.memory_space<vmem>> -> memref<3328xf32, #tpu.memory_space<vmem>>
    %dma_start3A_363 = arith.constant 3328 : i32
    %dma_start3A_364 = tpu.memref_slice %arg20[%dma_start3A_363] : memref<13312xi32, #tpu.memory_space<vmem>> -> memref<3328xi32, #tpu.memory_space<vmem>>
    %dma_start3A_365 = arith.constant 0 : i32
    %dma_start3A_366 = tpu.memref_slice %arg15[%dma_start3A_365] : memref<1000000xf32, #tpu.memory_space<hbm>> -> memref<1000000xf32, #tpu.memory_space<hbm>>
    tpu.enqueue_indirect_dma source(%dma_start3A_366 : memref<1000000xf32, #tpu.memory_space<hbm>>) target(%dma_start3A_362 : memref<3328xf32, #tpu.memory_space<vmem>>) offsets(%dma_start3A_364 : memref<3328xi32, #tpu.memory_space<vmem>>) semaphore(%arg24 : memref<!tpu.dma_semaphore, #tpu.memory_space<semaphore_mem>>)
    %dma_start3A_367 = arith.constant 13 : i32
    %dma_start3A_368 = arith.constant 0 : i32
    %dma_start3A_369 = tpu.memref_slice %arg22[%dma_start3A_367, %dma_start3A_368] : memref<16x3328xf32, #tpu.memory_space<vmem>> -> memref<1x3328xf32, #tpu.memory_space<vmem>>
    %dma_start3A_370 = tpu.memref_squeeze %dma_start3A_369 : memref<1x3328xf32, #tpu.memory_space<vmem>> -> memref<3328xf32, #tpu.memory_space<vmem>>
    %dma_start3A_371 = arith.constant 3328 : i32
    %dma_start3A_372 = tpu.memref_slice %arg20[%dma_start3A_371] : memref<13312xi32, #tpu.memory_space<vmem>> -> memref<3328xi32, #tpu.memory_space<vmem>>
    %dma_start3A_373 = arith.constant 0 : i32
    %dma_start3A_374 = tpu.memref_slice %arg16[%dma_start3A_373] : memref<1000000xf32, #tpu.memory_space<hbm>> -> memref<1000000xf32, #tpu.memory_space<hbm>>
    tpu.enqueue_indirect_dma source(%dma_start3A_374 : memref<1000000xf32, #tpu.memory_space<hbm>>) target(%dma_start3A_370 : memref<3328xf32, #tpu.memory_space<vmem>>) offsets(%dma_start3A_372 : memref<3328xi32, #tpu.memory_space<vmem>>) semaphore(%arg24 : memref<!tpu.dma_semaphore, #tpu.memory_space<semaphore_mem>>)
    %dma_start3A_375 = arith.constant 14 : i32
    %dma_start3A_376 = arith.constant 0 : i32
    %dma_start3A_377 = tpu.memref_slice %arg22[%dma_start3A_375, %dma_start3A_376] : memref<16x3328xf32, #tpu.memory_space<vmem>> -> memref<1x3328xf32, #tpu.memory_space<vmem>>
    %dma_start3A_378 = tpu.memref_squeeze %dma_start3A_377 : memref<1x3328xf32, #tpu.memory_space<vmem>> -> memref<3328xf32, #tpu.memory_space<vmem>>
    %dma_start3A_379 = arith.constant 3328 : i32
    %dma_start3A_380 = tpu.memref_slice %arg20[%dma_start3A_379] : memref<13312xi32, #tpu.memory_space<vmem>> -> memref<3328xi32, #tpu.memory_space<vmem>>
    %dma_start3A_381 = arith.constant 0 : i32
    %dma_start3A_382 = tpu.memref_slice %arg17[%dma_start3A_381] : memref<1000000xf32, #tpu.memory_space<hbm>> -> memref<1000000xf32, #tpu.memory_space<hbm>>
    tpu.enqueue_indirect_dma source(%dma_start3A_382 : memref<1000000xf32, #tpu.memory_space<hbm>>) target(%dma_start3A_378 : memref<3328xf32, #tpu.memory_space<vmem>>) offsets(%dma_start3A_380 : memref<3328xi32, #tpu.memory_space<vmem>>) semaphore(%arg24 : memref<!tpu.dma_semaphore, #tpu.memory_space<semaphore_mem>>)
    %dma_start3A_383 = arith.constant 15 : i32
    %dma_start3A_384 = arith.constant 0 : i32
    %dma_start3A_385 = tpu.memref_slice %arg22[%dma_start3A_383, %dma_start3A_384] : memref<16x3328xf32, #tpu.memory_space<vmem>> -> memref<1x3328xf32, #tpu.memory_space<vmem>>
    %dma_start3A_386 = tpu.memref_squeeze %dma_start3A_385 : memref<1x3328xf32, #tpu.memory_space<vmem>> -> memref<3328xf32, #tpu.memory_space<vmem>>
    %dma_start3A_387 = arith.constant 3328 : i32
    %dma_start3A_388 = tpu.memref_slice %arg20[%dma_start3A_387] : memref<13312xi32, #tpu.memory_space<vmem>> -> memref<3328xi32, #tpu.memory_space<vmem>>
    %dma_start3A_389 = arith.constant 0 : i32
    %dma_start3A_390 = tpu.memref_slice %arg18[%dma_start3A_389] : memref<1000000xf32, #tpu.memory_space<hbm>> -> memref<1000000xf32, #tpu.memory_space<hbm>>
    tpu.enqueue_indirect_dma source(%dma_start3A_390 : memref<1000000xf32, #tpu.memory_space<hbm>>) target(%dma_start3A_386 : memref<3328xf32, #tpu.memory_space<vmem>>) offsets(%dma_start3A_388 : memref<3328xi32, #tpu.memory_space<vmem>>) semaphore(%arg24 : memref<!tpu.dma_semaphore, #tpu.memory_space<semaphore_mem>>)
    %dma_wait3A_391 = arith.constant 0 : i32
    %dma_wait3A_392 = arith.constant 0 : i32
    %dma_wait3A_393 = tpu.memref_slice %arg22[%dma_wait3A_391, %dma_wait3A_392] : memref<16x3328xf32, #tpu.memory_space<vmem>> -> memref<1x3328xf32, #tpu.memory_space<vmem>>
    %dma_wait3A_394 = tpu.memref_squeeze %dma_wait3A_393 : memref<1x3328xf32, #tpu.memory_space<vmem>> -> memref<3328xf32, #tpu.memory_space<vmem>>
    %dma_wait3A_395 = arith.constant 3328 : i32
    %dma_wait3A_396 = tpu.memref_slice %arg20[%dma_wait3A_395] : memref<13312xi32, #tpu.memory_space<vmem>> -> memref<3328xi32, #tpu.memory_space<vmem>>
    %dma_wait3A_397 = arith.constant 0 : i32
    %dma_wait3A_398 = tpu.memref_slice %arg3[%dma_wait3A_397] : memref<1000000xf32, #tpu.memory_space<hbm>> -> memref<1000000xf32, #tpu.memory_space<hbm>>
    tpu.wait_indirect_dma semaphore(%arg24 : memref<!tpu.dma_semaphore, #tpu.memory_space<semaphore_mem>>) src(%dma_wait3A_398 : memref<1000000xf32, #tpu.memory_space<hbm>>) dst(%dma_wait3A_394 : memref<3328xf32, #tpu.memory_space<vmem>>)
    %dma_wait3A_399 = arith.constant 1 : i32
    %dma_wait3A_400 = arith.constant 0 : i32
    %dma_wait3A_401 = tpu.memref_slice %arg22[%dma_wait3A_399, %dma_wait3A_400] : memref<16x3328xf32, #tpu.memory_space<vmem>> -> memref<1x3328xf32, #tpu.memory_space<vmem>>
    %dma_wait3A_402 = tpu.memref_squeeze %dma_wait3A_401 : memref<1x3328xf32, #tpu.memory_space<vmem>> -> memref<3328xf32, #tpu.memory_space<vmem>>
    %dma_wait3A_403 = arith.constant 3328 : i32
    %dma_wait3A_404 = tpu.memref_slice %arg20[%dma_wait3A_403] : memref<13312xi32, #tpu.memory_space<vmem>> -> memref<3328xi32, #tpu.memory_space<vmem>>
    %dma_wait3A_405 = arith.constant 0 : i32
    %dma_wait3A_406 = tpu.memref_slice %arg4[%dma_wait3A_405] : memref<1000000xf32, #tpu.memory_space<hbm>> -> memref<1000000xf32, #tpu.memory_space<hbm>>
    tpu.wait_indirect_dma semaphore(%arg24 : memref<!tpu.dma_semaphore, #tpu.memory_space<semaphore_mem>>) src(%dma_wait3A_406 : memref<1000000xf32, #tpu.memory_space<hbm>>) dst(%dma_wait3A_402 : memref<3328xf32, #tpu.memory_space<vmem>>)
    %dma_wait3A_407 = arith.constant 2 : i32
    %dma_wait3A_408 = arith.constant 0 : i32
    %dma_wait3A_409 = tpu.memref_slice %arg22[%dma_wait3A_407, %dma_wait3A_408] : memref<16x3328xf32, #tpu.memory_space<vmem>> -> memref<1x3328xf32, #tpu.memory_space<vmem>>
    %dma_wait3A_410 = tpu.memref_squeeze %dma_wait3A_409 : memref<1x3328xf32, #tpu.memory_space<vmem>> -> memref<3328xf32, #tpu.memory_space<vmem>>
    %dma_wait3A_411 = arith.constant 3328 : i32
    %dma_wait3A_412 = tpu.memref_slice %arg20[%dma_wait3A_411] : memref<13312xi32, #tpu.memory_space<vmem>> -> memref<3328xi32, #tpu.memory_space<vmem>>
    %dma_wait3A_413 = arith.constant 0 : i32
    %dma_wait3A_414 = tpu.memref_slice %arg5[%dma_wait3A_413] : memref<1000000xf32, #tpu.memory_space<hbm>> -> memref<1000000xf32, #tpu.memory_space<hbm>>
    tpu.wait_indirect_dma semaphore(%arg24 : memref<!tpu.dma_semaphore, #tpu.memory_space<semaphore_mem>>) src(%dma_wait3A_414 : memref<1000000xf32, #tpu.memory_space<hbm>>) dst(%dma_wait3A_410 : memref<3328xf32, #tpu.memory_space<vmem>>)
    %dma_wait3A_415 = arith.constant 3 : i32
    %dma_wait3A_416 = arith.constant 0 : i32
    %dma_wait3A_417 = tpu.memref_slice %arg22[%dma_wait3A_415, %dma_wait3A_416] : memref<16x3328xf32, #tpu.memory_space<vmem>> -> memref<1x3328xf32, #tpu.memory_space<vmem>>
    %dma_wait3A_418 = tpu.memref_squeeze %dma_wait3A_417 : memref<1x3328xf32, #tpu.memory_space<vmem>> -> memref<3328xf32, #tpu.memory_space<vmem>>
    %dma_wait3A_419 = arith.constant 3328 : i32
    %dma_wait3A_420 = tpu.memref_slice %arg20[%dma_wait3A_419] : memref<13312xi32, #tpu.memory_space<vmem>> -> memref<3328xi32, #tpu.memory_space<vmem>>
    %dma_wait3A_421 = arith.constant 0 : i32
    %dma_wait3A_422 = tpu.memref_slice %arg6[%dma_wait3A_421] : memref<1000000xf32, #tpu.memory_space<hbm>> -> memref<1000000xf32, #tpu.memory_space<hbm>>
    tpu.wait_indirect_dma semaphore(%arg24 : memref<!tpu.dma_semaphore, #tpu.memory_space<semaphore_mem>>) src(%dma_wait3A_422 : memref<1000000xf32, #tpu.memory_space<hbm>>) dst(%dma_wait3A_418 : memref<3328xf32, #tpu.memory_space<vmem>>)
    %dma_wait3A_423 = arith.constant 4 : i32
    %dma_wait3A_424 = arith.constant 0 : i32
    %dma_wait3A_425 = tpu.memref_slice %arg22[%dma_wait3A_423, %dma_wait3A_424] : memref<16x3328xf32, #tpu.memory_space<vmem>> -> memref<1x3328xf32, #tpu.memory_space<vmem>>
    %dma_wait3A_426 = tpu.memref_squeeze %dma_wait3A_425 : memref<1x3328xf32, #tpu.memory_space<vmem>> -> memref<3328xf32, #tpu.memory_space<vmem>>
    %dma_wait3A_427 = arith.constant 3328 : i32
    %dma_wait3A_428 = tpu.memref_slice %arg20[%dma_wait3A_427] : memref<13312xi32, #tpu.memory_space<vmem>> -> memref<3328xi32, #tpu.memory_space<vmem>>
    %dma_wait3A_429 = arith.constant 0 : i32
    %dma_wait3A_430 = tpu.memref_slice %arg7[%dma_wait3A_429] : memref<1000000xf32, #tpu.memory_space<hbm>> -> memref<1000000xf32, #tpu.memory_space<hbm>>
    tpu.wait_indirect_dma semaphore(%arg24 : memref<!tpu.dma_semaphore, #tpu.memory_space<semaphore_mem>>) src(%dma_wait3A_430 : memref<1000000xf32, #tpu.memory_space<hbm>>) dst(%dma_wait3A_426 : memref<3328xf32, #tpu.memory_space<vmem>>)
    %dma_wait3A_431 = arith.constant 5 : i32
    %dma_wait3A_432 = arith.constant 0 : i32
    %dma_wait3A_433 = tpu.memref_slice %arg22[%dma_wait3A_431, %dma_wait3A_432] : memref<16x3328xf32, #tpu.memory_space<vmem>> -> memref<1x3328xf32, #tpu.memory_space<vmem>>
    %dma_wait3A_434 = tpu.memref_squeeze %dma_wait3A_433 : memref<1x3328xf32, #tpu.memory_space<vmem>> -> memref<3328xf32, #tpu.memory_space<vmem>>
    %dma_wait3A_435 = arith.constant 3328 : i32
    %dma_wait3A_436 = tpu.memref_slice %arg20[%dma_wait3A_435] : memref<13312xi32, #tpu.memory_space<vmem>> -> memref<3328xi32, #tpu.memory_space<vmem>>
    %dma_wait3A_437 = arith.constant 0 : i32
    %dma_wait3A_438 = tpu.memref_slice %arg8[%dma_wait3A_437] : memref<1000000xf32, #tpu.memory_space<hbm>> -> memref<1000000xf32, #tpu.memory_space<hbm>>
    tpu.wait_indirect_dma semaphore(%arg24 : memref<!tpu.dma_semaphore, #tpu.memory_space<semaphore_mem>>) src(%dma_wait3A_438 : memref<1000000xf32, #tpu.memory_space<hbm>>) dst(%dma_wait3A_434 : memref<3328xf32, #tpu.memory_space<vmem>>)
    %dma_wait3A_439 = arith.constant 6 : i32
    %dma_wait3A_440 = arith.constant 0 : i32
    %dma_wait3A_441 = tpu.memref_slice %arg22[%dma_wait3A_439, %dma_wait3A_440] : memref<16x3328xf32, #tpu.memory_space<vmem>> -> memref<1x3328xf32, #tpu.memory_space<vmem>>
    %dma_wait3A_442 = tpu.memref_squeeze %dma_wait3A_441 : memref<1x3328xf32, #tpu.memory_space<vmem>> -> memref<3328xf32, #tpu.memory_space<vmem>>
    %dma_wait3A_443 = arith.constant 3328 : i32
    %dma_wait3A_444 = tpu.memref_slice %arg20[%dma_wait3A_443] : memref<13312xi32, #tpu.memory_space<vmem>> -> memref<3328xi32, #tpu.memory_space<vmem>>
    %dma_wait3A_445 = arith.constant 0 : i32
    %dma_wait3A_446 = tpu.memref_slice %arg9[%dma_wait3A_445] : memref<1000000xf32, #tpu.memory_space<hbm>> -> memref<1000000xf32, #tpu.memory_space<hbm>>
    tpu.wait_indirect_dma semaphore(%arg24 : memref<!tpu.dma_semaphore, #tpu.memory_space<semaphore_mem>>) src(%dma_wait3A_446 : memref<1000000xf32, #tpu.memory_space<hbm>>) dst(%dma_wait3A_442 : memref<3328xf32, #tpu.memory_space<vmem>>)
    %dma_wait3A_447 = arith.constant 7 : i32
    %dma_wait3A_448 = arith.constant 0 : i32
    %dma_wait3A_449 = tpu.memref_slice %arg22[%dma_wait3A_447, %dma_wait3A_448] : memref<16x3328xf32, #tpu.memory_space<vmem>> -> memref<1x3328xf32, #tpu.memory_space<vmem>>
    %dma_wait3A_450 = tpu.memref_squeeze %dma_wait3A_449 : memref<1x3328xf32, #tpu.memory_space<vmem>> -> memref<3328xf32, #tpu.memory_space<vmem>>
    %dma_wait3A_451 = arith.constant 3328 : i32
    %dma_wait3A_452 = tpu.memref_slice %arg20[%dma_wait3A_451] : memref<13312xi32, #tpu.memory_space<vmem>> -> memref<3328xi32, #tpu.memory_space<vmem>>
    %dma_wait3A_453 = arith.constant 0 : i32
    %dma_wait3A_454 = tpu.memref_slice %arg10[%dma_wait3A_453] : memref<1000000xf32, #tpu.memory_space<hbm>> -> memref<1000000xf32, #tpu.memory_space<hbm>>
    tpu.wait_indirect_dma semaphore(%arg24 : memref<!tpu.dma_semaphore, #tpu.memory_space<semaphore_mem>>) src(%dma_wait3A_454 : memref<1000000xf32, #tpu.memory_space<hbm>>) dst(%dma_wait3A_450 : memref<3328xf32, #tpu.memory_space<vmem>>)
    %dma_wait3A_455 = arith.constant 8 : i32
    %dma_wait3A_456 = arith.constant 0 : i32
    %dma_wait3A_457 = tpu.memref_slice %arg22[%dma_wait3A_455, %dma_wait3A_456] : memref<16x3328xf32, #tpu.memory_space<vmem>> -> memref<1x3328xf32, #tpu.memory_space<vmem>>
    %dma_wait3A_458 = tpu.memref_squeeze %dma_wait3A_457 : memref<1x3328xf32, #tpu.memory_space<vmem>> -> memref<3328xf32, #tpu.memory_space<vmem>>
    %dma_wait3A_459 = arith.constant 3328 : i32
    %dma_wait3A_460 = tpu.memref_slice %arg20[%dma_wait3A_459] : memref<13312xi32, #tpu.memory_space<vmem>> -> memref<3328xi32, #tpu.memory_space<vmem>>
    %dma_wait3A_461 = arith.constant 0 : i32
    %dma_wait3A_462 = tpu.memref_slice %arg11[%dma_wait3A_461] : memref<1000000xf32, #tpu.memory_space<hbm>> -> memref<1000000xf32, #tpu.memory_space<hbm>>
    tpu.wait_indirect_dma semaphore(%arg24 : memref<!tpu.dma_semaphore, #tpu.memory_space<semaphore_mem>>) src(%dma_wait3A_462 : memref<1000000xf32, #tpu.memory_space<hbm>>) dst(%dma_wait3A_458 : memref<3328xf32, #tpu.memory_space<vmem>>)
    %dma_wait3A_463 = arith.constant 9 : i32
    %dma_wait3A_464 = arith.constant 0 : i32
    %dma_wait3A_465 = tpu.memref_slice %arg22[%dma_wait3A_463, %dma_wait3A_464] : memref<16x3328xf32, #tpu.memory_space<vmem>> -> memref<1x3328xf32, #tpu.memory_space<vmem>>
    %dma_wait3A_466 = tpu.memref_squeeze %dma_wait3A_465 : memref<1x3328xf32, #tpu.memory_space<vmem>> -> memref<3328xf32, #tpu.memory_space<vmem>>
    %dma_wait3A_467 = arith.constant 3328 : i32
    %dma_wait3A_468 = tpu.memref_slice %arg20[%dma_wait3A_467] : memref<13312xi32, #tpu.memory_space<vmem>> -> memref<3328xi32, #tpu.memory_space<vmem>>
    %dma_wait3A_469 = arith.constant 0 : i32
    %dma_wait3A_470 = tpu.memref_slice %arg12[%dma_wait3A_469] : memref<1000000xf32, #tpu.memory_space<hbm>> -> memref<1000000xf32, #tpu.memory_space<hbm>>
    tpu.wait_indirect_dma semaphore(%arg24 : memref<!tpu.dma_semaphore, #tpu.memory_space<semaphore_mem>>) src(%dma_wait3A_470 : memref<1000000xf32, #tpu.memory_space<hbm>>) dst(%dma_wait3A_466 : memref<3328xf32, #tpu.memory_space<vmem>>)
    %dma_wait3A_471 = arith.constant 10 : i32
    %dma_wait3A_472 = arith.constant 0 : i32
    %dma_wait3A_473 = tpu.memref_slice %arg22[%dma_wait3A_471, %dma_wait3A_472] : memref<16x3328xf32, #tpu.memory_space<vmem>> -> memref<1x3328xf32, #tpu.memory_space<vmem>>
    %dma_wait3A_474 = tpu.memref_squeeze %dma_wait3A_473 : memref<1x3328xf32, #tpu.memory_space<vmem>> -> memref<3328xf32, #tpu.memory_space<vmem>>
    %dma_wait3A_475 = arith.constant 3328 : i32
    %dma_wait3A_476 = tpu.memref_slice %arg20[%dma_wait3A_475] : memref<13312xi32, #tpu.memory_space<vmem>> -> memref<3328xi32, #tpu.memory_space<vmem>>
    %dma_wait3A_477 = arith.constant 0 : i32
    %dma_wait3A_478 = tpu.memref_slice %arg13[%dma_wait3A_477] : memref<1000000xf32, #tpu.memory_space<hbm>> -> memref<1000000xf32, #tpu.memory_space<hbm>>
    tpu.wait_indirect_dma semaphore(%arg24 : memref<!tpu.dma_semaphore, #tpu.memory_space<semaphore_mem>>) src(%dma_wait3A_478 : memref<1000000xf32, #tpu.memory_space<hbm>>) dst(%dma_wait3A_474 : memref<3328xf32, #tpu.memory_space<vmem>>)
    %dma_wait3A_479 = arith.constant 11 : i32
    %dma_wait3A_480 = arith.constant 0 : i32
    %dma_wait3A_481 = tpu.memref_slice %arg22[%dma_wait3A_479, %dma_wait3A_480] : memref<16x3328xf32, #tpu.memory_space<vmem>> -> memref<1x3328xf32, #tpu.memory_space<vmem>>
    %dma_wait3A_482 = tpu.memref_squeeze %dma_wait3A_481 : memref<1x3328xf32, #tpu.memory_space<vmem>> -> memref<3328xf32, #tpu.memory_space<vmem>>
    %dma_wait3A_483 = arith.constant 3328 : i32
    %dma_wait3A_484 = tpu.memref_slice %arg20[%dma_wait3A_483] : memref<13312xi32, #tpu.memory_space<vmem>> -> memref<3328xi32, #tpu.memory_space<vmem>>
    %dma_wait3A_485 = arith.constant 0 : i32
    %dma_wait3A_486 = tpu.memref_slice %arg14[%dma_wait3A_485] : memref<1000000xf32, #tpu.memory_space<hbm>> -> memref<1000000xf32, #tpu.memory_space<hbm>>
    tpu.wait_indirect_dma semaphore(%arg24 : memref<!tpu.dma_semaphore, #tpu.memory_space<semaphore_mem>>) src(%dma_wait3A_486 : memref<1000000xf32, #tpu.memory_space<hbm>>) dst(%dma_wait3A_482 : memref<3328xf32, #tpu.memory_space<vmem>>)
    %dma_wait3A_487 = arith.constant 12 : i32
    %dma_wait3A_488 = arith.constant 0 : i32
    %dma_wait3A_489 = tpu.memref_slice %arg22[%dma_wait3A_487, %dma_wait3A_488] : memref<16x3328xf32, #tpu.memory_space<vmem>> -> memref<1x3328xf32, #tpu.memory_space<vmem>>
    %dma_wait3A_490 = tpu.memref_squeeze %dma_wait3A_489 : memref<1x3328xf32, #tpu.memory_space<vmem>> -> memref<3328xf32, #tpu.memory_space<vmem>>
    %dma_wait3A_491 = arith.constant 3328 : i32
    %dma_wait3A_492 = tpu.memref_slice %arg20[%dma_wait3A_491] : memref<13312xi32, #tpu.memory_space<vmem>> -> memref<3328xi32, #tpu.memory_space<vmem>>
    %dma_wait3A_493 = arith.constant 0 : i32
    %dma_wait3A_494 = tpu.memref_slice %arg15[%dma_wait3A_493] : memref<1000000xf32, #tpu.memory_space<hbm>> -> memref<1000000xf32, #tpu.memory_space<hbm>>
    tpu.wait_indirect_dma semaphore(%arg24 : memref<!tpu.dma_semaphore, #tpu.memory_space<semaphore_mem>>) src(%dma_wait3A_494 : memref<1000000xf32, #tpu.memory_space<hbm>>) dst(%dma_wait3A_490 : memref<3328xf32, #tpu.memory_space<vmem>>)
    %dma_wait3A_495 = arith.constant 13 : i32
    %dma_wait3A_496 = arith.constant 0 : i32
    %dma_wait3A_497 = tpu.memref_slice %arg22[%dma_wait3A_495, %dma_wait3A_496] : memref<16x3328xf32, #tpu.memory_space<vmem>> -> memref<1x3328xf32, #tpu.memory_space<vmem>>
    %dma_wait3A_498 = tpu.memref_squeeze %dma_wait3A_497 : memref<1x3328xf32, #tpu.memory_space<vmem>> -> memref<3328xf32, #tpu.memory_space<vmem>>
    %dma_wait3A_499 = arith.constant 3328 : i32
    %dma_wait3A_500 = tpu.memref_slice %arg20[%dma_wait3A_499] : memref<13312xi32, #tpu.memory_space<vmem>> -> memref<3328xi32, #tpu.memory_space<vmem>>
    %dma_wait3A_501 = arith.constant 0 : i32
    %dma_wait3A_502 = tpu.memref_slice %arg16[%dma_wait3A_501] : memref<1000000xf32, #tpu.memory_space<hbm>> -> memref<1000000xf32, #tpu.memory_space<hbm>>
    tpu.wait_indirect_dma semaphore(%arg24 : memref<!tpu.dma_semaphore, #tpu.memory_space<semaphore_mem>>) src(%dma_wait3A_502 : memref<1000000xf32, #tpu.memory_space<hbm>>) dst(%dma_wait3A_498 : memref<3328xf32, #tpu.memory_space<vmem>>)
    %dma_wait3A_503 = arith.constant 14 : i32
    %dma_wait3A_504 = arith.constant 0 : i32
    %dma_wait3A_505 = tpu.memref_slice %arg22[%dma_wait3A_503, %dma_wait3A_504] : memref<16x3328xf32, #tpu.memory_space<vmem>> -> memref<1x3328xf32, #tpu.memory_space<vmem>>
    %dma_wait3A_506 = tpu.memref_squeeze %dma_wait3A_505 : memref<1x3328xf32, #tpu.memory_space<vmem>> -> memref<3328xf32, #tpu.memory_space<vmem>>
    %dma_wait3A_507 = arith.constant 3328 : i32
    %dma_wait3A_508 = tpu.memref_slice %arg20[%dma_wait3A_507] : memref<13312xi32, #tpu.memory_space<vmem>> -> memref<3328xi32, #tpu.memory_space<vmem>>
    %dma_wait3A_509 = arith.constant 0 : i32
    %dma_wait3A_510 = tpu.memref_slice %arg17[%dma_wait3A_509] : memref<1000000xf32, #tpu.memory_space<hbm>> -> memref<1000000xf32, #tpu.memory_space<hbm>>
    tpu.wait_indirect_dma semaphore(%arg24 : memref<!tpu.dma_semaphore, #tpu.memory_space<semaphore_mem>>) src(%dma_wait3A_510 : memref<1000000xf32, #tpu.memory_space<hbm>>) dst(%dma_wait3A_506 : memref<3328xf32, #tpu.memory_space<vmem>>)
    %dma_wait3A_511 = arith.constant 15 : i32
    %dma_wait3A_512 = arith.constant 0 : i32
    %dma_wait3A_513 = tpu.memref_slice %arg22[%dma_wait3A_511, %dma_wait3A_512] : memref<16x3328xf32, #tpu.memory_space<vmem>> -> memref<1x3328xf32, #tpu.memory_space<vmem>>
    %dma_wait3A_514 = tpu.memref_squeeze %dma_wait3A_513 : memref<1x3328xf32, #tpu.memory_space<vmem>> -> memref<3328xf32, #tpu.memory_space<vmem>>
    %dma_wait3A_515 = arith.constant 3328 : i32
    %dma_wait3A_516 = tpu.memref_slice %arg20[%dma_wait3A_515] : memref<13312xi32, #tpu.memory_space<vmem>> -> memref<3328xi32, #tpu.memory_space<vmem>>
    %dma_wait3A_517 = arith.constant 0 : i32
    %dma_wait3A_518 = tpu.memref_slice %arg18[%dma_wait3A_517] : memref<1000000xf32, #tpu.memory_space<hbm>> -> memref<1000000xf32, #tpu.memory_space<hbm>>
    tpu.wait_indirect_dma semaphore(%arg24 : memref<!tpu.dma_semaphore, #tpu.memory_space<semaphore_mem>>) src(%dma_wait3A_518 : memref<1000000xf32, #tpu.memory_space<hbm>>) dst(%dma_wait3A_514 : memref<3328xf32, #tpu.memory_space<vmem>>)
    %add3A_519 = arith.constant 3328 : i32
    %add3A_520 = arith.addi %mul3A_2, %add3A_519 : i32
    %dma_start3A_521 = arith.constant 0 : i32
    %dma_start3A_522 = tpu.memref_slice %arg19[%dma_start3A_521, %add3A_520] : memref<16x425984xf32, #tpu.memory_space<hbm>> -> memref<16x3328xf32, #tpu.memory_space<hbm>>
    %dma_start3A_523 = arith.constant 0 : i32
    %dma_start3A_524 = tpu.memref_slice %arg19[%dma_start3A_523, %add3A_520] : memref<16x425984xf32, #tpu.memory_space<hbm>> -> memref<16x3328xf32, #tpu.memory_space<hbm>>
    tpu.enqueue_dma source(%arg22 : memref<16x3328xf32, #tpu.memory_space<vmem>>) target(%dma_start3A_524 : memref<16x3328xf32, #tpu.memory_space<hbm>>) target_semaphore(%arg26 : memref<!tpu.dma_semaphore, #tpu.memory_space<semaphore_mem>>)
    %add3A_525 = arith.constant 0 : i32
    %add3A_526 = arith.addi %mul3A_2, %add3A_525 : i32
    %dma_wait3A_527 = arith.constant 0 : i32
    %dma_wait3A_528 = tpu.memref_slice %arg19[%dma_wait3A_527, %add3A_526] : memref<16x425984xf32, #tpu.memory_space<hbm>> -> memref<16x3328xf32, #tpu.memory_space<hbm>>
    %dma_wait3A_529 = arith.constant 0 : i32
    %dma_wait3A_530 = tpu.memref_slice %arg19[%dma_wait3A_529, %add3A_526] : memref<16x425984xf32, #tpu.memory_space<hbm>> -> memref<16x3328xf32, #tpu.memory_space<hbm>>
    tpu.wait_dma2 semaphore(%arg25 : memref<!tpu.dma_semaphore, #tpu.memory_space<semaphore_mem>>) src(%arg21 : memref<16x3328xf32, #tpu.memory_space<vmem>>) dst(%dma_wait3A_530 : memref<16x3328xf32, #tpu.memory_space<hbm>>)
    %dma_start3A_531 = arith.constant 0 : i32
    %dma_start3A_532 = arith.constant 0 : i32
    %dma_start3A_533 = tpu.memref_slice %arg21[%dma_start3A_531, %dma_start3A_532] : memref<16x3328xf32, #tpu.memory_space<vmem>> -> memref<1x3328xf32, #tpu.memory_space<vmem>>
    %dma_start3A_534 = tpu.memref_squeeze %dma_start3A_533 : memref<1x3328xf32, #tpu.memory_space<vmem>> -> memref<3328xf32, #tpu.memory_space<vmem>>
    %dma_start3A_535 = arith.constant 6656 : i32
    %dma_start3A_536 = tpu.memref_slice %arg20[%dma_start3A_535] : memref<13312xi32, #tpu.memory_space<vmem>> -> memref<3328xi32, #tpu.memory_space<vmem>>
    %dma_start3A_537 = arith.constant 0 : i32
    %dma_start3A_538 = tpu.memref_slice %arg3[%dma_start3A_537] : memref<1000000xf32, #tpu.memory_space<hbm>> -> memref<1000000xf32, #tpu.memory_space<hbm>>
    tpu.enqueue_indirect_dma source(%dma_start3A_538 : memref<1000000xf32, #tpu.memory_space<hbm>>) target(%dma_start3A_534 : memref<3328xf32, #tpu.memory_space<vmem>>) offsets(%dma_start3A_536 : memref<3328xi32, #tpu.memory_space<vmem>>) semaphore(%arg23 : memref<!tpu.dma_semaphore, #tpu.memory_space<semaphore_mem>>)
    %dma_start3A_539 = arith.constant 1 : i32
    %dma_start3A_540 = arith.constant 0 : i32
    %dma_start3A_541 = tpu.memref_slice %arg21[%dma_start3A_539, %dma_start3A_540] : memref<16x3328xf32, #tpu.memory_space<vmem>> -> memref<1x3328xf32, #tpu.memory_space<vmem>>
    %dma_start3A_542 = tpu.memref_squeeze %dma_start3A_541 : memref<1x3328xf32, #tpu.memory_space<vmem>> -> memref<3328xf32, #tpu.memory_space<vmem>>
    %dma_start3A_543 = arith.constant 6656 : i32
    %dma_start3A_544 = tpu.memref_slice %arg20[%dma_start3A_543] : memref<13312xi32, #tpu.memory_space<vmem>> -> memref<3328xi32, #tpu.memory_space<vmem>>
    %dma_start3A_545 = arith.constant 0 : i32
    %dma_start3A_546 = tpu.memref_slice %arg4[%dma_start3A_545] : memref<1000000xf32, #tpu.memory_space<hbm>> -> memref<1000000xf32, #tpu.memory_space<hbm>>
    tpu.enqueue_indirect_dma source(%dma_start3A_546 : memref<1000000xf32, #tpu.memory_space<hbm>>) target(%dma_start3A_542 : memref<3328xf32, #tpu.memory_space<vmem>>) offsets(%dma_start3A_544 : memref<3328xi32, #tpu.memory_space<vmem>>) semaphore(%arg23 : memref<!tpu.dma_semaphore, #tpu.memory_space<semaphore_mem>>)
    %dma_start3A_547 = arith.constant 2 : i32
    %dma_start3A_548 = arith.constant 0 : i32
    %dma_start3A_549 = tpu.memref_slice %arg21[%dma_start3A_547, %dma_start3A_548] : memref<16x3328xf32, #tpu.memory_space<vmem>> -> memref<1x3328xf32, #tpu.memory_space<vmem>>
    %dma_start3A_550 = tpu.memref_squeeze %dma_start3A_549 : memref<1x3328xf32, #tpu.memory_space<vmem>> -> memref<3328xf32, #tpu.memory_space<vmem>>
    %dma_start3A_551 = arith.constant 6656 : i32
    %dma_start3A_552 = tpu.memref_slice %arg20[%dma_start3A_551] : memref<13312xi32, #tpu.memory_space<vmem>> -> memref<3328xi32, #tpu.memory_space<vmem>>
    %dma_start3A_553 = arith.constant 0 : i32
    %dma_start3A_554 = tpu.memref_slice %arg5[%dma_start3A_553] : memref<1000000xf32, #tpu.memory_space<hbm>> -> memref<1000000xf32, #tpu.memory_space<hbm>>
    tpu.enqueue_indirect_dma source(%dma_start3A_554 : memref<1000000xf32, #tpu.memory_space<hbm>>) target(%dma_start3A_550 : memref<3328xf32, #tpu.memory_space<vmem>>) offsets(%dma_start3A_552 : memref<3328xi32, #tpu.memory_space<vmem>>) semaphore(%arg23 : memref<!tpu.dma_semaphore, #tpu.memory_space<semaphore_mem>>)
    %dma_start3A_555 = arith.constant 3 : i32
    %dma_start3A_556 = arith.constant 0 : i32
    %dma_start3A_557 = tpu.memref_slice %arg21[%dma_start3A_555, %dma_start3A_556] : memref<16x3328xf32, #tpu.memory_space<vmem>> -> memref<1x3328xf32, #tpu.memory_space<vmem>>
    %dma_start3A_558 = tpu.memref_squeeze %dma_start3A_557 : memref<1x3328xf32, #tpu.memory_space<vmem>> -> memref<3328xf32, #tpu.memory_space<vmem>>
    %dma_start3A_559 = arith.constant 6656 : i32
    %dma_start3A_560 = tpu.memref_slice %arg20[%dma_start3A_559] : memref<13312xi32, #tpu.memory_space<vmem>> -> memref<3328xi32, #tpu.memory_space<vmem>>
    %dma_start3A_561 = arith.constant 0 : i32
    %dma_start3A_562 = tpu.memref_slice %arg6[%dma_start3A_561] : memref<1000000xf32, #tpu.memory_space<hbm>> -> memref<1000000xf32, #tpu.memory_space<hbm>>
    tpu.enqueue_indirect_dma source(%dma_start3A_562 : memref<1000000xf32, #tpu.memory_space<hbm>>) target(%dma_start3A_558 : memref<3328xf32, #tpu.memory_space<vmem>>) offsets(%dma_start3A_560 : memref<3328xi32, #tpu.memory_space<vmem>>) semaphore(%arg23 : memref<!tpu.dma_semaphore, #tpu.memory_space<semaphore_mem>>)
    %dma_start3A_563 = arith.constant 4 : i32
    %dma_start3A_564 = arith.constant 0 : i32
    %dma_start3A_565 = tpu.memref_slice %arg21[%dma_start3A_563, %dma_start3A_564] : memref<16x3328xf32, #tpu.memory_space<vmem>> -> memref<1x3328xf32, #tpu.memory_space<vmem>>
    %dma_start3A_566 = tpu.memref_squeeze %dma_start3A_565 : memref<1x3328xf32, #tpu.memory_space<vmem>> -> memref<3328xf32, #tpu.memory_space<vmem>>
    %dma_start3A_567 = arith.constant 6656 : i32
    %dma_start3A_568 = tpu.memref_slice %arg20[%dma_start3A_567] : memref<13312xi32, #tpu.memory_space<vmem>> -> memref<3328xi32, #tpu.memory_space<vmem>>
    %dma_start3A_569 = arith.constant 0 : i32
    %dma_start3A_570 = tpu.memref_slice %arg7[%dma_start3A_569] : memref<1000000xf32, #tpu.memory_space<hbm>> -> memref<1000000xf32, #tpu.memory_space<hbm>>
    tpu.enqueue_indirect_dma source(%dma_start3A_570 : memref<1000000xf32, #tpu.memory_space<hbm>>) target(%dma_start3A_566 : memref<3328xf32, #tpu.memory_space<vmem>>) offsets(%dma_start3A_568 : memref<3328xi32, #tpu.memory_space<vmem>>) semaphore(%arg23 : memref<!tpu.dma_semaphore, #tpu.memory_space<semaphore_mem>>)
    %dma_start3A_571 = arith.constant 5 : i32
    %dma_start3A_572 = arith.constant 0 : i32
    %dma_start3A_573 = tpu.memref_slice %arg21[%dma_start3A_571, %dma_start3A_572] : memref<16x3328xf32, #tpu.memory_space<vmem>> -> memref<1x3328xf32, #tpu.memory_space<vmem>>
    %dma_start3A_574 = tpu.memref_squeeze %dma_start3A_573 : memref<1x3328xf32, #tpu.memory_space<vmem>> -> memref<3328xf32, #tpu.memory_space<vmem>>
    %dma_start3A_575 = arith.constant 6656 : i32
    %dma_start3A_576 = tpu.memref_slice %arg20[%dma_start3A_575] : memref<13312xi32, #tpu.memory_space<vmem>> -> memref<3328xi32, #tpu.memory_space<vmem>>
    %dma_start3A_577 = arith.constant 0 : i32
    %dma_start3A_578 = tpu.memref_slice %arg8[%dma_start3A_577] : memref<1000000xf32, #tpu.memory_space<hbm>> -> memref<1000000xf32, #tpu.memory_space<hbm>>
    tpu.enqueue_indirect_dma source(%dma_start3A_578 : memref<1000000xf32, #tpu.memory_space<hbm>>) target(%dma_start3A_574 : memref<3328xf32, #tpu.memory_space<vmem>>) offsets(%dma_start3A_576 : memref<3328xi32, #tpu.memory_space<vmem>>) semaphore(%arg23 : memref<!tpu.dma_semaphore, #tpu.memory_space<semaphore_mem>>)
    %dma_start3A_579 = arith.constant 6 : i32
    %dma_start3A_580 = arith.constant 0 : i32
    %dma_start3A_581 = tpu.memref_slice %arg21[%dma_start3A_579, %dma_start3A_580] : memref<16x3328xf32, #tpu.memory_space<vmem>> -> memref<1x3328xf32, #tpu.memory_space<vmem>>
    %dma_start3A_582 = tpu.memref_squeeze %dma_start3A_581 : memref<1x3328xf32, #tpu.memory_space<vmem>> -> memref<3328xf32, #tpu.memory_space<vmem>>
    %dma_start3A_583 = arith.constant 6656 : i32
    %dma_start3A_584 = tpu.memref_slice %arg20[%dma_start3A_583] : memref<13312xi32, #tpu.memory_space<vmem>> -> memref<3328xi32, #tpu.memory_space<vmem>>
    %dma_start3A_585 = arith.constant 0 : i32
    %dma_start3A_586 = tpu.memref_slice %arg9[%dma_start3A_585] : memref<1000000xf32, #tpu.memory_space<hbm>> -> memref<1000000xf32, #tpu.memory_space<hbm>>
    tpu.enqueue_indirect_dma source(%dma_start3A_586 : memref<1000000xf32, #tpu.memory_space<hbm>>) target(%dma_start3A_582 : memref<3328xf32, #tpu.memory_space<vmem>>) offsets(%dma_start3A_584 : memref<3328xi32, #tpu.memory_space<vmem>>) semaphore(%arg23 : memref<!tpu.dma_semaphore, #tpu.memory_space<semaphore_mem>>)
    %dma_start3A_587 = arith.constant 7 : i32
    %dma_start3A_588 = arith.constant 0 : i32
    %dma_start3A_589 = tpu.memref_slice %arg21[%dma_start3A_587, %dma_start3A_588] : memref<16x3328xf32, #tpu.memory_space<vmem>> -> memref<1x3328xf32, #tpu.memory_space<vmem>>
    %dma_start3A_590 = tpu.memref_squeeze %dma_start3A_589 : memref<1x3328xf32, #tpu.memory_space<vmem>> -> memref<3328xf32, #tpu.memory_space<vmem>>
    %dma_start3A_591 = arith.constant 6656 : i32
    %dma_start3A_592 = tpu.memref_slice %arg20[%dma_start3A_591] : memref<13312xi32, #tpu.memory_space<vmem>> -> memref<3328xi32, #tpu.memory_space<vmem>>
    %dma_start3A_593 = arith.constant 0 : i32
    %dma_start3A_594 = tpu.memref_slice %arg10[%dma_start3A_593] : memref<1000000xf32, #tpu.memory_space<hbm>> -> memref<1000000xf32, #tpu.memory_space<hbm>>
    tpu.enqueue_indirect_dma source(%dma_start3A_594 : memref<1000000xf32, #tpu.memory_space<hbm>>) target(%dma_start3A_590 : memref<3328xf32, #tpu.memory_space<vmem>>) offsets(%dma_start3A_592 : memref<3328xi32, #tpu.memory_space<vmem>>) semaphore(%arg23 : memref<!tpu.dma_semaphore, #tpu.memory_space<semaphore_mem>>)
    %dma_start3A_595 = arith.constant 8 : i32
    %dma_start3A_596 = arith.constant 0 : i32
    %dma_start3A_597 = tpu.memref_slice %arg21[%dma_start3A_595, %dma_start3A_596] : memref<16x3328xf32, #tpu.memory_space<vmem>> -> memref<1x3328xf32, #tpu.memory_space<vmem>>
    %dma_start3A_598 = tpu.memref_squeeze %dma_start3A_597 : memref<1x3328xf32, #tpu.memory_space<vmem>> -> memref<3328xf32, #tpu.memory_space<vmem>>
    %dma_start3A_599 = arith.constant 6656 : i32
    %dma_start3A_600 = tpu.memref_slice %arg20[%dma_start3A_599] : memref<13312xi32, #tpu.memory_space<vmem>> -> memref<3328xi32, #tpu.memory_space<vmem>>
    %dma_start3A_601 = arith.constant 0 : i32
    %dma_start3A_602 = tpu.memref_slice %arg11[%dma_start3A_601] : memref<1000000xf32, #tpu.memory_space<hbm>> -> memref<1000000xf32, #tpu.memory_space<hbm>>
    tpu.enqueue_indirect_dma source(%dma_start3A_602 : memref<1000000xf32, #tpu.memory_space<hbm>>) target(%dma_start3A_598 : memref<3328xf32, #tpu.memory_space<vmem>>) offsets(%dma_start3A_600 : memref<3328xi32, #tpu.memory_space<vmem>>) semaphore(%arg23 : memref<!tpu.dma_semaphore, #tpu.memory_space<semaphore_mem>>)
    %dma_start3A_603 = arith.constant 9 : i32
    %dma_start3A_604 = arith.constant 0 : i32
    %dma_start3A_605 = tpu.memref_slice %arg21[%dma_start3A_603, %dma_start3A_604] : memref<16x3328xf32, #tpu.memory_space<vmem>> -> memref<1x3328xf32, #tpu.memory_space<vmem>>
    %dma_start3A_606 = tpu.memref_squeeze %dma_start3A_605 : memref<1x3328xf32, #tpu.memory_space<vmem>> -> memref<3328xf32, #tpu.memory_space<vmem>>
    %dma_start3A_607 = arith.constant 6656 : i32
    %dma_start3A_608 = tpu.memref_slice %arg20[%dma_start3A_607] : memref<13312xi32, #tpu.memory_space<vmem>> -> memref<3328xi32, #tpu.memory_space<vmem>>
    %dma_start3A_609 = arith.constant 0 : i32
    %dma_start3A_610 = tpu.memref_slice %arg12[%dma_start3A_609] : memref<1000000xf32, #tpu.memory_space<hbm>> -> memref<1000000xf32, #tpu.memory_space<hbm>>
    tpu.enqueue_indirect_dma source(%dma_start3A_610 : memref<1000000xf32, #tpu.memory_space<hbm>>) target(%dma_start3A_606 : memref<3328xf32, #tpu.memory_space<vmem>>) offsets(%dma_start3A_608 : memref<3328xi32, #tpu.memory_space<vmem>>) semaphore(%arg23 : memref<!tpu.dma_semaphore, #tpu.memory_space<semaphore_mem>>)
    %dma_start3A_611 = arith.constant 10 : i32
    %dma_start3A_612 = arith.constant 0 : i32
    %dma_start3A_613 = tpu.memref_slice %arg21[%dma_start3A_611, %dma_start3A_612] : memref<16x3328xf32, #tpu.memory_space<vmem>> -> memref<1x3328xf32, #tpu.memory_space<vmem>>
    %dma_start3A_614 = tpu.memref_squeeze %dma_start3A_613 : memref<1x3328xf32, #tpu.memory_space<vmem>> -> memref<3328xf32, #tpu.memory_space<vmem>>
    %dma_start3A_615 = arith.constant 6656 : i32
    %dma_start3A_616 = tpu.memref_slice %arg20[%dma_start3A_615] : memref<13312xi32, #tpu.memory_space<vmem>> -> memref<3328xi32, #tpu.memory_space<vmem>>
    %dma_start3A_617 = arith.constant 0 : i32
    %dma_start3A_618 = tpu.memref_slice %arg13[%dma_start3A_617] : memref<1000000xf32, #tpu.memory_space<hbm>> -> memref<1000000xf32, #tpu.memory_space<hbm>>
    tpu.enqueue_indirect_dma source(%dma_start3A_618 : memref<1000000xf32, #tpu.memory_space<hbm>>) target(%dma_start3A_614 : memref<3328xf32, #tpu.memory_space<vmem>>) offsets(%dma_start3A_616 : memref<3328xi32, #tpu.memory_space<vmem>>) semaphore(%arg23 : memref<!tpu.dma_semaphore, #tpu.memory_space<semaphore_mem>>)
    %dma_start3A_619 = arith.constant 11 : i32
    %dma_start3A_620 = arith.constant 0 : i32
    %dma_start3A_621 = tpu.memref_slice %arg21[%dma_start3A_619, %dma_start3A_620] : memref<16x3328xf32, #tpu.memory_space<vmem>> -> memref<1x3328xf32, #tpu.memory_space<vmem>>
    %dma_start3A_622 = tpu.memref_squeeze %dma_start3A_621 : memref<1x3328xf32, #tpu.memory_space<vmem>> -> memref<3328xf32, #tpu.memory_space<vmem>>
    %dma_start3A_623 = arith.constant 6656 : i32
    %dma_start3A_624 = tpu.memref_slice %arg20[%dma_start3A_623] : memref<13312xi32, #tpu.memory_space<vmem>> -> memref<3328xi32, #tpu.memory_space<vmem>>
    %dma_start3A_625 = arith.constant 0 : i32
    %dma_start3A_626 = tpu.memref_slice %arg14[%dma_start3A_625] : memref<1000000xf32, #tpu.memory_space<hbm>> -> memref<1000000xf32, #tpu.memory_space<hbm>>
    tpu.enqueue_indirect_dma source(%dma_start3A_626 : memref<1000000xf32, #tpu.memory_space<hbm>>) target(%dma_start3A_622 : memref<3328xf32, #tpu.memory_space<vmem>>) offsets(%dma_start3A_624 : memref<3328xi32, #tpu.memory_space<vmem>>) semaphore(%arg23 : memref<!tpu.dma_semaphore, #tpu.memory_space<semaphore_mem>>)
    %dma_start3A_627 = arith.constant 12 : i32
    %dma_start3A_628 = arith.constant 0 : i32
    %dma_start3A_629 = tpu.memref_slice %arg21[%dma_start3A_627, %dma_start3A_628] : memref<16x3328xf32, #tpu.memory_space<vmem>> -> memref<1x3328xf32, #tpu.memory_space<vmem>>
    %dma_start3A_630 = tpu.memref_squeeze %dma_start3A_629 : memref<1x3328xf32, #tpu.memory_space<vmem>> -> memref<3328xf32, #tpu.memory_space<vmem>>
    %dma_start3A_631 = arith.constant 6656 : i32
    %dma_start3A_632 = tpu.memref_slice %arg20[%dma_start3A_631] : memref<13312xi32, #tpu.memory_space<vmem>> -> memref<3328xi32, #tpu.memory_space<vmem>>
    %dma_start3A_633 = arith.constant 0 : i32
    %dma_start3A_634 = tpu.memref_slice %arg15[%dma_start3A_633] : memref<1000000xf32, #tpu.memory_space<hbm>> -> memref<1000000xf32, #tpu.memory_space<hbm>>
    tpu.enqueue_indirect_dma source(%dma_start3A_634 : memref<1000000xf32, #tpu.memory_space<hbm>>) target(%dma_start3A_630 : memref<3328xf32, #tpu.memory_space<vmem>>) offsets(%dma_start3A_632 : memref<3328xi32, #tpu.memory_space<vmem>>) semaphore(%arg23 : memref<!tpu.dma_semaphore, #tpu.memory_space<semaphore_mem>>)
    %dma_start3A_635 = arith.constant 13 : i32
    %dma_start3A_636 = arith.constant 0 : i32
    %dma_start3A_637 = tpu.memref_slice %arg21[%dma_start3A_635, %dma_start3A_636] : memref<16x3328xf32, #tpu.memory_space<vmem>> -> memref<1x3328xf32, #tpu.memory_space<vmem>>
    %dma_start3A_638 = tpu.memref_squeeze %dma_start3A_637 : memref<1x3328xf32, #tpu.memory_space<vmem>> -> memref<3328xf32, #tpu.memory_space<vmem>>
    %dma_start3A_639 = arith.constant 6656 : i32
    %dma_start3A_640 = tpu.memref_slice %arg20[%dma_start3A_639] : memref<13312xi32, #tpu.memory_space<vmem>> -> memref<3328xi32, #tpu.memory_space<vmem>>
    %dma_start3A_641 = arith.constant 0 : i32
    %dma_start3A_642 = tpu.memref_slice %arg16[%dma_start3A_641] : memref<1000000xf32, #tpu.memory_space<hbm>> -> memref<1000000xf32, #tpu.memory_space<hbm>>
    tpu.enqueue_indirect_dma source(%dma_start3A_642 : memref<1000000xf32, #tpu.memory_space<hbm>>) target(%dma_start3A_638 : memref<3328xf32, #tpu.memory_space<vmem>>) offsets(%dma_start3A_640 : memref<3328xi32, #tpu.memory_space<vmem>>) semaphore(%arg23 : memref<!tpu.dma_semaphore, #tpu.memory_space<semaphore_mem>>)
    %dma_start3A_643 = arith.constant 14 : i32
    %dma_start3A_644 = arith.constant 0 : i32
    %dma_start3A_645 = tpu.memref_slice %arg21[%dma_start3A_643, %dma_start3A_644] : memref<16x3328xf32, #tpu.memory_space<vmem>> -> memref<1x3328xf32, #tpu.memory_space<vmem>>
    %dma_start3A_646 = tpu.memref_squeeze %dma_start3A_645 : memref<1x3328xf32, #tpu.memory_space<vmem>> -> memref<3328xf32, #tpu.memory_space<vmem>>
    %dma_start3A_647 = arith.constant 6656 : i32
    %dma_start3A_648 = tpu.memref_slice %arg20[%dma_start3A_647] : memref<13312xi32, #tpu.memory_space<vmem>> -> memref<3328xi32, #tpu.memory_space<vmem>>
    %dma_start3A_649 = arith.constant 0 : i32
    %dma_start3A_650 = tpu.memref_slice %arg17[%dma_start3A_649] : memref<1000000xf32, #tpu.memory_space<hbm>> -> memref<1000000xf32, #tpu.memory_space<hbm>>
    tpu.enqueue_indirect_dma source(%dma_start3A_650 : memref<1000000xf32, #tpu.memory_space<hbm>>) target(%dma_start3A_646 : memref<3328xf32, #tpu.memory_space<vmem>>) offsets(%dma_start3A_648 : memref<3328xi32, #tpu.memory_space<vmem>>) semaphore(%arg23 : memref<!tpu.dma_semaphore, #tpu.memory_space<semaphore_mem>>)
    %dma_start3A_651 = arith.constant 15 : i32
    %dma_start3A_652 = arith.constant 0 : i32
    %dma_start3A_653 = tpu.memref_slice %arg21[%dma_start3A_651, %dma_start3A_652] : memref<16x3328xf32, #tpu.memory_space<vmem>> -> memref<1x3328xf32, #tpu.memory_space<vmem>>
    %dma_start3A_654 = tpu.memref_squeeze %dma_start3A_653 : memref<1x3328xf32, #tpu.memory_space<vmem>> -> memref<3328xf32, #tpu.memory_space<vmem>>
    %dma_start3A_655 = arith.constant 6656 : i32
    %dma_start3A_656 = tpu.memref_slice %arg20[%dma_start3A_655] : memref<13312xi32, #tpu.memory_space<vmem>> -> memref<3328xi32, #tpu.memory_space<vmem>>
    %dma_start3A_657 = arith.constant 0 : i32
    %dma_start3A_658 = tpu.memref_slice %arg18[%dma_start3A_657] : memref<1000000xf32, #tpu.memory_space<hbm>> -> memref<1000000xf32, #tpu.memory_space<hbm>>
    tpu.enqueue_indirect_dma source(%dma_start3A_658 : memref<1000000xf32, #tpu.memory_space<hbm>>) target(%dma_start3A_654 : memref<3328xf32, #tpu.memory_space<vmem>>) offsets(%dma_start3A_656 : memref<3328xi32, #tpu.memory_space<vmem>>) semaphore(%arg23 : memref<!tpu.dma_semaphore, #tpu.memory_space<semaphore_mem>>)
    %dma_wait3A_659 = arith.constant 0 : i32
    %dma_wait3A_660 = arith.constant 0 : i32
    %dma_wait3A_661 = tpu.memref_slice %arg21[%dma_wait3A_659, %dma_wait3A_660] : memref<16x3328xf32, #tpu.memory_space<vmem>> -> memref<1x3328xf32, #tpu.memory_space<vmem>>
    %dma_wait3A_662 = tpu.memref_squeeze %dma_wait3A_661 : memref<1x3328xf32, #tpu.memory_space<vmem>> -> memref<3328xf32, #tpu.memory_space<vmem>>
    %dma_wait3A_663 = arith.constant 6656 : i32
    %dma_wait3A_664 = tpu.memref_slice %arg20[%dma_wait3A_663] : memref<13312xi32, #tpu.memory_space<vmem>> -> memref<3328xi32, #tpu.memory_space<vmem>>
    %dma_wait3A_665 = arith.constant 0 : i32
    %dma_wait3A_666 = tpu.memref_slice %arg3[%dma_wait3A_665] : memref<1000000xf32, #tpu.memory_space<hbm>> -> memref<1000000xf32, #tpu.memory_space<hbm>>
    tpu.wait_indirect_dma semaphore(%arg23 : memref<!tpu.dma_semaphore, #tpu.memory_space<semaphore_mem>>) src(%dma_wait3A_666 : memref<1000000xf32, #tpu.memory_space<hbm>>) dst(%dma_wait3A_662 : memref<3328xf32, #tpu.memory_space<vmem>>)
    %dma_wait3A_667 = arith.constant 1 : i32
    %dma_wait3A_668 = arith.constant 0 : i32
    %dma_wait3A_669 = tpu.memref_slice %arg21[%dma_wait3A_667, %dma_wait3A_668] : memref<16x3328xf32, #tpu.memory_space<vmem>> -> memref<1x3328xf32, #tpu.memory_space<vmem>>
    %dma_wait3A_670 = tpu.memref_squeeze %dma_wait3A_669 : memref<1x3328xf32, #tpu.memory_space<vmem>> -> memref<3328xf32, #tpu.memory_space<vmem>>
    %dma_wait3A_671 = arith.constant 6656 : i32
    %dma_wait3A_672 = tpu.memref_slice %arg20[%dma_wait3A_671] : memref<13312xi32, #tpu.memory_space<vmem>> -> memref<3328xi32, #tpu.memory_space<vmem>>
    %dma_wait3A_673 = arith.constant 0 : i32
    %dma_wait3A_674 = tpu.memref_slice %arg4[%dma_wait3A_673] : memref<1000000xf32, #tpu.memory_space<hbm>> -> memref<1000000xf32, #tpu.memory_space<hbm>>
    tpu.wait_indirect_dma semaphore(%arg23 : memref<!tpu.dma_semaphore, #tpu.memory_space<semaphore_mem>>) src(%dma_wait3A_674 : memref<1000000xf32, #tpu.memory_space<hbm>>) dst(%dma_wait3A_670 : memref<3328xf32, #tpu.memory_space<vmem>>)
    %dma_wait3A_675 = arith.constant 2 : i32
    %dma_wait3A_676 = arith.constant 0 : i32
    %dma_wait3A_677 = tpu.memref_slice %arg21[%dma_wait3A_675, %dma_wait3A_676] : memref<16x3328xf32, #tpu.memory_space<vmem>> -> memref<1x3328xf32, #tpu.memory_space<vmem>>
    %dma_wait3A_678 = tpu.memref_squeeze %dma_wait3A_677 : memref<1x3328xf32, #tpu.memory_space<vmem>> -> memref<3328xf32, #tpu.memory_space<vmem>>
    %dma_wait3A_679 = arith.constant 6656 : i32
    %dma_wait3A_680 = tpu.memref_slice %arg20[%dma_wait3A_679] : memref<13312xi32, #tpu.memory_space<vmem>> -> memref<3328xi32, #tpu.memory_space<vmem>>
    %dma_wait3A_681 = arith.constant 0 : i32
    %dma_wait3A_682 = tpu.memref_slice %arg5[%dma_wait3A_681] : memref<1000000xf32, #tpu.memory_space<hbm>> -> memref<1000000xf32, #tpu.memory_space<hbm>>
    tpu.wait_indirect_dma semaphore(%arg23 : memref<!tpu.dma_semaphore, #tpu.memory_space<semaphore_mem>>) src(%dma_wait3A_682 : memref<1000000xf32, #tpu.memory_space<hbm>>) dst(%dma_wait3A_678 : memref<3328xf32, #tpu.memory_space<vmem>>)
    %dma_wait3A_683 = arith.constant 3 : i32
    %dma_wait3A_684 = arith.constant 0 : i32
    %dma_wait3A_685 = tpu.memref_slice %arg21[%dma_wait3A_683, %dma_wait3A_684] : memref<16x3328xf32, #tpu.memory_space<vmem>> -> memref<1x3328xf32, #tpu.memory_space<vmem>>
    %dma_wait3A_686 = tpu.memref_squeeze %dma_wait3A_685 : memref<1x3328xf32, #tpu.memory_space<vmem>> -> memref<3328xf32, #tpu.memory_space<vmem>>
    %dma_wait3A_687 = arith.constant 6656 : i32
    %dma_wait3A_688 = tpu.memref_slice %arg20[%dma_wait3A_687] : memref<13312xi32, #tpu.memory_space<vmem>> -> memref<3328xi32, #tpu.memory_space<vmem>>
    %dma_wait3A_689 = arith.constant 0 : i32
    %dma_wait3A_690 = tpu.memref_slice %arg6[%dma_wait3A_689] : memref<1000000xf32, #tpu.memory_space<hbm>> -> memref<1000000xf32, #tpu.memory_space<hbm>>
    tpu.wait_indirect_dma semaphore(%arg23 : memref<!tpu.dma_semaphore, #tpu.memory_space<semaphore_mem>>) src(%dma_wait3A_690 : memref<1000000xf32, #tpu.memory_space<hbm>>) dst(%dma_wait3A_686 : memref<3328xf32, #tpu.memory_space<vmem>>)
    %dma_wait3A_691 = arith.constant 4 : i32
    %dma_wait3A_692 = arith.constant 0 : i32
    %dma_wait3A_693 = tpu.memref_slice %arg21[%dma_wait3A_691, %dma_wait3A_692] : memref<16x3328xf32, #tpu.memory_space<vmem>> -> memref<1x3328xf32, #tpu.memory_space<vmem>>
    %dma_wait3A_694 = tpu.memref_squeeze %dma_wait3A_693 : memref<1x3328xf32, #tpu.memory_space<vmem>> -> memref<3328xf32, #tpu.memory_space<vmem>>
    %dma_wait3A_695 = arith.constant 6656 : i32
    %dma_wait3A_696 = tpu.memref_slice %arg20[%dma_wait3A_695] : memref<13312xi32, #tpu.memory_space<vmem>> -> memref<3328xi32, #tpu.memory_space<vmem>>
    %dma_wait3A_697 = arith.constant 0 : i32
    %dma_wait3A_698 = tpu.memref_slice %arg7[%dma_wait3A_697] : memref<1000000xf32, #tpu.memory_space<hbm>> -> memref<1000000xf32, #tpu.memory_space<hbm>>
    tpu.wait_indirect_dma semaphore(%arg23 : memref<!tpu.dma_semaphore, #tpu.memory_space<semaphore_mem>>) src(%dma_wait3A_698 : memref<1000000xf32, #tpu.memory_space<hbm>>) dst(%dma_wait3A_694 : memref<3328xf32, #tpu.memory_space<vmem>>)
    %dma_wait3A_699 = arith.constant 5 : i32
    %dma_wait3A_700 = arith.constant 0 : i32
    %dma_wait3A_701 = tpu.memref_slice %arg21[%dma_wait3A_699, %dma_wait3A_700] : memref<16x3328xf32, #tpu.memory_space<vmem>> -> memref<1x3328xf32, #tpu.memory_space<vmem>>
    %dma_wait3A_702 = tpu.memref_squeeze %dma_wait3A_701 : memref<1x3328xf32, #tpu.memory_space<vmem>> -> memref<3328xf32, #tpu.memory_space<vmem>>
    %dma_wait3A_703 = arith.constant 6656 : i32
    %dma_wait3A_704 = tpu.memref_slice %arg20[%dma_wait3A_703] : memref<13312xi32, #tpu.memory_space<vmem>> -> memref<3328xi32, #tpu.memory_space<vmem>>
    %dma_wait3A_705 = arith.constant 0 : i32
    %dma_wait3A_706 = tpu.memref_slice %arg8[%dma_wait3A_705] : memref<1000000xf32, #tpu.memory_space<hbm>> -> memref<1000000xf32, #tpu.memory_space<hbm>>
    tpu.wait_indirect_dma semaphore(%arg23 : memref<!tpu.dma_semaphore, #tpu.memory_space<semaphore_mem>>) src(%dma_wait3A_706 : memref<1000000xf32, #tpu.memory_space<hbm>>) dst(%dma_wait3A_702 : memref<3328xf32, #tpu.memory_space<vmem>>)
    %dma_wait3A_707 = arith.constant 6 : i32
    %dma_wait3A_708 = arith.constant 0 : i32
    %dma_wait3A_709 = tpu.memref_slice %arg21[%dma_wait3A_707, %dma_wait3A_708] : memref<16x3328xf32, #tpu.memory_space<vmem>> -> memref<1x3328xf32, #tpu.memory_space<vmem>>
    %dma_wait3A_710 = tpu.memref_squeeze %dma_wait3A_709 : memref<1x3328xf32, #tpu.memory_space<vmem>> -> memref<3328xf32, #tpu.memory_space<vmem>>
    %dma_wait3A_711 = arith.constant 6656 : i32
    %dma_wait3A_712 = tpu.memref_slice %arg20[%dma_wait3A_711] : memref<13312xi32, #tpu.memory_space<vmem>> -> memref<3328xi32, #tpu.memory_space<vmem>>
    %dma_wait3A_713 = arith.constant 0 : i32
    %dma_wait3A_714 = tpu.memref_slice %arg9[%dma_wait3A_713] : memref<1000000xf32, #tpu.memory_space<hbm>> -> memref<1000000xf32, #tpu.memory_space<hbm>>
    tpu.wait_indirect_dma semaphore(%arg23 : memref<!tpu.dma_semaphore, #tpu.memory_space<semaphore_mem>>) src(%dma_wait3A_714 : memref<1000000xf32, #tpu.memory_space<hbm>>) dst(%dma_wait3A_710 : memref<3328xf32, #tpu.memory_space<vmem>>)
    %dma_wait3A_715 = arith.constant 7 : i32
    %dma_wait3A_716 = arith.constant 0 : i32
    %dma_wait3A_717 = tpu.memref_slice %arg21[%dma_wait3A_715, %dma_wait3A_716] : memref<16x3328xf32, #tpu.memory_space<vmem>> -> memref<1x3328xf32, #tpu.memory_space<vmem>>
    %dma_wait3A_718 = tpu.memref_squeeze %dma_wait3A_717 : memref<1x3328xf32, #tpu.memory_space<vmem>> -> memref<3328xf32, #tpu.memory_space<vmem>>
    %dma_wait3A_719 = arith.constant 6656 : i32
    %dma_wait3A_720 = tpu.memref_slice %arg20[%dma_wait3A_719] : memref<13312xi32, #tpu.memory_space<vmem>> -> memref<3328xi32, #tpu.memory_space<vmem>>
    %dma_wait3A_721 = arith.constant 0 : i32
    %dma_wait3A_722 = tpu.memref_slice %arg10[%dma_wait3A_721] : memref<1000000xf32, #tpu.memory_space<hbm>> -> memref<1000000xf32, #tpu.memory_space<hbm>>
    tpu.wait_indirect_dma semaphore(%arg23 : memref<!tpu.dma_semaphore, #tpu.memory_space<semaphore_mem>>) src(%dma_wait3A_722 : memref<1000000xf32, #tpu.memory_space<hbm>>) dst(%dma_wait3A_718 : memref<3328xf32, #tpu.memory_space<vmem>>)
    %dma_wait3A_723 = arith.constant 8 : i32
    %dma_wait3A_724 = arith.constant 0 : i32
    %dma_wait3A_725 = tpu.memref_slice %arg21[%dma_wait3A_723, %dma_wait3A_724] : memref<16x3328xf32, #tpu.memory_space<vmem>> -> memref<1x3328xf32, #tpu.memory_space<vmem>>
    %dma_wait3A_726 = tpu.memref_squeeze %dma_wait3A_725 : memref<1x3328xf32, #tpu.memory_space<vmem>> -> memref<3328xf32, #tpu.memory_space<vmem>>
    %dma_wait3A_727 = arith.constant 6656 : i32
    %dma_wait3A_728 = tpu.memref_slice %arg20[%dma_wait3A_727] : memref<13312xi32, #tpu.memory_space<vmem>> -> memref<3328xi32, #tpu.memory_space<vmem>>
    %dma_wait3A_729 = arith.constant 0 : i32
    %dma_wait3A_730 = tpu.memref_slice %arg11[%dma_wait3A_729] : memref<1000000xf32, #tpu.memory_space<hbm>> -> memref<1000000xf32, #tpu.memory_space<hbm>>
    tpu.wait_indirect_dma semaphore(%arg23 : memref<!tpu.dma_semaphore, #tpu.memory_space<semaphore_mem>>) src(%dma_wait3A_730 : memref<1000000xf32, #tpu.memory_space<hbm>>) dst(%dma_wait3A_726 : memref<3328xf32, #tpu.memory_space<vmem>>)
    %dma_wait3A_731 = arith.constant 9 : i32
    %dma_wait3A_732 = arith.constant 0 : i32
    %dma_wait3A_733 = tpu.memref_slice %arg21[%dma_wait3A_731, %dma_wait3A_732] : memref<16x3328xf32, #tpu.memory_space<vmem>> -> memref<1x3328xf32, #tpu.memory_space<vmem>>
    %dma_wait3A_734 = tpu.memref_squeeze %dma_wait3A_733 : memref<1x3328xf32, #tpu.memory_space<vmem>> -> memref<3328xf32, #tpu.memory_space<vmem>>
    %dma_wait3A_735 = arith.constant 6656 : i32
    %dma_wait3A_736 = tpu.memref_slice %arg20[%dma_wait3A_735] : memref<13312xi32, #tpu.memory_space<vmem>> -> memref<3328xi32, #tpu.memory_space<vmem>>
    %dma_wait3A_737 = arith.constant 0 : i32
    %dma_wait3A_738 = tpu.memref_slice %arg12[%dma_wait3A_737] : memref<1000000xf32, #tpu.memory_space<hbm>> -> memref<1000000xf32, #tpu.memory_space<hbm>>
    tpu.wait_indirect_dma semaphore(%arg23 : memref<!tpu.dma_semaphore, #tpu.memory_space<semaphore_mem>>) src(%dma_wait3A_738 : memref<1000000xf32, #tpu.memory_space<hbm>>) dst(%dma_wait3A_734 : memref<3328xf32, #tpu.memory_space<vmem>>)
    %dma_wait3A_739 = arith.constant 10 : i32
    %dma_wait3A_740 = arith.constant 0 : i32
    %dma_wait3A_741 = tpu.memref_slice %arg21[%dma_wait3A_739, %dma_wait3A_740] : memref<16x3328xf32, #tpu.memory_space<vmem>> -> memref<1x3328xf32, #tpu.memory_space<vmem>>
    %dma_wait3A_742 = tpu.memref_squeeze %dma_wait3A_741 : memref<1x3328xf32, #tpu.memory_space<vmem>> -> memref<3328xf32, #tpu.memory_space<vmem>>
    %dma_wait3A_743 = arith.constant 6656 : i32
    %dma_wait3A_744 = tpu.memref_slice %arg20[%dma_wait3A_743] : memref<13312xi32, #tpu.memory_space<vmem>> -> memref<3328xi32, #tpu.memory_space<vmem>>
    %dma_wait3A_745 = arith.constant 0 : i32
    %dma_wait3A_746 = tpu.memref_slice %arg13[%dma_wait3A_745] : memref<1000000xf32, #tpu.memory_space<hbm>> -> memref<1000000xf32, #tpu.memory_space<hbm>>
    tpu.wait_indirect_dma semaphore(%arg23 : memref<!tpu.dma_semaphore, #tpu.memory_space<semaphore_mem>>) src(%dma_wait3A_746 : memref<1000000xf32, #tpu.memory_space<hbm>>) dst(%dma_wait3A_742 : memref<3328xf32, #tpu.memory_space<vmem>>)
    %dma_wait3A_747 = arith.constant 11 : i32
    %dma_wait3A_748 = arith.constant 0 : i32
    %dma_wait3A_749 = tpu.memref_slice %arg21[%dma_wait3A_747, %dma_wait3A_748] : memref<16x3328xf32, #tpu.memory_space<vmem>> -> memref<1x3328xf32, #tpu.memory_space<vmem>>
    %dma_wait3A_750 = tpu.memref_squeeze %dma_wait3A_749 : memref<1x3328xf32, #tpu.memory_space<vmem>> -> memref<3328xf32, #tpu.memory_space<vmem>>
    %dma_wait3A_751 = arith.constant 6656 : i32
    %dma_wait3A_752 = tpu.memref_slice %arg20[%dma_wait3A_751] : memref<13312xi32, #tpu.memory_space<vmem>> -> memref<3328xi32, #tpu.memory_space<vmem>>
    %dma_wait3A_753 = arith.constant 0 : i32
    %dma_wait3A_754 = tpu.memref_slice %arg14[%dma_wait3A_753] : memref<1000000xf32, #tpu.memory_space<hbm>> -> memref<1000000xf32, #tpu.memory_space<hbm>>
    tpu.wait_indirect_dma semaphore(%arg23 : memref<!tpu.dma_semaphore, #tpu.memory_space<semaphore_mem>>) src(%dma_wait3A_754 : memref<1000000xf32, #tpu.memory_space<hbm>>) dst(%dma_wait3A_750 : memref<3328xf32, #tpu.memory_space<vmem>>)
    %dma_wait3A_755 = arith.constant 12 : i32
    %dma_wait3A_756 = arith.constant 0 : i32
    %dma_wait3A_757 = tpu.memref_slice %arg21[%dma_wait3A_755, %dma_wait3A_756] : memref<16x3328xf32, #tpu.memory_space<vmem>> -> memref<1x3328xf32, #tpu.memory_space<vmem>>
    %dma_wait3A_758 = tpu.memref_squeeze %dma_wait3A_757 : memref<1x3328xf32, #tpu.memory_space<vmem>> -> memref<3328xf32, #tpu.memory_space<vmem>>
    %dma_wait3A_759 = arith.constant 6656 : i32
    %dma_wait3A_760 = tpu.memref_slice %arg20[%dma_wait3A_759] : memref<13312xi32, #tpu.memory_space<vmem>> -> memref<3328xi32, #tpu.memory_space<vmem>>
    %dma_wait3A_761 = arith.constant 0 : i32
    %dma_wait3A_762 = tpu.memref_slice %arg15[%dma_wait3A_761] : memref<1000000xf32, #tpu.memory_space<hbm>> -> memref<1000000xf32, #tpu.memory_space<hbm>>
    tpu.wait_indirect_dma semaphore(%arg23 : memref<!tpu.dma_semaphore, #tpu.memory_space<semaphore_mem>>) src(%dma_wait3A_762 : memref<1000000xf32, #tpu.memory_space<hbm>>) dst(%dma_wait3A_758 : memref<3328xf32, #tpu.memory_space<vmem>>)
    %dma_wait3A_763 = arith.constant 13 : i32
    %dma_wait3A_764 = arith.constant 0 : i32
    %dma_wait3A_765 = tpu.memref_slice %arg21[%dma_wait3A_763, %dma_wait3A_764] : memref<16x3328xf32, #tpu.memory_space<vmem>> -> memref<1x3328xf32, #tpu.memory_space<vmem>>
    %dma_wait3A_766 = tpu.memref_squeeze %dma_wait3A_765 : memref<1x3328xf32, #tpu.memory_space<vmem>> -> memref<3328xf32, #tpu.memory_space<vmem>>
    %dma_wait3A_767 = arith.constant 6656 : i32
    %dma_wait3A_768 = tpu.memref_slice %arg20[%dma_wait3A_767] : memref<13312xi32, #tpu.memory_space<vmem>> -> memref<3328xi32, #tpu.memory_space<vmem>>
    %dma_wait3A_769 = arith.constant 0 : i32
    %dma_wait3A_770 = tpu.memref_slice %arg16[%dma_wait3A_769] : memref<1000000xf32, #tpu.memory_space<hbm>> -> memref<1000000xf32, #tpu.memory_space<hbm>>
    tpu.wait_indirect_dma semaphore(%arg23 : memref<!tpu.dma_semaphore, #tpu.memory_space<semaphore_mem>>) src(%dma_wait3A_770 : memref<1000000xf32, #tpu.memory_space<hbm>>) dst(%dma_wait3A_766 : memref<3328xf32, #tpu.memory_space<vmem>>)
    %dma_wait3A_771 = arith.constant 14 : i32
    %dma_wait3A_772 = arith.constant 0 : i32
    %dma_wait3A_773 = tpu.memref_slice %arg21[%dma_wait3A_771, %dma_wait3A_772] : memref<16x3328xf32, #tpu.memory_space<vmem>> -> memref<1x3328xf32, #tpu.memory_space<vmem>>
    %dma_wait3A_774 = tpu.memref_squeeze %dma_wait3A_773 : memref<1x3328xf32, #tpu.memory_space<vmem>> -> memref<3328xf32, #tpu.memory_space<vmem>>
    %dma_wait3A_775 = arith.constant 6656 : i32
    %dma_wait3A_776 = tpu.memref_slice %arg20[%dma_wait3A_775] : memref<13312xi32, #tpu.memory_space<vmem>> -> memref<3328xi32, #tpu.memory_space<vmem>>
    %dma_wait3A_777 = arith.constant 0 : i32
    %dma_wait3A_778 = tpu.memref_slice %arg17[%dma_wait3A_777] : memref<1000000xf32, #tpu.memory_space<hbm>> -> memref<1000000xf32, #tpu.memory_space<hbm>>
    tpu.wait_indirect_dma semaphore(%arg23 : memref<!tpu.dma_semaphore, #tpu.memory_space<semaphore_mem>>) src(%dma_wait3A_778 : memref<1000000xf32, #tpu.memory_space<hbm>>) dst(%dma_wait3A_774 : memref<3328xf32, #tpu.memory_space<vmem>>)
    %dma_wait3A_779 = arith.constant 15 : i32
    %dma_wait3A_780 = arith.constant 0 : i32
    %dma_wait3A_781 = tpu.memref_slice %arg21[%dma_wait3A_779, %dma_wait3A_780] : memref<16x3328xf32, #tpu.memory_space<vmem>> -> memref<1x3328xf32, #tpu.memory_space<vmem>>
    %dma_wait3A_782 = tpu.memref_squeeze %dma_wait3A_781 : memref<1x3328xf32, #tpu.memory_space<vmem>> -> memref<3328xf32, #tpu.memory_space<vmem>>
    %dma_wait3A_783 = arith.constant 6656 : i32
    %dma_wait3A_784 = tpu.memref_slice %arg20[%dma_wait3A_783] : memref<13312xi32, #tpu.memory_space<vmem>> -> memref<3328xi32, #tpu.memory_space<vmem>>
    %dma_wait3A_785 = arith.constant 0 : i32
    %dma_wait3A_786 = tpu.memref_slice %arg18[%dma_wait3A_785] : memref<1000000xf32, #tpu.memory_space<hbm>> -> memref<1000000xf32, #tpu.memory_space<hbm>>
    tpu.wait_indirect_dma semaphore(%arg23 : memref<!tpu.dma_semaphore, #tpu.memory_space<semaphore_mem>>) src(%dma_wait3A_786 : memref<1000000xf32, #tpu.memory_space<hbm>>) dst(%dma_wait3A_782 : memref<3328xf32, #tpu.memory_space<vmem>>)
    %add3A_787 = arith.constant 6656 : i32
    %add3A_788 = arith.addi %mul3A_2, %add3A_787 : i32
    %dma_start3A_789 = arith.constant 0 : i32
    %dma_start3A_790 = tpu.memref_slice %arg19[%dma_start3A_789, %add3A_788] : memref<16x425984xf32, #tpu.memory_space<hbm>> -> memref<16x3328xf32, #tpu.memory_space<hbm>>
    %dma_start3A_791 = arith.constant 0 : i32
    %dma_start3A_792 = tpu.memref_slice %arg19[%dma_start3A_791, %add3A_788] : memref<16x425984xf32, #tpu.memory_space<hbm>> -> memref<16x3328xf32, #tpu.memory_space<hbm>>
    tpu.enqueue_dma source(%arg21 : memref<16x3328xf32, #tpu.memory_space<vmem>>) target(%dma_start3A_792 : memref<16x3328xf32, #tpu.memory_space<hbm>>) target_semaphore(%arg25 : memref<!tpu.dma_semaphore, #tpu.memory_space<semaphore_mem>>)
    %add3A_793 = arith.constant 3328 : i32
    %add3A_794 = arith.addi %mul3A_2, %add3A_793 : i32
    %dma_wait3A_795 = arith.constant 0 : i32
    %dma_wait3A_796 = tpu.memref_slice %arg19[%dma_wait3A_795, %add3A_794] : memref<16x425984xf32, #tpu.memory_space<hbm>> -> memref<16x3328xf32, #tpu.memory_space<hbm>>
    %dma_wait3A_797 = arith.constant 0 : i32
    %dma_wait3A_798 = tpu.memref_slice %arg19[%dma_wait3A_797, %add3A_794] : memref<16x425984xf32, #tpu.memory_space<hbm>> -> memref<16x3328xf32, #tpu.memory_space<hbm>>
    tpu.wait_dma2 semaphore(%arg26 : memref<!tpu.dma_semaphore, #tpu.memory_space<semaphore_mem>>) src(%arg22 : memref<16x3328xf32, #tpu.memory_space<vmem>>) dst(%dma_wait3A_798 : memref<16x3328xf32, #tpu.memory_space<hbm>>)
    %dma_start3A_799 = arith.constant 0 : i32
    %dma_start3A_800 = arith.constant 0 : i32
    %dma_start3A_801 = tpu.memref_slice %arg22[%dma_start3A_799, %dma_start3A_800] : memref<16x3328xf32, #tpu.memory_space<vmem>> -> memref<1x3328xf32, #tpu.memory_space<vmem>>
    %dma_start3A_802 = tpu.memref_squeeze %dma_start3A_801 : memref<1x3328xf32, #tpu.memory_space<vmem>> -> memref<3328xf32, #tpu.memory_space<vmem>>
    %dma_start3A_803 = arith.constant 9984 : i32
    %dma_start3A_804 = tpu.memref_slice %arg20[%dma_start3A_803] : memref<13312xi32, #tpu.memory_space<vmem>> -> memref<3328xi32, #tpu.memory_space<vmem>>
    %dma_start3A_805 = arith.constant 0 : i32
    %dma_start3A_806 = tpu.memref_slice %arg3[%dma_start3A_805] : memref<1000000xf32, #tpu.memory_space<hbm>> -> memref<1000000xf32, #tpu.memory_space<hbm>>
    tpu.enqueue_indirect_dma source(%dma_start3A_806 : memref<1000000xf32, #tpu.memory_space<hbm>>) target(%dma_start3A_802 : memref<3328xf32, #tpu.memory_space<vmem>>) offsets(%dma_start3A_804 : memref<3328xi32, #tpu.memory_space<vmem>>) semaphore(%arg24 : memref<!tpu.dma_semaphore, #tpu.memory_space<semaphore_mem>>)
    %dma_start3A_807 = arith.constant 1 : i32
    %dma_start3A_808 = arith.constant 0 : i32
    %dma_start3A_809 = tpu.memref_slice %arg22[%dma_start3A_807, %dma_start3A_808] : memref<16x3328xf32, #tpu.memory_space<vmem>> -> memref<1x3328xf32, #tpu.memory_space<vmem>>
    %dma_start3A_810 = tpu.memref_squeeze %dma_start3A_809 : memref<1x3328xf32, #tpu.memory_space<vmem>> -> memref<3328xf32, #tpu.memory_space<vmem>>
    %dma_start3A_811 = arith.constant 9984 : i32
    %dma_start3A_812 = tpu.memref_slice %arg20[%dma_start3A_811] : memref<13312xi32, #tpu.memory_space<vmem>> -> memref<3328xi32, #tpu.memory_space<vmem>>
    %dma_start3A_813 = arith.constant 0 : i32
    %dma_start3A_814 = tpu.memref_slice %arg4[%dma_start3A_813] : memref<1000000xf32, #tpu.memory_space<hbm>> -> memref<1000000xf32, #tpu.memory_space<hbm>>
    tpu.enqueue_indirect_dma source(%dma_start3A_814 : memref<1000000xf32, #tpu.memory_space<hbm>>) target(%dma_start3A_810 : memref<3328xf32, #tpu.memory_space<vmem>>) offsets(%dma_start3A_812 : memref<3328xi32, #tpu.memory_space<vmem>>) semaphore(%arg24 : memref<!tpu.dma_semaphore, #tpu.memory_space<semaphore_mem>>)
    %dma_start3A_815 = arith.constant 2 : i32
    %dma_start3A_816 = arith.constant 0 : i32
    %dma_start3A_817 = tpu.memref_slice %arg22[%dma_start3A_815, %dma_start3A_816] : memref<16x3328xf32, #tpu.memory_space<vmem>> -> memref<1x3328xf32, #tpu.memory_space<vmem>>
    %dma_start3A_818 = tpu.memref_squeeze %dma_start3A_817 : memref<1x3328xf32, #tpu.memory_space<vmem>> -> memref<3328xf32, #tpu.memory_space<vmem>>
    %dma_start3A_819 = arith.constant 9984 : i32
    %dma_start3A_820 = tpu.memref_slice %arg20[%dma_start3A_819] : memref<13312xi32, #tpu.memory_space<vmem>> -> memref<3328xi32, #tpu.memory_space<vmem>>
    %dma_start3A_821 = arith.constant 0 : i32
    %dma_start3A_822 = tpu.memref_slice %arg5[%dma_start3A_821] : memref<1000000xf32, #tpu.memory_space<hbm>> -> memref<1000000xf32, #tpu.memory_space<hbm>>
    tpu.enqueue_indirect_dma source(%dma_start3A_822 : memref<1000000xf32, #tpu.memory_space<hbm>>) target(%dma_start3A_818 : memref<3328xf32, #tpu.memory_space<vmem>>) offsets(%dma_start3A_820 : memref<3328xi32, #tpu.memory_space<vmem>>) semaphore(%arg24 : memref<!tpu.dma_semaphore, #tpu.memory_space<semaphore_mem>>)
    %dma_start3A_823 = arith.constant 3 : i32
    %dma_start3A_824 = arith.constant 0 : i32
    %dma_start3A_825 = tpu.memref_slice %arg22[%dma_start3A_823, %dma_start3A_824] : memref<16x3328xf32, #tpu.memory_space<vmem>> -> memref<1x3328xf32, #tpu.memory_space<vmem>>
    %dma_start3A_826 = tpu.memref_squeeze %dma_start3A_825 : memref<1x3328xf32, #tpu.memory_space<vmem>> -> memref<3328xf32, #tpu.memory_space<vmem>>
    %dma_start3A_827 = arith.constant 9984 : i32
    %dma_start3A_828 = tpu.memref_slice %arg20[%dma_start3A_827] : memref<13312xi32, #tpu.memory_space<vmem>> -> memref<3328xi32, #tpu.memory_space<vmem>>
    %dma_start3A_829 = arith.constant 0 : i32
    %dma_start3A_830 = tpu.memref_slice %arg6[%dma_start3A_829] : memref<1000000xf32, #tpu.memory_space<hbm>> -> memref<1000000xf32, #tpu.memory_space<hbm>>
    tpu.enqueue_indirect_dma source(%dma_start3A_830 : memref<1000000xf32, #tpu.memory_space<hbm>>) target(%dma_start3A_826 : memref<3328xf32, #tpu.memory_space<vmem>>) offsets(%dma_start3A_828 : memref<3328xi32, #tpu.memory_space<vmem>>) semaphore(%arg24 : memref<!tpu.dma_semaphore, #tpu.memory_space<semaphore_mem>>)
    %dma_start3A_831 = arith.constant 4 : i32
    %dma_start3A_832 = arith.constant 0 : i32
    %dma_start3A_833 = tpu.memref_slice %arg22[%dma_start3A_831, %dma_start3A_832] : memref<16x3328xf32, #tpu.memory_space<vmem>> -> memref<1x3328xf32, #tpu.memory_space<vmem>>
    %dma_start3A_834 = tpu.memref_squeeze %dma_start3A_833 : memref<1x3328xf32, #tpu.memory_space<vmem>> -> memref<3328xf32, #tpu.memory_space<vmem>>
    %dma_start3A_835 = arith.constant 9984 : i32
    %dma_start3A_836 = tpu.memref_slice %arg20[%dma_start3A_835] : memref<13312xi32, #tpu.memory_space<vmem>> -> memref<3328xi32, #tpu.memory_space<vmem>>
    %dma_start3A_837 = arith.constant 0 : i32
    %dma_start3A_838 = tpu.memref_slice %arg7[%dma_start3A_837] : memref<1000000xf32, #tpu.memory_space<hbm>> -> memref<1000000xf32, #tpu.memory_space<hbm>>
    tpu.enqueue_indirect_dma source(%dma_start3A_838 : memref<1000000xf32, #tpu.memory_space<hbm>>) target(%dma_start3A_834 : memref<3328xf32, #tpu.memory_space<vmem>>) offsets(%dma_start3A_836 : memref<3328xi32, #tpu.memory_space<vmem>>) semaphore(%arg24 : memref<!tpu.dma_semaphore, #tpu.memory_space<semaphore_mem>>)
    %dma_start3A_839 = arith.constant 5 : i32
    %dma_start3A_840 = arith.constant 0 : i32
    %dma_start3A_841 = tpu.memref_slice %arg22[%dma_start3A_839, %dma_start3A_840] : memref<16x3328xf32, #tpu.memory_space<vmem>> -> memref<1x3328xf32, #tpu.memory_space<vmem>>
    %dma_start3A_842 = tpu.memref_squeeze %dma_start3A_841 : memref<1x3328xf32, #tpu.memory_space<vmem>> -> memref<3328xf32, #tpu.memory_space<vmem>>
    %dma_start3A_843 = arith.constant 9984 : i32
    %dma_start3A_844 = tpu.memref_slice %arg20[%dma_start3A_843] : memref<13312xi32, #tpu.memory_space<vmem>> -> memref<3328xi32, #tpu.memory_space<vmem>>
    %dma_start3A_845 = arith.constant 0 : i32
    %dma_start3A_846 = tpu.memref_slice %arg8[%dma_start3A_845] : memref<1000000xf32, #tpu.memory_space<hbm>> -> memref<1000000xf32, #tpu.memory_space<hbm>>
    tpu.enqueue_indirect_dma source(%dma_start3A_846 : memref<1000000xf32, #tpu.memory_space<hbm>>) target(%dma_start3A_842 : memref<3328xf32, #tpu.memory_space<vmem>>) offsets(%dma_start3A_844 : memref<3328xi32, #tpu.memory_space<vmem>>) semaphore(%arg24 : memref<!tpu.dma_semaphore, #tpu.memory_space<semaphore_mem>>)
    %dma_start3A_847 = arith.constant 6 : i32
    %dma_start3A_848 = arith.constant 0 : i32
    %dma_start3A_849 = tpu.memref_slice %arg22[%dma_start3A_847, %dma_start3A_848] : memref<16x3328xf32, #tpu.memory_space<vmem>> -> memref<1x3328xf32, #tpu.memory_space<vmem>>
    %dma_start3A_850 = tpu.memref_squeeze %dma_start3A_849 : memref<1x3328xf32, #tpu.memory_space<vmem>> -> memref<3328xf32, #tpu.memory_space<vmem>>
    %dma_start3A_851 = arith.constant 9984 : i32
    %dma_start3A_852 = tpu.memref_slice %arg20[%dma_start3A_851] : memref<13312xi32, #tpu.memory_space<vmem>> -> memref<3328xi32, #tpu.memory_space<vmem>>
    %dma_start3A_853 = arith.constant 0 : i32
    %dma_start3A_854 = tpu.memref_slice %arg9[%dma_start3A_853] : memref<1000000xf32, #tpu.memory_space<hbm>> -> memref<1000000xf32, #tpu.memory_space<hbm>>
    tpu.enqueue_indirect_dma source(%dma_start3A_854 : memref<1000000xf32, #tpu.memory_space<hbm>>) target(%dma_start3A_850 : memref<3328xf32, #tpu.memory_space<vmem>>) offsets(%dma_start3A_852 : memref<3328xi32, #tpu.memory_space<vmem>>) semaphore(%arg24 : memref<!tpu.dma_semaphore, #tpu.memory_space<semaphore_mem>>)
    %dma_start3A_855 = arith.constant 7 : i32
    %dma_start3A_856 = arith.constant 0 : i32
    %dma_start3A_857 = tpu.memref_slice %arg22[%dma_start3A_855, %dma_start3A_856] : memref<16x3328xf32, #tpu.memory_space<vmem>> -> memref<1x3328xf32, #tpu.memory_space<vmem>>
    %dma_start3A_858 = tpu.memref_squeeze %dma_start3A_857 : memref<1x3328xf32, #tpu.memory_space<vmem>> -> memref<3328xf32, #tpu.memory_space<vmem>>
    %dma_start3A_859 = arith.constant 9984 : i32
    %dma_start3A_860 = tpu.memref_slice %arg20[%dma_start3A_859] : memref<13312xi32, #tpu.memory_space<vmem>> -> memref<3328xi32, #tpu.memory_space<vmem>>
    %dma_start3A_861 = arith.constant 0 : i32
    %dma_start3A_862 = tpu.memref_slice %arg10[%dma_start3A_861] : memref<1000000xf32, #tpu.memory_space<hbm>> -> memref<1000000xf32, #tpu.memory_space<hbm>>
    tpu.enqueue_indirect_dma source(%dma_start3A_862 : memref<1000000xf32, #tpu.memory_space<hbm>>) target(%dma_start3A_858 : memref<3328xf32, #tpu.memory_space<vmem>>) offsets(%dma_start3A_860 : memref<3328xi32, #tpu.memory_space<vmem>>) semaphore(%arg24 : memref<!tpu.dma_semaphore, #tpu.memory_space<semaphore_mem>>)
    %dma_start3A_863 = arith.constant 8 : i32
    %dma_start3A_864 = arith.constant 0 : i32
    %dma_start3A_865 = tpu.memref_slice %arg22[%dma_start3A_863, %dma_start3A_864] : memref<16x3328xf32, #tpu.memory_space<vmem>> -> memref<1x3328xf32, #tpu.memory_space<vmem>>
    %dma_start3A_866 = tpu.memref_squeeze %dma_start3A_865 : memref<1x3328xf32, #tpu.memory_space<vmem>> -> memref<3328xf32, #tpu.memory_space<vmem>>
    %dma_start3A_867 = arith.constant 9984 : i32
    %dma_start3A_868 = tpu.memref_slice %arg20[%dma_start3A_867] : memref<13312xi32, #tpu.memory_space<vmem>> -> memref<3328xi32, #tpu.memory_space<vmem>>
    %dma_start3A_869 = arith.constant 0 : i32
    %dma_start3A_870 = tpu.memref_slice %arg11[%dma_start3A_869] : memref<1000000xf32, #tpu.memory_space<hbm>> -> memref<1000000xf32, #tpu.memory_space<hbm>>
    tpu.enqueue_indirect_dma source(%dma_start3A_870 : memref<1000000xf32, #tpu.memory_space<hbm>>) target(%dma_start3A_866 : memref<3328xf32, #tpu.memory_space<vmem>>) offsets(%dma_start3A_868 : memref<3328xi32, #tpu.memory_space<vmem>>) semaphore(%arg24 : memref<!tpu.dma_semaphore, #tpu.memory_space<semaphore_mem>>)
    %dma_start3A_871 = arith.constant 9 : i32
    %dma_start3A_872 = arith.constant 0 : i32
    %dma_start3A_873 = tpu.memref_slice %arg22[%dma_start3A_871, %dma_start3A_872] : memref<16x3328xf32, #tpu.memory_space<vmem>> -> memref<1x3328xf32, #tpu.memory_space<vmem>>
    %dma_start3A_874 = tpu.memref_squeeze %dma_start3A_873 : memref<1x3328xf32, #tpu.memory_space<vmem>> -> memref<3328xf32, #tpu.memory_space<vmem>>
    %dma_start3A_875 = arith.constant 9984 : i32
    %dma_start3A_876 = tpu.memref_slice %arg20[%dma_start3A_875] : memref<13312xi32, #tpu.memory_space<vmem>> -> memref<3328xi32, #tpu.memory_space<vmem>>
    %dma_start3A_877 = arith.constant 0 : i32
    %dma_start3A_878 = tpu.memref_slice %arg12[%dma_start3A_877] : memref<1000000xf32, #tpu.memory_space<hbm>> -> memref<1000000xf32, #tpu.memory_space<hbm>>
    tpu.enqueue_indirect_dma source(%dma_start3A_878 : memref<1000000xf32, #tpu.memory_space<hbm>>) target(%dma_start3A_874 : memref<3328xf32, #tpu.memory_space<vmem>>) offsets(%dma_start3A_876 : memref<3328xi32, #tpu.memory_space<vmem>>) semaphore(%arg24 : memref<!tpu.dma_semaphore, #tpu.memory_space<semaphore_mem>>)
    %dma_start3A_879 = arith.constant 10 : i32
    %dma_start3A_880 = arith.constant 0 : i32
    %dma_start3A_881 = tpu.memref_slice %arg22[%dma_start3A_879, %dma_start3A_880] : memref<16x3328xf32, #tpu.memory_space<vmem>> -> memref<1x3328xf32, #tpu.memory_space<vmem>>
    %dma_start3A_882 = tpu.memref_squeeze %dma_start3A_881 : memref<1x3328xf32, #tpu.memory_space<vmem>> -> memref<3328xf32, #tpu.memory_space<vmem>>
    %dma_start3A_883 = arith.constant 9984 : i32
    %dma_start3A_884 = tpu.memref_slice %arg20[%dma_start3A_883] : memref<13312xi32, #tpu.memory_space<vmem>> -> memref<3328xi32, #tpu.memory_space<vmem>>
    %dma_start3A_885 = arith.constant 0 : i32
    %dma_start3A_886 = tpu.memref_slice %arg13[%dma_start3A_885] : memref<1000000xf32, #tpu.memory_space<hbm>> -> memref<1000000xf32, #tpu.memory_space<hbm>>
    tpu.enqueue_indirect_dma source(%dma_start3A_886 : memref<1000000xf32, #tpu.memory_space<hbm>>) target(%dma_start3A_882 : memref<3328xf32, #tpu.memory_space<vmem>>) offsets(%dma_start3A_884 : memref<3328xi32, #tpu.memory_space<vmem>>) semaphore(%arg24 : memref<!tpu.dma_semaphore, #tpu.memory_space<semaphore_mem>>)
    %dma_start3A_887 = arith.constant 11 : i32
    %dma_start3A_888 = arith.constant 0 : i32
    %dma_start3A_889 = tpu.memref_slice %arg22[%dma_start3A_887, %dma_start3A_888] : memref<16x3328xf32, #tpu.memory_space<vmem>> -> memref<1x3328xf32, #tpu.memory_space<vmem>>
    %dma_start3A_890 = tpu.memref_squeeze %dma_start3A_889 : memref<1x3328xf32, #tpu.memory_space<vmem>> -> memref<3328xf32, #tpu.memory_space<vmem>>
    %dma_start3A_891 = arith.constant 9984 : i32
    %dma_start3A_892 = tpu.memref_slice %arg20[%dma_start3A_891] : memref<13312xi32, #tpu.memory_space<vmem>> -> memref<3328xi32, #tpu.memory_space<vmem>>
    %dma_start3A_893 = arith.constant 0 : i32
    %dma_start3A_894 = tpu.memref_slice %arg14[%dma_start3A_893] : memref<1000000xf32, #tpu.memory_space<hbm>> -> memref<1000000xf32, #tpu.memory_space<hbm>>
    tpu.enqueue_indirect_dma source(%dma_start3A_894 : memref<1000000xf32, #tpu.memory_space<hbm>>) target(%dma_start3A_890 : memref<3328xf32, #tpu.memory_space<vmem>>) offsets(%dma_start3A_892 : memref<3328xi32, #tpu.memory_space<vmem>>) semaphore(%arg24 : memref<!tpu.dma_semaphore, #tpu.memory_space<semaphore_mem>>)
    %dma_start3A_895 = arith.constant 12 : i32
    %dma_start3A_896 = arith.constant 0 : i32
    %dma_start3A_897 = tpu.memref_slice %arg22[%dma_start3A_895, %dma_start3A_896] : memref<16x3328xf32, #tpu.memory_space<vmem>> -> memref<1x3328xf32, #tpu.memory_space<vmem>>
    %dma_start3A_898 = tpu.memref_squeeze %dma_start3A_897 : memref<1x3328xf32, #tpu.memory_space<vmem>> -> memref<3328xf32, #tpu.memory_space<vmem>>
    %dma_start3A_899 = arith.constant 9984 : i32
    %dma_start3A_900 = tpu.memref_slice %arg20[%dma_start3A_899] : memref<13312xi32, #tpu.memory_space<vmem>> -> memref<3328xi32, #tpu.memory_space<vmem>>
    %dma_start3A_901 = arith.constant 0 : i32
    %dma_start3A_902 = tpu.memref_slice %arg15[%dma_start3A_901] : memref<1000000xf32, #tpu.memory_space<hbm>> -> memref<1000000xf32, #tpu.memory_space<hbm>>
    tpu.enqueue_indirect_dma source(%dma_start3A_902 : memref<1000000xf32, #tpu.memory_space<hbm>>) target(%dma_start3A_898 : memref<3328xf32, #tpu.memory_space<vmem>>) offsets(%dma_start3A_900 : memref<3328xi32, #tpu.memory_space<vmem>>) semaphore(%arg24 : memref<!tpu.dma_semaphore, #tpu.memory_space<semaphore_mem>>)
    %dma_start3A_903 = arith.constant 13 : i32
    %dma_start3A_904 = arith.constant 0 : i32
    %dma_start3A_905 = tpu.memref_slice %arg22[%dma_start3A_903, %dma_start3A_904] : memref<16x3328xf32, #tpu.memory_space<vmem>> -> memref<1x3328xf32, #tpu.memory_space<vmem>>
    %dma_start3A_906 = tpu.memref_squeeze %dma_start3A_905 : memref<1x3328xf32, #tpu.memory_space<vmem>> -> memref<3328xf32, #tpu.memory_space<vmem>>
    %dma_start3A_907 = arith.constant 9984 : i32
    %dma_start3A_908 = tpu.memref_slice %arg20[%dma_start3A_907] : memref<13312xi32, #tpu.memory_space<vmem>> -> memref<3328xi32, #tpu.memory_space<vmem>>
    %dma_start3A_909 = arith.constant 0 : i32
    %dma_start3A_910 = tpu.memref_slice %arg16[%dma_start3A_909] : memref<1000000xf32, #tpu.memory_space<hbm>> -> memref<1000000xf32, #tpu.memory_space<hbm>>
    tpu.enqueue_indirect_dma source(%dma_start3A_910 : memref<1000000xf32, #tpu.memory_space<hbm>>) target(%dma_start3A_906 : memref<3328xf32, #tpu.memory_space<vmem>>) offsets(%dma_start3A_908 : memref<3328xi32, #tpu.memory_space<vmem>>) semaphore(%arg24 : memref<!tpu.dma_semaphore, #tpu.memory_space<semaphore_mem>>)
    %dma_start3A_911 = arith.constant 14 : i32
    %dma_start3A_912 = arith.constant 0 : i32
    %dma_start3A_913 = tpu.memref_slice %arg22[%dma_start3A_911, %dma_start3A_912] : memref<16x3328xf32, #tpu.memory_space<vmem>> -> memref<1x3328xf32, #tpu.memory_space<vmem>>
    %dma_start3A_914 = tpu.memref_squeeze %dma_start3A_913 : memref<1x3328xf32, #tpu.memory_space<vmem>> -> memref<3328xf32, #tpu.memory_space<vmem>>
    %dma_start3A_915 = arith.constant 9984 : i32
    %dma_start3A_916 = tpu.memref_slice %arg20[%dma_start3A_915] : memref<13312xi32, #tpu.memory_space<vmem>> -> memref<3328xi32, #tpu.memory_space<vmem>>
    %dma_start3A_917 = arith.constant 0 : i32
    %dma_start3A_918 = tpu.memref_slice %arg17[%dma_start3A_917] : memref<1000000xf32, #tpu.memory_space<hbm>> -> memref<1000000xf32, #tpu.memory_space<hbm>>
    tpu.enqueue_indirect_dma source(%dma_start3A_918 : memref<1000000xf32, #tpu.memory_space<hbm>>) target(%dma_start3A_914 : memref<3328xf32, #tpu.memory_space<vmem>>) offsets(%dma_start3A_916 : memref<3328xi32, #tpu.memory_space<vmem>>) semaphore(%arg24 : memref<!tpu.dma_semaphore, #tpu.memory_space<semaphore_mem>>)
    %dma_start3A_919 = arith.constant 15 : i32
    %dma_start3A_920 = arith.constant 0 : i32
    %dma_start3A_921 = tpu.memref_slice %arg22[%dma_start3A_919, %dma_start3A_920] : memref<16x3328xf32, #tpu.memory_space<vmem>> -> memref<1x3328xf32, #tpu.memory_space<vmem>>
    %dma_start3A_922 = tpu.memref_squeeze %dma_start3A_921 : memref<1x3328xf32, #tpu.memory_space<vmem>> -> memref<3328xf32, #tpu.memory_space<vmem>>
    %dma_start3A_923 = arith.constant 9984 : i32
    %dma_start3A_924 = tpu.memref_slice %arg20[%dma_start3A_923] : memref<13312xi32, #tpu.memory_space<vmem>> -> memref<3328xi32, #tpu.memory_space<vmem>>
    %dma_start3A_925 = arith.constant 0 : i32
    %dma_start3A_926 = tpu.memref_slice %arg18[%dma_start3A_925] : memref<1000000xf32, #tpu.memory_space<hbm>> -> memref<1000000xf32, #tpu.memory_space<hbm>>
    tpu.enqueue_indirect_dma source(%dma_start3A_926 : memref<1000000xf32, #tpu.memory_space<hbm>>) target(%dma_start3A_922 : memref<3328xf32, #tpu.memory_space<vmem>>) offsets(%dma_start3A_924 : memref<3328xi32, #tpu.memory_space<vmem>>) semaphore(%arg24 : memref<!tpu.dma_semaphore, #tpu.memory_space<semaphore_mem>>)
    %dma_wait3A_927 = arith.constant 0 : i32
    %dma_wait3A_928 = arith.constant 0 : i32
    %dma_wait3A_929 = tpu.memref_slice %arg22[%dma_wait3A_927, %dma_wait3A_928] : memref<16x3328xf32, #tpu.memory_space<vmem>> -> memref<1x3328xf32, #tpu.memory_space<vmem>>
    %dma_wait3A_930 = tpu.memref_squeeze %dma_wait3A_929 : memref<1x3328xf32, #tpu.memory_space<vmem>> -> memref<3328xf32, #tpu.memory_space<vmem>>
    %dma_wait3A_931 = arith.constant 9984 : i32
    %dma_wait3A_932 = tpu.memref_slice %arg20[%dma_wait3A_931] : memref<13312xi32, #tpu.memory_space<vmem>> -> memref<3328xi32, #tpu.memory_space<vmem>>
    %dma_wait3A_933 = arith.constant 0 : i32
    %dma_wait3A_934 = tpu.memref_slice %arg3[%dma_wait3A_933] : memref<1000000xf32, #tpu.memory_space<hbm>> -> memref<1000000xf32, #tpu.memory_space<hbm>>
    tpu.wait_indirect_dma semaphore(%arg24 : memref<!tpu.dma_semaphore, #tpu.memory_space<semaphore_mem>>) src(%dma_wait3A_934 : memref<1000000xf32, #tpu.memory_space<hbm>>) dst(%dma_wait3A_930 : memref<3328xf32, #tpu.memory_space<vmem>>)
    %dma_wait3A_935 = arith.constant 1 : i32
    %dma_wait3A_936 = arith.constant 0 : i32
    %dma_wait3A_937 = tpu.memref_slice %arg22[%dma_wait3A_935, %dma_wait3A_936] : memref<16x3328xf32, #tpu.memory_space<vmem>> -> memref<1x3328xf32, #tpu.memory_space<vmem>>
    %dma_wait3A_938 = tpu.memref_squeeze %dma_wait3A_937 : memref<1x3328xf32, #tpu.memory_space<vmem>> -> memref<3328xf32, #tpu.memory_space<vmem>>
    %dma_wait3A_939 = arith.constant 9984 : i32
    %dma_wait3A_940 = tpu.memref_slice %arg20[%dma_wait3A_939] : memref<13312xi32, #tpu.memory_space<vmem>> -> memref<3328xi32, #tpu.memory_space<vmem>>
    %dma_wait3A_941 = arith.constant 0 : i32
    %dma_wait3A_942 = tpu.memref_slice %arg4[%dma_wait3A_941] : memref<1000000xf32, #tpu.memory_space<hbm>> -> memref<1000000xf32, #tpu.memory_space<hbm>>
    tpu.wait_indirect_dma semaphore(%arg24 : memref<!tpu.dma_semaphore, #tpu.memory_space<semaphore_mem>>) src(%dma_wait3A_942 : memref<1000000xf32, #tpu.memory_space<hbm>>) dst(%dma_wait3A_938 : memref<3328xf32, #tpu.memory_space<vmem>>)
    %dma_wait3A_943 = arith.constant 2 : i32
    %dma_wait3A_944 = arith.constant 0 : i32
    %dma_wait3A_945 = tpu.memref_slice %arg22[%dma_wait3A_943, %dma_wait3A_944] : memref<16x3328xf32, #tpu.memory_space<vmem>> -> memref<1x3328xf32, #tpu.memory_space<vmem>>
    %dma_wait3A_946 = tpu.memref_squeeze %dma_wait3A_945 : memref<1x3328xf32, #tpu.memory_space<vmem>> -> memref<3328xf32, #tpu.memory_space<vmem>>
    %dma_wait3A_947 = arith.constant 9984 : i32
    %dma_wait3A_948 = tpu.memref_slice %arg20[%dma_wait3A_947] : memref<13312xi32, #tpu.memory_space<vmem>> -> memref<3328xi32, #tpu.memory_space<vmem>>
    %dma_wait3A_949 = arith.constant 0 : i32
    %dma_wait3A_950 = tpu.memref_slice %arg5[%dma_wait3A_949] : memref<1000000xf32, #tpu.memory_space<hbm>> -> memref<1000000xf32, #tpu.memory_space<hbm>>
    tpu.wait_indirect_dma semaphore(%arg24 : memref<!tpu.dma_semaphore, #tpu.memory_space<semaphore_mem>>) src(%dma_wait3A_950 : memref<1000000xf32, #tpu.memory_space<hbm>>) dst(%dma_wait3A_946 : memref<3328xf32, #tpu.memory_space<vmem>>)
    %dma_wait3A_951 = arith.constant 3 : i32
    %dma_wait3A_952 = arith.constant 0 : i32
    %dma_wait3A_953 = tpu.memref_slice %arg22[%dma_wait3A_951, %dma_wait3A_952] : memref<16x3328xf32, #tpu.memory_space<vmem>> -> memref<1x3328xf32, #tpu.memory_space<vmem>>
    %dma_wait3A_954 = tpu.memref_squeeze %dma_wait3A_953 : memref<1x3328xf32, #tpu.memory_space<vmem>> -> memref<3328xf32, #tpu.memory_space<vmem>>
    %dma_wait3A_955 = arith.constant 9984 : i32
    %dma_wait3A_956 = tpu.memref_slice %arg20[%dma_wait3A_955] : memref<13312xi32, #tpu.memory_space<vmem>> -> memref<3328xi32, #tpu.memory_space<vmem>>
    %dma_wait3A_957 = arith.constant 0 : i32
    %dma_wait3A_958 = tpu.memref_slice %arg6[%dma_wait3A_957] : memref<1000000xf32, #tpu.memory_space<hbm>> -> memref<1000000xf32, #tpu.memory_space<hbm>>
    tpu.wait_indirect_dma semaphore(%arg24 : memref<!tpu.dma_semaphore, #tpu.memory_space<semaphore_mem>>) src(%dma_wait3A_958 : memref<1000000xf32, #tpu.memory_space<hbm>>) dst(%dma_wait3A_954 : memref<3328xf32, #tpu.memory_space<vmem>>)
    %dma_wait3A_959 = arith.constant 4 : i32
    %dma_wait3A_960 = arith.constant 0 : i32
    %dma_wait3A_961 = tpu.memref_slice %arg22[%dma_wait3A_959, %dma_wait3A_960] : memref<16x3328xf32, #tpu.memory_space<vmem>> -> memref<1x3328xf32, #tpu.memory_space<vmem>>
    %dma_wait3A_962 = tpu.memref_squeeze %dma_wait3A_961 : memref<1x3328xf32, #tpu.memory_space<vmem>> -> memref<3328xf32, #tpu.memory_space<vmem>>
    %dma_wait3A_963 = arith.constant 9984 : i32
    %dma_wait3A_964 = tpu.memref_slice %arg20[%dma_wait3A_963] : memref<13312xi32, #tpu.memory_space<vmem>> -> memref<3328xi32, #tpu.memory_space<vmem>>
    %dma_wait3A_965 = arith.constant 0 : i32
    %dma_wait3A_966 = tpu.memref_slice %arg7[%dma_wait3A_965] : memref<1000000xf32, #tpu.memory_space<hbm>> -> memref<1000000xf32, #tpu.memory_space<hbm>>
    tpu.wait_indirect_dma semaphore(%arg24 : memref<!tpu.dma_semaphore, #tpu.memory_space<semaphore_mem>>) src(%dma_wait3A_966 : memref<1000000xf32, #tpu.memory_space<hbm>>) dst(%dma_wait3A_962 : memref<3328xf32, #tpu.memory_space<vmem>>)
    %dma_wait3A_967 = arith.constant 5 : i32
    %dma_wait3A_968 = arith.constant 0 : i32
    %dma_wait3A_969 = tpu.memref_slice %arg22[%dma_wait3A_967, %dma_wait3A_968] : memref<16x3328xf32, #tpu.memory_space<vmem>> -> memref<1x3328xf32, #tpu.memory_space<vmem>>
    %dma_wait3A_970 = tpu.memref_squeeze %dma_wait3A_969 : memref<1x3328xf32, #tpu.memory_space<vmem>> -> memref<3328xf32, #tpu.memory_space<vmem>>
    %dma_wait3A_971 = arith.constant 9984 : i32
    %dma_wait3A_972 = tpu.memref_slice %arg20[%dma_wait3A_971] : memref<13312xi32, #tpu.memory_space<vmem>> -> memref<3328xi32, #tpu.memory_space<vmem>>
    %dma_wait3A_973 = arith.constant 0 : i32
    %dma_wait3A_974 = tpu.memref_slice %arg8[%dma_wait3A_973] : memref<1000000xf32, #tpu.memory_space<hbm>> -> memref<1000000xf32, #tpu.memory_space<hbm>>
    tpu.wait_indirect_dma semaphore(%arg24 : memref<!tpu.dma_semaphore, #tpu.memory_space<semaphore_mem>>) src(%dma_wait3A_974 : memref<1000000xf32, #tpu.memory_space<hbm>>) dst(%dma_wait3A_970 : memref<3328xf32, #tpu.memory_space<vmem>>)
    %dma_wait3A_975 = arith.constant 6 : i32
    %dma_wait3A_976 = arith.constant 0 : i32
    %dma_wait3A_977 = tpu.memref_slice %arg22[%dma_wait3A_975, %dma_wait3A_976] : memref<16x3328xf32, #tpu.memory_space<vmem>> -> memref<1x3328xf32, #tpu.memory_space<vmem>>
    %dma_wait3A_978 = tpu.memref_squeeze %dma_wait3A_977 : memref<1x3328xf32, #tpu.memory_space<vmem>> -> memref<3328xf32, #tpu.memory_space<vmem>>
    %dma_wait3A_979 = arith.constant 9984 : i32
    %dma_wait3A_980 = tpu.memref_slice %arg20[%dma_wait3A_979] : memref<13312xi32, #tpu.memory_space<vmem>> -> memref<3328xi32, #tpu.memory_space<vmem>>
    %dma_wait3A_981 = arith.constant 0 : i32
    %dma_wait3A_982 = tpu.memref_slice %arg9[%dma_wait3A_981] : memref<1000000xf32, #tpu.memory_space<hbm>> -> memref<1000000xf32, #tpu.memory_space<hbm>>
    tpu.wait_indirect_dma semaphore(%arg24 : memref<!tpu.dma_semaphore, #tpu.memory_space<semaphore_mem>>) src(%dma_wait3A_982 : memref<1000000xf32, #tpu.memory_space<hbm>>) dst(%dma_wait3A_978 : memref<3328xf32, #tpu.memory_space<vmem>>)
    %dma_wait3A_983 = arith.constant 7 : i32
    %dma_wait3A_984 = arith.constant 0 : i32
    %dma_wait3A_985 = tpu.memref_slice %arg22[%dma_wait3A_983, %dma_wait3A_984] : memref<16x3328xf32, #tpu.memory_space<vmem>> -> memref<1x3328xf32, #tpu.memory_space<vmem>>
    %dma_wait3A_986 = tpu.memref_squeeze %dma_wait3A_985 : memref<1x3328xf32, #tpu.memory_space<vmem>> -> memref<3328xf32, #tpu.memory_space<vmem>>
    %dma_wait3A_987 = arith.constant 9984 : i32
    %dma_wait3A_988 = tpu.memref_slice %arg20[%dma_wait3A_987] : memref<13312xi32, #tpu.memory_space<vmem>> -> memref<3328xi32, #tpu.memory_space<vmem>>
    %dma_wait3A_989 = arith.constant 0 : i32
    %dma_wait3A_990 = tpu.memref_slice %arg10[%dma_wait3A_989] : memref<1000000xf32, #tpu.memory_space<hbm>> -> memref<1000000xf32, #tpu.memory_space<hbm>>
    tpu.wait_indirect_dma semaphore(%arg24 : memref<!tpu.dma_semaphore, #tpu.memory_space<semaphore_mem>>) src(%dma_wait3A_990 : memref<1000000xf32, #tpu.memory_space<hbm>>) dst(%dma_wait3A_986 : memref<3328xf32, #tpu.memory_space<vmem>>)
    %dma_wait3A_991 = arith.constant 8 : i32
    %dma_wait3A_992 = arith.constant 0 : i32
    %dma_wait3A_993 = tpu.memref_slice %arg22[%dma_wait3A_991, %dma_wait3A_992] : memref<16x3328xf32, #tpu.memory_space<vmem>> -> memref<1x3328xf32, #tpu.memory_space<vmem>>
    %dma_wait3A_994 = tpu.memref_squeeze %dma_wait3A_993 : memref<1x3328xf32, #tpu.memory_space<vmem>> -> memref<3328xf32, #tpu.memory_space<vmem>>
    %dma_wait3A_995 = arith.constant 9984 : i32
    %dma_wait3A_996 = tpu.memref_slice %arg20[%dma_wait3A_995] : memref<13312xi32, #tpu.memory_space<vmem>> -> memref<3328xi32, #tpu.memory_space<vmem>>
    %dma_wait3A_997 = arith.constant 0 : i32
    %dma_wait3A_998 = tpu.memref_slice %arg11[%dma_wait3A_997] : memref<1000000xf32, #tpu.memory_space<hbm>> -> memref<1000000xf32, #tpu.memory_space<hbm>>
    tpu.wait_indirect_dma semaphore(%arg24 : memref<!tpu.dma_semaphore, #tpu.memory_space<semaphore_mem>>) src(%dma_wait3A_998 : memref<1000000xf32, #tpu.memory_space<hbm>>) dst(%dma_wait3A_994 : memref<3328xf32, #tpu.memory_space<vmem>>)
    %dma_wait3A_999 = arith.constant 9 : i32
    %dma_wait3A_1000 = arith.constant 0 : i32
    %dma_wait3A_1001 = tpu.memref_slice %arg22[%dma_wait3A_999, %dma_wait3A_1000] : memref<16x3328xf32, #tpu.memory_space<vmem>> -> memref<1x3328xf32, #tpu.memory_space<vmem>>
    %dma_wait3A_1002 = tpu.memref_squeeze %dma_wait3A_1001 : memref<1x3328xf32, #tpu.memory_space<vmem>> -> memref<3328xf32, #tpu.memory_space<vmem>>
    %dma_wait3A_1003 = arith.constant 9984 : i32
    %dma_wait3A_1004 = tpu.memref_slice %arg20[%dma_wait3A_1003] : memref<13312xi32, #tpu.memory_space<vmem>> -> memref<3328xi32, #tpu.memory_space<vmem>>
    %dma_wait3A_1005 = arith.constant 0 : i32
    %dma_wait3A_1006 = tpu.memref_slice %arg12[%dma_wait3A_1005] : memref<1000000xf32, #tpu.memory_space<hbm>> -> memref<1000000xf32, #tpu.memory_space<hbm>>
    tpu.wait_indirect_dma semaphore(%arg24 : memref<!tpu.dma_semaphore, #tpu.memory_space<semaphore_mem>>) src(%dma_wait3A_1006 : memref<1000000xf32, #tpu.memory_space<hbm>>) dst(%dma_wait3A_1002 : memref<3328xf32, #tpu.memory_space<vmem>>)
    %dma_wait3A_1007 = arith.constant 10 : i32
    %dma_wait3A_1008 = arith.constant 0 : i32
    %dma_wait3A_1009 = tpu.memref_slice %arg22[%dma_wait3A_1007, %dma_wait3A_1008] : memref<16x3328xf32, #tpu.memory_space<vmem>> -> memref<1x3328xf32, #tpu.memory_space<vmem>>
    %dma_wait3A_1010 = tpu.memref_squeeze %dma_wait3A_1009 : memref<1x3328xf32, #tpu.memory_space<vmem>> -> memref<3328xf32, #tpu.memory_space<vmem>>
    %dma_wait3A_1011 = arith.constant 9984 : i32
    %dma_wait3A_1012 = tpu.memref_slice %arg20[%dma_wait3A_1011] : memref<13312xi32, #tpu.memory_space<vmem>> -> memref<3328xi32, #tpu.memory_space<vmem>>
    %dma_wait3A_1013 = arith.constant 0 : i32
    %dma_wait3A_1014 = tpu.memref_slice %arg13[%dma_wait3A_1013] : memref<1000000xf32, #tpu.memory_space<hbm>> -> memref<1000000xf32, #tpu.memory_space<hbm>>
    tpu.wait_indirect_dma semaphore(%arg24 : memref<!tpu.dma_semaphore, #tpu.memory_space<semaphore_mem>>) src(%dma_wait3A_1014 : memref<1000000xf32, #tpu.memory_space<hbm>>) dst(%dma_wait3A_1010 : memref<3328xf32, #tpu.memory_space<vmem>>)
    %dma_wait3A_1015 = arith.constant 11 : i32
    %dma_wait3A_1016 = arith.constant 0 : i32
    %dma_wait3A_1017 = tpu.memref_slice %arg22[%dma_wait3A_1015, %dma_wait3A_1016] : memref<16x3328xf32, #tpu.memory_space<vmem>> -> memref<1x3328xf32, #tpu.memory_space<vmem>>
    %dma_wait3A_1018 = tpu.memref_squeeze %dma_wait3A_1017 : memref<1x3328xf32, #tpu.memory_space<vmem>> -> memref<3328xf32, #tpu.memory_space<vmem>>
    %dma_wait3A_1019 = arith.constant 9984 : i32
    %dma_wait3A_1020 = tpu.memref_slice %arg20[%dma_wait3A_1019] : memref<13312xi32, #tpu.memory_space<vmem>> -> memref<3328xi32, #tpu.memory_space<vmem>>
    %dma_wait3A_1021 = arith.constant 0 : i32
    %dma_wait3A_1022 = tpu.memref_slice %arg14[%dma_wait3A_1021] : memref<1000000xf32, #tpu.memory_space<hbm>> -> memref<1000000xf32, #tpu.memory_space<hbm>>
    tpu.wait_indirect_dma semaphore(%arg24 : memref<!tpu.dma_semaphore, #tpu.memory_space<semaphore_mem>>) src(%dma_wait3A_1022 : memref<1000000xf32, #tpu.memory_space<hbm>>) dst(%dma_wait3A_1018 : memref<3328xf32, #tpu.memory_space<vmem>>)
    %dma_wait3A_1023 = arith.constant 12 : i32
    %dma_wait3A_1024 = arith.constant 0 : i32
    %dma_wait3A_1025 = tpu.memref_slice %arg22[%dma_wait3A_1023, %dma_wait3A_1024] : memref<16x3328xf32, #tpu.memory_space<vmem>> -> memref<1x3328xf32, #tpu.memory_space<vmem>>
    %dma_wait3A_1026 = tpu.memref_squeeze %dma_wait3A_1025 : memref<1x3328xf32, #tpu.memory_space<vmem>> -> memref<3328xf32, #tpu.memory_space<vmem>>
    %dma_wait3A_1027 = arith.constant 9984 : i32
    %dma_wait3A_1028 = tpu.memref_slice %arg20[%dma_wait3A_1027] : memref<13312xi32, #tpu.memory_space<vmem>> -> memref<3328xi32, #tpu.memory_space<vmem>>
    %dma_wait3A_1029 = arith.constant 0 : i32
    %dma_wait3A_1030 = tpu.memref_slice %arg15[%dma_wait3A_1029] : memref<1000000xf32, #tpu.memory_space<hbm>> -> memref<1000000xf32, #tpu.memory_space<hbm>>
    tpu.wait_indirect_dma semaphore(%arg24 : memref<!tpu.dma_semaphore, #tpu.memory_space<semaphore_mem>>) src(%dma_wait3A_1030 : memref<1000000xf32, #tpu.memory_space<hbm>>) dst(%dma_wait3A_1026 : memref<3328xf32, #tpu.memory_space<vmem>>)
    %dma_wait3A_1031 = arith.constant 13 : i32
    %dma_wait3A_1032 = arith.constant 0 : i32
    %dma_wait3A_1033 = tpu.memref_slice %arg22[%dma_wait3A_1031, %dma_wait3A_1032] : memref<16x3328xf32, #tpu.memory_space<vmem>> -> memref<1x3328xf32, #tpu.memory_space<vmem>>
    %dma_wait3A_1034 = tpu.memref_squeeze %dma_wait3A_1033 : memref<1x3328xf32, #tpu.memory_space<vmem>> -> memref<3328xf32, #tpu.memory_space<vmem>>
    %dma_wait3A_1035 = arith.constant 9984 : i32
    %dma_wait3A_1036 = tpu.memref_slice %arg20[%dma_wait3A_1035] : memref<13312xi32, #tpu.memory_space<vmem>> -> memref<3328xi32, #tpu.memory_space<vmem>>
    %dma_wait3A_1037 = arith.constant 0 : i32
    %dma_wait3A_1038 = tpu.memref_slice %arg16[%dma_wait3A_1037] : memref<1000000xf32, #tpu.memory_space<hbm>> -> memref<1000000xf32, #tpu.memory_space<hbm>>
    tpu.wait_indirect_dma semaphore(%arg24 : memref<!tpu.dma_semaphore, #tpu.memory_space<semaphore_mem>>) src(%dma_wait3A_1038 : memref<1000000xf32, #tpu.memory_space<hbm>>) dst(%dma_wait3A_1034 : memref<3328xf32, #tpu.memory_space<vmem>>)
    %dma_wait3A_1039 = arith.constant 14 : i32
    %dma_wait3A_1040 = arith.constant 0 : i32
    %dma_wait3A_1041 = tpu.memref_slice %arg22[%dma_wait3A_1039, %dma_wait3A_1040] : memref<16x3328xf32, #tpu.memory_space<vmem>> -> memref<1x3328xf32, #tpu.memory_space<vmem>>
    %dma_wait3A_1042 = tpu.memref_squeeze %dma_wait3A_1041 : memref<1x3328xf32, #tpu.memory_space<vmem>> -> memref<3328xf32, #tpu.memory_space<vmem>>
    %dma_wait3A_1043 = arith.constant 9984 : i32
    %dma_wait3A_1044 = tpu.memref_slice %arg20[%dma_wait3A_1043] : memref<13312xi32, #tpu.memory_space<vmem>> -> memref<3328xi32, #tpu.memory_space<vmem>>
    %dma_wait3A_1045 = arith.constant 0 : i32
    %dma_wait3A_1046 = tpu.memref_slice %arg17[%dma_wait3A_1045] : memref<1000000xf32, #tpu.memory_space<hbm>> -> memref<1000000xf32, #tpu.memory_space<hbm>>
    tpu.wait_indirect_dma semaphore(%arg24 : memref<!tpu.dma_semaphore, #tpu.memory_space<semaphore_mem>>) src(%dma_wait3A_1046 : memref<1000000xf32, #tpu.memory_space<hbm>>) dst(%dma_wait3A_1042 : memref<3328xf32, #tpu.memory_space<vmem>>)
    %dma_wait3A_1047 = arith.constant 15 : i32
    %dma_wait3A_1048 = arith.constant 0 : i32
    %dma_wait3A_1049 = tpu.memref_slice %arg22[%dma_wait3A_1047, %dma_wait3A_1048] : memref<16x3328xf32, #tpu.memory_space<vmem>> -> memref<1x3328xf32, #tpu.memory_space<vmem>>
    %dma_wait3A_1050 = tpu.memref_squeeze %dma_wait3A_1049 : memref<1x3328xf32, #tpu.memory_space<vmem>> -> memref<3328xf32, #tpu.memory_space<vmem>>
    %dma_wait3A_1051 = arith.constant 9984 : i32
    %dma_wait3A_1052 = tpu.memref_slice %arg20[%dma_wait3A_1051] : memref<13312xi32, #tpu.memory_space<vmem>> -> memref<3328xi32, #tpu.memory_space<vmem>>
    %dma_wait3A_1053 = arith.constant 0 : i32
    %dma_wait3A_1054 = tpu.memref_slice %arg18[%dma_wait3A_1053] : memref<1000000xf32, #tpu.memory_space<hbm>> -> memref<1000000xf32, #tpu.memory_space<hbm>>
    tpu.wait_indirect_dma semaphore(%arg24 : memref<!tpu.dma_semaphore, #tpu.memory_space<semaphore_mem>>) src(%dma_wait3A_1054 : memref<1000000xf32, #tpu.memory_space<hbm>>) dst(%dma_wait3A_1050 : memref<3328xf32, #tpu.memory_space<vmem>>)
    %add3A_1055 = arith.constant 9984 : i32
    %add3A_1056 = arith.addi %mul3A_2, %add3A_1055 : i32
    %dma_start3A_1057 = arith.constant 0 : i32
    %dma_start3A_1058 = tpu.memref_slice %arg19[%dma_start3A_1057, %add3A_1056] : memref<16x425984xf32, #tpu.memory_space<hbm>> -> memref<16x3328xf32, #tpu.memory_space<hbm>>
    %dma_start3A_1059 = arith.constant 0 : i32
    %dma_start3A_1060 = tpu.memref_slice %arg19[%dma_start3A_1059, %add3A_1056] : memref<16x425984xf32, #tpu.memory_space<hbm>> -> memref<16x3328xf32, #tpu.memory_space<hbm>>
    tpu.enqueue_dma source(%arg22 : memref<16x3328xf32, #tpu.memory_space<vmem>>) target(%dma_start3A_1060 : memref<16x3328xf32, #tpu.memory_space<hbm>>) target_semaphore(%arg26 : memref<!tpu.dma_semaphore, #tpu.memory_space<semaphore_mem>>)
    %add3A_1061 = arith.constant 6656 : i32
    %add3A_1062 = arith.addi %mul3A_2, %add3A_1061 : i32
    %dma_wait3A_1063 = arith.constant 0 : i32
    %dma_wait3A_1064 = tpu.memref_slice %arg19[%dma_wait3A_1063, %add3A_1062] : memref<16x425984xf32, #tpu.memory_space<hbm>> -> memref<16x3328xf32, #tpu.memory_space<hbm>>
    %dma_wait3A_1065 = arith.constant 0 : i32
    %dma_wait3A_1066 = tpu.memref_slice %arg19[%dma_wait3A_1065, %add3A_1062] : memref<16x425984xf32, #tpu.memory_space<hbm>> -> memref<16x3328xf32, #tpu.memory_space<hbm>>
    tpu.wait_dma2 semaphore(%arg25 : memref<!tpu.dma_semaphore, #tpu.memory_space<semaphore_mem>>) src(%arg21 : memref<16x3328xf32, #tpu.memory_space<vmem>>) dst(%dma_wait3A_1066 : memref<16x3328xf32, #tpu.memory_space<hbm>>)
    %add3A_1067 = arith.constant 9984 : i32
    %add3A_1068 = arith.addi %mul3A_2, %add3A_1067 : i32
    %dma_wait3A_1069 = arith.constant 0 : i32
    %dma_wait3A_1070 = tpu.memref_slice %arg19[%dma_wait3A_1069, %add3A_1068] : memref<16x425984xf32, #tpu.memory_space<hbm>> -> memref<16x3328xf32, #tpu.memory_space<hbm>>
    %dma_wait3A_1071 = arith.constant 0 : i32
    %dma_wait3A_1072 = tpu.memref_slice %arg19[%dma_wait3A_1071, %add3A_1068] : memref<16x425984xf32, #tpu.memory_space<hbm>> -> memref<16x3328xf32, #tpu.memory_space<hbm>>
    tpu.wait_dma2 semaphore(%arg26 : memref<!tpu.dma_semaphore, #tpu.memory_space<semaphore_mem>>) src(%arg22 : memref<16x3328xf32, #tpu.memory_space<vmem>>) dst(%dma_wait3A_1072 : memref<16x3328xf32, #tpu.memory_space<hbm>>)
    return
  }
}

</mosaic_0001>

<sc_bundles>
// kernel: _embedding_lookup.3.cloned.1.call-start
scs
__scs_entry_jumppad:
0x0: {  	(pc) =	sbr.rel $0x88, $3  }
0x1: {  	(tag) =	ssettag $0x0;
	lr =	simm.s32 $0x1  }
0x2: {  	[smem:$0x3F90] =	sst lr;
	_ =	strace $0xD0000000  }
0x3: {  	_ = 	snop  }
0x4: {  	_ = 	snop  }
0x5: {  	_ = 	snop  }
0x6: {  	_ = 	snop  }
0x7: {  	_ = 	snop  }
__scs_overlays_trampoline_lowered:
0x8: {  	[smem:$0x3F9F] =	sst s0  }
0x9: {  	[smem:$0x3FA0] =	sst s1  }
0xa: {  	[smem:$0x3FA1] =	sst s2  }
0xb: {  	[smem:$0x3FA2] =	sst s3  }
0xc: {  	[smem:$0x3FA3] =	sst s4  }
0xd: {  	[smem:$0x3FA4] =	sst s5  }
0xe: {  	[smem:$0x3FA5] =	sst s6  }
0xf: {  	[smem:$0x3FA6] =	sst s7  }
0x10: {  	[smem:$0x3FA7] =	sst s8  }
0x11: {  	[smem:$0x3FA8] =	sst s9;
	s0 =	simm.s32 @!p0 $0x0  }
0x12: {  	s1 =	sld [smem:$0x3F8E];
	s0 =	simm.s32 @p0 $0x1  }
0x13: {  	[smem:$0x3FA9] =	sst s0;
	s0 =	simm.s32 @!p1 $0x0  }
0x14: {  	s2 =	sld [smem:$0x3F8D];
	s0 =	simm.s32 @p1 $0x1  }
0x15: {  	[smem:$0x3FAA] =	sst s0;
	s0 =	simm.s32 @!p2 $0x0  }
0x16: {  	s3 =	sld [smem:$0x3FDB];
	s0 =	simm.s32 @p2 $0x1  }
0x17: {  	s4 =	simm.s32 $0x1BF5;
	[smem:$0x3FAC] =	sst s0  }
0x18: {  	s0 =	sld [smem:$0x3F8F];
	_ =	swait.ge [sflag:s4], $0x0  }
0x19: {  	s7 =	sld [smem:$0x3F90]  }
0x1a: {  	s8 =	sadd.s32 $0xFFFFE003, lr  }
0x1b: {  	s9 =	sadd.s32 $0xFFFFFEF7, lr;
	s5 =	simm.s32 $0xFFFFFFFF;
	p2 =	slt.u32 s8, $0xFFFFF086  }
0x1c: {  	p1 =	slt.u32 s9, $0xF7A;
	s5 =	simm.s32 @!p2 $0x0  }
0x1d: {  	s5 =	simm.s32 @p1 $0x1;
	p0 =	seq.s32 s7, s2  }
0x1e: {  	s7 =	smul.u32 @!p0 $0xF7A, s2;
	p2 =	seq.s32 @!p0 s5, $0x0  }
0x1f: {  	s9 =	smul.u32 $0xF7A, s1;
	s8 =	simm.s32 @!p0 $0x1BF5;
	p2 =	por !p2, p0  }
0x20: {  	[sflag:s8] =	ssyncset.s32 @!p0 $0xFFFFF086;
	s6 =	sadd.s32 @!p0 s3, s7;
	s7 =	simm.s32 @!p0 $0x108  }
0x21: {  	s3 =	sadd.s32 s3, s9;
	s6 =	sadd.s32 @!p0 $0x88, s6;
	s7 =	simm.s32 @p2 $0x1082  }
0x22: {  	[simem:s7], [sflag:s8] =	dma.local @!p0 [hbm:s6], $0xF7A  }
0x23: {  	s9 =	sor.u32 $0xD0000000, s2;
	s6 =	simm.s32 $0x108;
	_ =	swait.ge @!p0 [sflag:s8], $0x0  }
0x24: {  	s3 =	sadd.s32 $0x88, s3;
	s6 =	simm.s32 @!p1 $0x1082;
	[sflag:s4] =	ssyncset.s32 $0xFFFFF086  }
0x25: {  	[simem:s6], [sflag:s4] =	dma.local [hbm:s3], $0xF7A  }
0x26: {  	[smem:$0x3F90] =	sst s1;
	(tag) =	ssettag s2;
	_ =	strace s9  }
0x27: {  	s1 =	sld [smem:$0x3FA0]  }
0x28: {  	s2 =	sld [smem:$0x3FA1]  }
0x29: {  	s4 =	sld [smem:$0x3FA3]  }
0x2a: {  	p0 =	seq.s32 s5, $0x0;
	s5 =	sld [smem:$0x3FA4]  }
0x2b: {  	s6 =	sld [smem:$0x3FA5]  }
0x2c: {  	s7 =	sld [smem:$0x3FA6]  }
0x2d: {  	s3 =	simm.s32 $0x108;
	s8 =	sld [smem:$0x3FA7]  }
0x2e: {  	s3 =	simm.s32 @!p0 $0x1082;
	s9 =	sld [smem:$0x3FA8]  }
0x2f: {  	lr =	sadd.s32 s0, s3;
	s0 =	sld [smem:$0x3F9F]  }
0x30: {  	s3 =	sld [smem:$0x3FA2]  }
0x31: {  	[smem:$0x3FAB] =	sst s10  }
0x32: {  	s10 =	sld [smem:$0x3FA9];
	_ =	sdelay $0x3  }
0x33: {  	p0 =	seq.s32 s10, $0x1;
	s10 =	sld [smem:$0x3FAB];
	_ =	sdelay $0x3  }
0x34: {  	[smem:$0x3FAB] =	sst s10  }
0x35: {  	s10 =	sld [smem:$0x3FAA];
	_ =	sdelay $0x3  }
0x36: {  	p1 =	seq.s32 s10, $0x1;
	s10 =	sld [smem:$0x3FAB];
	_ =	sdelay $0x3  }
0x37: {  	[smem:$0x3FAB] =	sst s10  }
0x38: {  	s10 =	sld [smem:$0x3FAC]  }
0x39: {  	_ = 	snop;
	(pc) =	sbr.ind lr, $3  }
0x3a: {  	_ = 	snop  }
0x3b: {  	_ = 	snop  }
0x3c: {  	p2 =	seq.s32 s10, $0x1;
	s10 =	sld [smem:$0x3FAB]  }
0x3d: {  	_ =	shalt  }
0x3e: {  	_ =	shalt  }
0x3f: {  	_ =	shalt  }
0x40: {  	_ =	shalt  }
0x41: {  	_ =	shalt  }
0x42: {  	_ =	shalt  }
0x43: {  	_ =	shalt  }
0x44: {  	_ =	shalt  }
0x45: {  	_ =	shalt  }
0x46: {  	_ =	shalt  }
0x47: {  	_ =	shalt  }
0x48: {  	_ =	shalt  }
0x49: {  	_ =	shalt  }
0x4a: {  	_ =	shalt  }
0x4b: {  	_ =	shalt  }
0x4c: {  	_ =	shalt  }
0x4d: {  	_ =	shalt  }
0x4e: {  	_ =	shalt  }
0x4f: {  	_ =	shalt  }
0x50: {  	_ =	shalt  }
0x51: {  	_ =	shalt  }
0x52: {  	_ =	shalt  }
0x53: {  	_ =	shalt  }
0x54: {  	_ =	shalt  }
0x55: {  	_ =	shalt  }
0x56: {  	_ =	shalt  }
0x57: {  	_ =	shalt  }
0x58: {  	_ =	shalt  }
0x59: {  	_ =	shalt  }
0x5a: {  	_ =	shalt  }
0x5b: {  	_ =	shalt  }
0x5c: {  	_ =	shalt  }
0x5d: {  	_ =	shalt  }
0x5e: {  	_ =	shalt  }
0x5f: {  	_ =	shalt  }
0x60: {  	_ =	shalt  }
0x61: {  	_ =	shalt  }
0x62: {  	_ =	shalt  }
0x63: {  	_ =	shalt  }
0x64: {  	_ =	shalt  }
0x65: {  	_ =	shalt  }
0x66: {  	_ =	shalt  }
0x67: {  	_ =	shalt  }
0x68: {  	_ =	shalt  }
0x69: {  	_ =	shalt  }
0x6a: {  	_ =	shalt  }
0x6b: {  	_ =	shalt  }
0x6c: {  	_ =	shalt  }
0x6d: {  	_ =	shalt  }
0x6e: {  	_ =	shalt  }
0x6f: {  	_ =	shalt  }
0x70: {  	_ =	shalt  }
0x71: {  	_ =	shalt  }
0x72: {  	_ =	shalt  }
0x73: {  	_ =	shalt  }
0x74: {  	_ =	shalt  }
0x75: {  	_ =	shalt  }
0x76: {  	_ =	shalt  }
0x77: {  	_ =	shalt  }
0x78: {  	_ =	shalt  }
0x79: {  	_ =	shalt  }
0x7a: {  	_ =	shalt  }
0x7b: {  	_ =	shalt  }
0x7c: {  	_ =	shalt  }
0x7d: {  	_ =	shalt  }
0x7e: {  	_ =	shalt  }
0x7f: {  	_ =	shalt  }
0x80: {  	_ =	shalt  }
0x81: {  	_ =	shalt  }
0x82: {  	_ =	shalt  }
0x83: {  	_ =	shalt  }
0x84: {  	_ =	shalt  }
0x85: {  	_ =	shalt  }
0x86: {  	_ =	shalt  }
0x87: {  	_ =	shalt  }
.Lfunc_end0:
.L_simem_size_0:
called_computation_lowered:
.L_overlay_start_0:
0x88: {  	s2 =	sld [smem:$0x3FD9]  }
0x89: {  	s3 =	sld [smem:$0x3FFE];
	_ =	sdelay $0x1  }
0x8a: {  	s1 =	srdreg.scid  }
0x8b: {  	s0 =	sand.u32 $0x1, s1  }
0x8c: {  	s22 =	sshll.u32 s0, $0xA;
	s2 =	sadd.s32 s3, s2  }
0x8d: {  	s2 =	sadd.s32 s2, s22  }
0x8e: {  	[smem:$0x3FB7] =	sst s2  }
0x8f: {  	_ = 	snop  }
0x90: {  	s2 =	sld [smem:$0x3FC9]  }
0x91: {  	s3 =	sld [smem:$0x3FC8]  }
0x92: {  	s4 =	sld [smem:$0x3FC7]  }
0x93: {  	s5 =	sld [smem:$0x3FC6]  }
0x94: {  	s6 =	sld [smem:$0x3FC5]  }
0x95: {  	s7 =	sld [smem:$0x3FC4]  }
0x96: {  	s8 =	sld [smem:$0x3FC3]  }
0x97: {  	s9 =	sld [smem:$0x3FC2]  }
0x98: {  	s10 =	sld [smem:$0x3FC1]  }
0x99: {  	s11 =	sld [smem:$0x3FC0]  }
0x9a: {  	s12 =	sld [smem:$0x3FBF]  }
0x9b: {  	s13 =	sld [smem:$0x3FBE]  }
0x9c: {  	s14 =	sld [smem:$0x3FBD]  }
0x9d: {  	s15 =	sld [smem:$0x3FBC]  }
0x9e: {  	s17 =	sld [smem:$0x3FBB]  }
0x9f: {  	s18 =	sld [smem:$0x3FBA]  }
0xa0: {  	s19 =	sld [smem:$0x3FB9];
	(tm) =	ssettm $0x1  }
0xa1: {  	s16 =	sld [smem:$0x3FFB];
	_ =	sdelay $0x3  }
0xa2: {  	_ =	strace s16  }
0xa3: {  	s16 =	sld [smem:$0x3FFC];
	_ =	sdelay $0x3  }
0xa4: {  	_ =	strace s16  }
0xa5: {  	s16 =	sld [smem:$0x3FFD];
	_ =	sdelay $0x3  }
0xa6: {  	_ =	strace s16  }
0xa7: {  	_ =	strace $0x8FFFFFFF  }
0xa8: {  	s23 =	sld [smem:$0x3FDB];
	_ =	sdelay $0x1  }
0xa9: {  	s20 =	simm.s32 $_scs_section_size  }
0xaa: {  	s21 =	simm.s32 $_size__tile_task_arg_handler_lowered;
	s22 =	simm.s32 $_tile_task_arg_handler_lowered  }
0xab: {  	s26 =	simm.s32 $0x1BFF;
	s25 =	sshll.u32 s22, $0x1;
	s20 =	sadd.s32 s20, s23  }
0xac: {  	s24 =	sshll.u32 s21, $0x1;
	s23 =	simm.s32 $0x60;
	s21 =	sadd.s32 s25, s20  }
0xad: {  	[timem:s23], [sflag:s26] =	dma.local [hbm:s21], s24  }
0xae: {  	_ =	swait.ge [sflag:s26], s24  }
0xaf: {  	s28 =	simm.s32 $_tile_overlayer_lowered;
	s16 =	ssub.s32 $0x0, s24;
	[sflag:s26] =	ssyncset.done $0x0  }
0xb0: {  	s29 =	simm.s32 $_size__tile_overlayer_lowered;
	s21 =	sshll.u32 s28, $0x1;
	[sflag:s26] =	ssyncadd.s32 s16  }
0xb1: {  	s30 =	sshll.u32 s29, $0x1;
	s21 =	sadd.s32 s21, s20;
	s16 =	simm.s32 $0x0  }
0xb2: {  	[timem:s16], [sflag:s26] =	dma.local [hbm:s21], s30  }
0xb3: {  	_ =	swait.ge [sflag:s26], s30  }
0xb4: {  	s31 =	ssub.s32 $0x0, s30;
	[sflag:s26] =	ssyncset.done $0x0  }
0xb5: {  	[sflag:s26] =	ssyncadd.s32 s31;
	_ =	sdelay $0x1  }
0xb6: {  	s23 =	simm.s32 $0x1B8B  }
0xb7: {  	_ =	swait.ge [sflag:s23], $0x1  }
0xb8: {  	[sflag:s23] =	ssyncset.done $0x0  }
0xb9: {  	s25 =	simm.s32 $0x1B8E;
	s24 =	sld [smem:$0x3FFE];
	[sflag:s23] =	ssyncadd.s32 $0xFFFFFFFF  }
0xba: {  	s26 =	simm.s32 $execute0_lowered;
	[smem:$0x3FD2] =	sst s25  }
0xbb: {  	s22 =	sshll.u32 s26, $0x1;
	_ =	strace $0x80000046;
	[dreg:$0x1] =	wrdreg $0xFFFFFFFF  }
0xbc: {  	s28 =	simm.s32 $_size_execute0_lowered;
	s20 =	sadd.s32 s20, s22;
	[dreg:$0x0] =	wrdreg $0x0  }
0xbd: {  	s22 =	sshll.u32 s28, $0x1;
	[dreg:$0x2] =	wrdreg s20  }
0xbe: {  	[dreg:$0x3] =	wrdreg s22  }
0xbf: {  	[dreg:$0x4] =	wrdreg $0xC0  }
0xc0: {  	_ =	task [dreg:s16], $0x5FFFF  }
0xc1: {  	[dreg:$0x1] =	wrdreg $0xFFFFFFFF  }
0xc2: {  	[dreg:$0x0] =	wrdreg $0x30  }
0xc3: {  	[dreg:$0x2] =	wrdreg $0x0  }
0xc4: {  	[dreg:$0x3] =	wrdreg s17  }
0xc5: {  	[dreg:$0x4] =	wrdreg s18  }
0xc6: {  	[dreg:$0x5] =	wrdreg s19  }
0xc7: {  	[dreg:$0x6] =	wrdreg s24  }
0xc8: {  	[dreg:$0x7] =	wrdreg $0x9  }
0xc9: {  	_ =	task [dreg:s16], $0x8FFFF  }
0xca: {  	[dreg:$0x1] =	wrdreg $0xFFFFFFFF  }
0xcb: {  	[dreg:$0x0] =	wrdreg $0x60  }
0xcc: {  	[dreg:$0x2] =	wrdreg s2  }
0xcd: {  	[dreg:$0x3] =	wrdreg s3  }
0xce: {  	[dreg:$0x4] =	wrdreg s4  }
0xcf: {  	[dreg:$0x5] =	wrdreg s5  }
0xd0: {  	[dreg:$0x6] =	wrdreg s6  }
0xd1: {  	[dreg:$0x7] =	wrdreg s7  }
0xd2: {  	[dreg:$0x8] =	wrdreg s8  }
0xd3: {  	[dreg:$0x9] =	wrdreg s9  }
0xd4: {  	[dreg:$0xa] =	wrdreg s10  }
0xd5: {  	[dreg:$0xb] =	wrdreg s11  }
0xd6: {  	[dreg:$0xc] =	wrdreg s12  }
0xd7: {  	[dreg:$0xd] =	wrdreg s13  }
0xd8: {  	[dreg:$0xe] =	wrdreg s14  }
0xd9: {  	[dreg:$0xf] =	wrdreg s15  }
0xda: {  	_ =	task.clear_ibuf [dreg:s16], $0x10FFFF;
	_ =	strace $0x90000046  }
0xdb: {  	s29 =	simm.s32 $0x9;
	_ =	strace $0x80000048  }
0xdc: {  	_ =	swait.ge [sflag:s29], $0x1  }
0xdd: {  	[sflag:s29] =	ssyncadd.s32 $0xFFFFFFFF  }
0xde: {  	_ =	strace $0x90000048  }
0xdf: {  	_ =	sfence  }
0xe0: {  	s30 =	sld [smem:$0x0];
	_ =	sdelay $0x2  }
0xe1: {  	s31 =	sshll.u32 s1, $0xD;
	s1 =	sshrl.u32 s1, $0x2  }
0xe2: {  	s3 =	sand.u32 $0x4000, s31;
	s1 =	sadd.s32 s1, s30  }
0xe3: {  	s0 =	sor.u32 s3, s0;
	s1 =	sshll.u32 s1, $0x11  }
0xe4: {  	s0 =	sor.u32 s1, s0  }
0xe5: {  	s0 =	sadd.s32 $0x8F2B, s0  }
0xe6: {  	[sflag:s0] =	ssyncadd.remote.s32 $0x1  }
0xe7: {  	_ =	sfence.sel $0xFFFF  }
0xe8: {  	[dreg:$0x0] =	wrdreg $0xFFFFFFFF;
	(pc) =	sbr.abs _section_cstart, $3  }
0xe9: {  	[dreg:$0x1] =	wrdreg $0xFFFFFFFF  }
0xea: {  	_ =	task.clear_ibuf [dreg:s16], $0x2FFFF;
	_ =	strace $0x9FFFFFFF  }
0xeb: {  	(tm) =	ssettm $0x7FFFFFFF  }
tec
_tile_task_arg_handler_lowered:
.L_overlay_start_1:
0x0: {  	(tag) =	ssettag $0x1  }
0x1: {  	s0 =	rddreg [dreg:$0x0]  }
0x2: {  	s1 =	rddreg [dreg:$0x1]  }
0x3: {  	s2 =	rddreg [dreg:$0x2]  }
0x4: {  	s3 =	rddreg [dreg:$0x3]  }
0x5: {  	s4 =	rddreg [dreg:$0x4]  }
0x6: {  	s5 =	rddreg [dreg:$0x5]  }
0x7: {  	s6 =	rddreg [dreg:$0x6]  }
0x8: {  	s7 =	rddreg [dreg:$0x7]  }
0x9: {  	s8 =	rddreg [dreg:$0x8]  }
0xa: {  	s9 =	rddreg [dreg:$0x9]  }
0xb: {  	s10 =	rddreg [dreg:$0xa]  }
0xc: {  	s11 =	rddreg [dreg:$0xb]  }
0xd: {  	s12 =	rddreg [dreg:$0xc]  }
0xe: {  	s13 =	rddreg [dreg:$0xd]  }
0xf: {  	[smem:s0] =	sst s1  }
0x10: {  	[smem:s0+$0x1] =	sst s2  }
0x11: {  	[smem:s0+$0x2] =	sst s3  }
0x12: {  	[smem:s0+$0x3] =	sst s4  }
0x13: {  	[smem:s0+$0x4] =	sst s5  }
0x14: {  	[smem:s0+$0x5] =	sst s6  }
0x15: {  	[smem:s0+$0x6] =	sst s7  }
0x16: {  	[smem:s0+$0x7] =	sst s8  }
0x17: {  	[smem:s0+$0x8] =	sst s9  }
0x18: {  	[smem:s0+$0x9] =	sst s10  }
0x19: {  	[smem:s0+$0xA] =	sst s11  }
0x1a: {  	[smem:s0+$0xB] =	sst s12  }
0x1b: {  	[smem:s0+$0xC] =	sst s13;
	_ =	shalt  }
.Lfunc_end2:
execute0_lowered:
.L_overlay_start_2:
0x1c: {  	(tag) =	ssettag $0x2  }
0x1d: {  	s0 =	rddreg [dreg:$0x0]  }
0x1e: {  	s28 =	rddreg [dreg:$0x1]  }
0x1f: {  	s5 =	rddreg [dreg:$0x2]  }
0x20: {  	s6 =	rddreg [dreg:$0x3]  }
0x21: {  	s7 =	rddreg [dreg:$0x4]  }
0x22: {  	s8 =	rddreg [dreg:$0x5]  }
0x23: {  	s9 =	rddreg [dreg:$0x6]  }
0x24: {  	s10 =	rddreg [dreg:$0x7]  }
0x25: {  	s11 =	rddreg [dreg:$0x8]  }
0x26: {  	s12 =	rddreg [dreg:$0x9]  }
0x27: {  	s13 =	rddreg [dreg:$0xa]  }
0x28: {  	s14 =	rddreg [dreg:$0xb]  }
0x29: {  	s15 =	rddreg [dreg:$0xc]  }
0x2a: {  	s4 =	rddreg [dreg:$0xd];
	s26 =	simm.s32 $0x0  }
0x2b: {  	s1 =	srdreg.scid;
	[smem:$0x7FF] =	sst s26  }
0x2c: {  	s2 =	stileid.u32;
	s3 =	simm.s32 $0x5;
	s18 =	sld [smem:$0x0]  }
0x2d: {  	s31 =	simm.s32 $0x3400;
	p0 =	por $0x0, $0x0;
	s24 =	sld [smem:$0x1]  }
0x2e: {  	s1 =	sand.u32 $0x1, s1;
	s2 =	sshll.u32 s2, $0x1;
	s17 =	sld [smem:$0x4]  }
0x2f: {  	s2 =	sor.u32 s1, s2;
	s16 =	sld [smem:$0x3];
	s1 =	ssub.s32 $0x2, s1  }
0x30: {  	s20 =	sld [smem:$0x2];
	s2 =	smul.u32 $0x3400, s2;
	s22 =	sshrl.u32 s1, $0x1  }
0x31: {  	s1 =	ssub.s32 s1, s22;
	s22 =	simm.s32 $0x3;
	[dreg:$0x16] =	wrdreg s17  }
0x32: {  	s2 =	sshrl.u32 s2, $0x3;
	s29 =	smax.u32 s1, $0x1;
	s17 =	simm.s32 $0x10400  }
0x33: {  	s1 =	simm.s32 $0x2700;
	_ =	strace $0x80000047;
	s16 =	sadd.s32 s2, s16  }
0x34: {  	s0 =	sadd.s32 s0, s2;
	s2 =	simm.s32 $0xD00;
	[dreg:$0x14] =	wrdreg s24  }
0x35: {  	p1 =	sne.s32 s29, $0x1;
	[dreg:$0xe] =	wrdreg s0;
	s19 =	sadd.s32 $0x400, s16  }
.Ltmp0:
0x36: {  	s21 =	sadd.s32 $0x5A0, s16;
	[dreg:$0xf] =	wrdreg s19;
	(pc) =	sbr.rel @!p1 .LBB3_5-.Ltmp0, $4  }
0x37: {  	s23 =	sadd.s32 $0x740, s16;
	s25 =	sadd.s32 $0x8E0, s16;
	[dreg:$0x10] =	wrdreg s21  }
0x38: {  	s0 =	simm.s32 $0x1;
	s16 =	simm.s32 $0x68000;
	[dreg:$0x11] =	wrdreg s23  }
0x39: {  	[dreg:$0x12] =	wrdreg s25;
	s19 =	sadd.s32 $0xFFFFFFFF, s29;
	s23 =	simm.s32 $0x2  }
0x3a: {  	s25 =	simm.s32 $0x1A00;
	s21 =	simm.s32 $0x4;
	s30 =	rddreg [dreg:$0xe]  }
0x3b: {  	[tilespmem:s26], [sflag:$0x5] =	stream.linear.gather [hbm4b:s30+s26], $0x3400, $0x38;
	[tilespmem:$0x1D400] =	vst v63  }
0x3c: {  	_ =	swait.ge [sflag:s3], $0x3400  }
0x3d: {  	[sflag:s3] =	ssyncset.done $0x0  }
0x3e: {  	[sflag:s3] =	ssyncadd.s32 $0xFFFFCC00  }
0x3f: {  	[tilespmem:s31], [sflag:$0x1] =	stream.indirect.gather [hbm4b:s28+s2], $0x1, s26, s2, $0xb8;
	[tilespmem:$0x1D400] =	vst v63  }
0x40: {  	s31 =	simm.s32 $0x4100  }
0x41: {  	[tilespmem:s31], [sflag:$0x1] =	stream.indirect.gather [hbm4b:s5+s2], $0x1, s26, s2, $0xb8;
	[tilespmem:$0x1D400] =	vst v63  }
0x42: {  	s22 =	simm.s32 $0x4E00  }
0x43: {  	[tilespmem:s22], [sflag:$0x1] =	stream.indirect.gather [hbm4b:s6+s2], $0x1, s26, s2, $0xb8;
	[tilespmem:$0x1D400] =	vst v63  }
0x44: {  	s21 =	simm.s32 $0x5B00  }
0x45: {  	[tilespmem:s21], [sflag:$0x1] =	stream.indirect.gather [hbm4b:s7+s2], $0x1, s26, s2, $0xb8;
	[tilespmem:$0x1D400] =	vst v63  }
0x46: {  	s21 =	simm.s32 $0x6800  }
0x47: {  	[tilespmem:s21], [sflag:$0x1] =	stream.indirect.gather [hbm4b:s8+s2], $0x1, s26, s2, $0xb8;
	[tilespmem:$0x1D400] =	vst v63  }
0x48: {  	s22 =	simm.s32 $0x7500  }
0x49: {  	[tilespmem:s22], [sflag:$0x1] =	stream.indirect.gather [hbm4b:s9+s2], $0x1, s26, s2, $0xb8;
	[tilespmem:$0x1D400] =	vst v63  }
0x4a: {  	s22 =	simm.s32 $0x8200  }
0x4b: {  	[tilespmem:s22], [sflag:$0x1] =	stream.indirect.gather [hbm4b:s10+s2], $0x1, s26, s2, $0xb8;
	[tilespmem:$0x1D400] =	vst v63  }
0x4c: {  	s22 =	simm.s32 $0x8F00  }
0x4d: {  	[tilespmem:s22], [sflag:$0x1] =	stream.indirect.gather [hbm4b:s11+s2], $0x1, s26, s2, $0xb8;
	[tilespmem:$0x1D400] =	vst v63  }
0x4e: {  	s22 =	simm.s32 $0x9C00  }
0x4f: {  	[tilespmem:s22], [sflag:$0x1] =	stream.indirect.gather [hbm4b:s12+s2], $0x1, s26, s2, $0xb8;
	[tilespmem:$0x1D400] =	vst v63  }
0x50: {  	s22 =	simm.s32 $0xA900  }
0x51: {  	[tilespmem:s22], [sflag:$0x1] =	stream.indirect.gather [hbm4b:s13+s2], $0x1, s26, s2, $0xb8;
	[tilespmem:$0x1D400] =	vst v63  }
0x52: {  	s22 =	simm.s32 $0xB600  }
0x53: {  	[tilespmem:s22], [sflag:$0x1] =	stream.indirect.gather [hbm4b:s14+s2], $0x1, s26, s2, $0xb8;
	[tilespmem:$0x1D400] =	vst v63  }
0x54: {  	s22 =	simm.s32 $0xC300  }
0x55: {  	[tilespmem:s22], [sflag:$0x1] =	stream.indirect.gather [hbm4b:s15+s2], $0x1, s26, s2, $0xb8;
	[tilespmem:$0x1D400] =	vst v63  }
0x56: {  	s16 =	smov.u32 s5;
	s29 =	simm.s32 $0xD000;
	s5 =	smov.u32 s4  }
0x57: {  	[tilespmem:s29], [sflag:$0x1] =	stream.indirect.gather [hbm4b:s5+s2], $0x1, s26, s2, $0xb8;
	[tilespmem:$0x1D400] =	vst v63  }
0x58: {  	s4 =	simm.s32 $0xDD00  }
0x59: {  	[tilespmem:s4], [sflag:$0x1] =	stream.indirect.gather [hbm4b:s18+s2], $0x1, s26, s2, $0xb8;
	[tilespmem:$0x1D400] =	vst v63  }
0x5a: {  	s22 =	simm.s32 $0xEA00  }
0x5b: {  	[tilespmem:s22], [sflag:$0x1] =	stream.indirect.gather [hbm4b:s24+s2], $0x1, s26, s2, $0xb8;
	[tilespmem:$0x1D400] =	vst v63  }
0x5c: {  	s24 =	simm.s32 $0xF700  }
0x5d: {  	[tilespmem:s24], [sflag:$0x1] =	stream.indirect.gather [hbm4b:s20+s2], $0x1, s26, s2, $0xb8;
	[tilespmem:$0x1D400] =	vst v63  }
0x5e: {  	_ =	swait.ge [sflag:s0], $0xD00  }
0x5f: {  	[sflag:s0] =	ssyncset.done $0x0  }
0x60: {  	[sflag:s0] =	ssyncadd.s32 $0xFFFFF300  }
0x61: {  	_ =	swait.ge [sflag:s0], $0xD00  }
0x62: {  	[sflag:s0] =	ssyncset.done $0x0  }
0x63: {  	[sflag:s0] =	ssyncadd.s32 $0xFFFFF300  }
0x64: {  	_ =	swait.ge [sflag:s0], $0xD00  }
0x65: {  	[sflag:s0] =	ssyncset.done $0x0  }
0x66: {  	[sflag:s0] =	ssyncadd.s32 $0xFFFFF300  }
0x67: {  	_ =	swait.ge [sflag:s0], $0xD00  }
0x68: {  	[sflag:s0] =	ssyncset.done $0x0  }
0x69: {  	[sflag:s0] =	ssyncadd.s32 $0xFFFFF300  }
0x6a: {  	_ =	swait.ge [sflag:s0], $0xD00  }
0x6b: {  	[sflag:s0] =	ssyncset.done $0x0  }
0x6c: {  	[sflag:s0] =	ssyncadd.s32 $0xFFFFF300  }
0x6d: {  	_ =	swait.ge [sflag:s0], $0xD00  }
0x6e: {  	[sflag:s0] =	ssyncset.done $0x0  }
0x6f: {  	[sflag:s0] =	ssyncadd.s32 $0xFFFFF300  }
0x70: {  	_ =	swait.ge [sflag:s0], $0xD00  }
0x71: {  	[sflag:s0] =	ssyncset.done $0x0  }
0x72: {  	[sflag:s0] =	ssyncadd.s32 $0xFFFFF300  }
0x73: {  	_ =	swait.ge [sflag:s0], $0xD00  }
0x74: {  	[sflag:s0] =	ssyncset.done $0x0  }
0x75: {  	[sflag:s0] =	ssyncadd.s32 $0xFFFFF300  }
0x76: {  	_ =	swait.ge [sflag:s0], $0xD00  }
0x77: {  	[sflag:s0] =	ssyncset.done $0x0  }
0x78: {  	[sflag:s0] =	ssyncadd.s32 $0xFFFFF300  }
0x79: {  	_ =	swait.ge [sflag:s0], $0xD00  }
0x7a: {  	[sflag:s0] =	ssyncset.done $0x0  }
0x7b: {  	[sflag:s0] =	ssyncadd.s32 $0xFFFFF300  }
0x7c: {  	_ =	swait.ge [sflag:s0], $0xD00  }
0x7d: {  	[sflag:s0] =	ssyncset.done $0x0  }
0x7e: {  	[sflag:s0] =	ssyncadd.s32 $0xFFFFF300  }
0x7f: {  	_ =	swait.ge [sflag:s0], $0xD00  }
0x80: {  	[sflag:s0] =	ssyncset.done $0x0  }
0x81: {  	[sflag:s0] =	ssyncadd.s32 $0xFFFFF300  }
0x82: {  	_ =	swait.ge [sflag:s0], $0xD00  }
0x83: {  	[sflag:s0] =	ssyncset.done $0x0  }
0x84: {  	[sflag:s0] =	ssyncadd.s32 $0xFFFFF300  }
0x85: {  	_ =	swait.ge [sflag:s0], $0xD00  }
0x86: {  	[sflag:s0] =	ssyncset.done $0x0  }
0x87: {  	[sflag:s0] =	ssyncadd.s32 $0xFFFFF300  }
0x88: {  	_ =	swait.ge [sflag:s0], $0xD00  }
0x89: {  	[sflag:s0] =	ssyncset.done $0x0  }
0x8a: {  	[sflag:s0] =	ssyncadd.s32 $0xFFFFF300  }
0x8b: {  	_ =	swait.ge [sflag:s0], $0xD00  }
0x8c: {  	s3 =	simm.s32 $0x68000;
	[sflag:s0] =	ssyncset.done $0x0  }
0x8d: {  	s28 =	simm.s32 $0x3400;
	s30 =	rddreg [dreg:$0xf];
	[sflag:s0] =	ssyncadd.s32 $0xFFFFF300  }
0x8e: {  	[hbm4b:s30+s2] =	stream.strided.scatter [tilespmem:s28], [sflag:$0x3], $0xD000, s3, s2, $0x38;
	[tilespmem:$0x1D400] =	vst v63  }
0x8f: {  	s17 =	simm.s32 $0x10400;
	s30 =	rddreg [dreg:$0x1]  }
0x90: {  	[tilespmem:s17], [sflag:$0x2] =	stream.indirect.gather [hbm4b:s30+s2], $0x1, s2, s2, $0xb8;
	[tilespmem:$0x1D400] =	vst v63  }
0x91: {  	s3 =	simm.s32 $0x11100  }
0x92: {  	[tilespmem:s3], [sflag:$0x2] =	stream.indirect.gather [hbm4b:s16+s2], $0x1, s2, s2, $0xb8;
	[tilespmem:$0x1D400] =	vst v63  }
0x93: {  	s3 =	simm.s32 $0x11E00  }
0x94: {  	[tilespmem:s3], [sflag:$0x2] =	stream.indirect.gather [hbm4b:s6+s2], $0x1, s2, s2, $0xb8;
	[tilespmem:$0x1D400] =	vst v63  }
0x95: {  	s3 =	simm.s32 $0x12B00  }
0x96: {  	[tilespmem:s3], [sflag:$0x2] =	stream.indirect.gather [hbm4b:s7+s2], $0x1, s2, s2, $0xb8;
	[tilespmem:$0x1D400] =	vst v63  }
0x97: {  	s3 =	simm.s32 $0x13800  }
0x98: {  	[tilespmem:s3], [sflag:$0x2] =	stream.indirect.gather [hbm4b:s8+s2], $0x1, s2, s2, $0xb8;
	[tilespmem:$0x1D400] =	vst v63  }
0x99: {  	s3 =	simm.s32 $0x14500  }
0x9a: {  	[tilespmem:s3], [sflag:$0x2] =	stream.indirect.gather [hbm4b:s9+s2], $0x1, s2, s2, $0xb8;
	[tilespmem:$0x1D400] =	vst v63  }
0x9b: {  	s3 =	simm.s32 $0x15200  }
0x9c: {  	[tilespmem:s3], [sflag:$0x2] =	stream.indirect.gather [hbm4b:s10+s2], $0x1, s2, s2, $0xb8;
	[tilespmem:$0x1D400] =	vst v63  }
0x9d: {  	s3 =	simm.s32 $0x15F00  }
0x9e: {  	[tilespmem:s3], [sflag:$0x2] =	stream.indirect.gather [hbm4b:s11+s2], $0x1, s2, s2, $0xb8;
	[tilespmem:$0x1D400] =	vst v63  }
0x9f: {  	s3 =	simm.s32 $0x16C00  }
0xa0: {  	[tilespmem:s3], [sflag:$0x2] =	stream.indirect.gather [hbm4b:s12+s2], $0x1, s2, s2, $0xb8;
	[tilespmem:$0x1D400] =	vst v63  }
0xa1: {  	s3 =	simm.s32 $0x17900  }
0xa2: {  	[tilespmem:s3], [sflag:$0x2] =	stream.indirect.gather [hbm4b:s13+s2], $0x1, s2, s2, $0xb8;
	[tilespmem:$0x1D400] =	vst v63  }
0xa3: {  	[dreg:$0x15] =	wrdreg s20;
	s20 =	simm.s32 $0x18600  }
0xa4: {  	[tilespmem:s20], [sflag:$0x2] =	stream.indirect.gather [hbm4b:s14+s2], $0x1, s2, s2, $0xb8;
	[tilespmem:$0x1D400] =	vst v63  }
0xa5: {  	s3 =	simm.s32 $0x19300  }
0xa6: {  	[tilespmem:s3], [sflag:$0x2] =	stream.indirect.gather [hbm4b:s15+s2], $0x1, s2, s2, $0xb8;
	[tilespmem:$0x1D400] =	vst v63  }
0xa7: {  	[dreg:$0x13] =	wrdreg s18;
	s3 =	simm.s32 $0x1A000  }
0xa8: {  	[tilespmem:s3], [sflag:$0x2] =	stream.indirect.gather [hbm4b:s5+s2], $0x1, s2, s2, $0xb8;
	[tilespmem:$0x1D400] =	vst v63  }
0xa9: {  	s30 =	rddreg [dreg:$0x13];
	s3 =	simm.s32 $0x1AD00  }
0xaa: {  	[tilespmem:s3], [sflag:$0x2] =	stream.indirect.gather [hbm4b:s30+s2], $0x1, s2, s2, $0xb8;
	[tilespmem:$0x1D400] =	vst v63  }
0xab: {  	s30 =	rddreg [dreg:$0x14];
	s3 =	simm.s32 $0x1BA00  }
0xac: {  	[tilespmem:s3], [sflag:$0x2] =	stream.indirect.gather [hbm4b:s30+s2], $0x1, s2, s2, $0xb8;
	[tilespmem:$0x1D400] =	vst v63  }
0xad: {  	s30 =	rddreg [dreg:$0x15];
	s3 =	simm.s32 $0x1C700  }
0xae: {  	[tilespmem:s3], [sflag:$0x2] =	stream.indirect.gather [hbm4b:s30+s2], $0x1, s2, s2, $0xb8;
	[tilespmem:$0x1D400] =	vst v63  }
0xaf: {  	_ =	swait.ge [sflag:s23], $0xD00  }
0xb0: {  	[sflag:s23] =	ssyncset.done $0x0  }
0xb1: {  	[sflag:s23] =	ssyncadd.s32 $0xFFFFF300  }
0xb2: {  	_ =	swait.ge [sflag:s23], $0xD00  }
0xb3: {  	[sflag:s23] =	ssyncset.done $0x0  }
0xb4: {  	[sflag:s23] =	ssyncadd.s32 $0xFFFFF300  }
0xb5: {  	_ =	swait.ge [sflag:s23], $0xD00  }
0xb6: {  	[sflag:s23] =	ssyncset.done $0x0  }
0xb7: {  	[sflag:s23] =	ssyncadd.s32 $0xFFFFF300  }
0xb8: {  	_ =	swait.ge [sflag:s23], $0xD00  }
0xb9: {  	[sflag:s23] =	ssyncset.done $0x0  }
0xba: {  	[sflag:s23] =	ssyncadd.s32 $0xFFFFF300  }
0xbb: {  	_ =	swait.ge [sflag:s23], $0xD00  }
0xbc: {  	[sflag:s23] =	ssyncset.done $0x0  }
0xbd: {  	[sflag:s23] =	ssyncadd.s32 $0xFFFFF300  }
0xbe: {  	_ =	swait.ge [sflag:s23], $0xD00  }
0xbf: {  	[sflag:s23] =	ssyncset.done $0x0  }
0xc0: {  	[sflag:s23] =	ssyncadd.s32 $0xFFFFF300  }
0xc1: {  	_ =	swait.ge [sflag:s23], $0xD00  }
0xc2: {  	[sflag:s23] =	ssyncset.done $0x0  }
0xc3: {  	[sflag:s23] =	ssyncadd.s32 $0xFFFFF300  }
0xc4: {  	_ =	swait.ge [sflag:s23], $0xD00  }
0xc5: {  	[sflag:s23] =	ssyncset.done $0x0  }
0xc6: {  	[sflag:s23] =	ssyncadd.s32 $0xFFFFF300  }
0xc7: {  	_ =	swait.ge [sflag:s23], $0xD00  }
0xc8: {  	[sflag:s23] =	ssyncset.done $0x0  }
0xc9: {  	[sflag:s23] =	ssyncadd.s32 $0xFFFFF300  }
0xca: {  	_ =	swait.ge [sflag:s23], $0xD00  }
0xcb: {  	[sflag:s23] =	ssyncset.done $0x0  }
0xcc: {  	[sflag:s23] =	ssyncadd.s32 $0xFFFFF300  }
0xcd: {  	_ =	swait.ge [sflag:s23], $0xD00  }
0xce: {  	[sflag:s23] =	ssyncset.done $0x0  }
0xcf: {  	[sflag:s23] =	ssyncadd.s32 $0xFFFFF300  }
0xd0: {  	_ =	swait.ge [sflag:s23], $0xD00  }
0xd1: {  	[sflag:s23] =	ssyncset.done $0x0  }
0xd2: {  	[sflag:s23] =	ssyncadd.s32 $0xFFFFF300  }
0xd3: {  	_ =	swait.ge [sflag:s23], $0xD00  }
0xd4: {  	[sflag:s23] =	ssyncset.done $0x0  }
0xd5: {  	[sflag:s23] =	ssyncadd.s32 $0xFFFFF300  }
0xd6: {  	_ =	swait.ge [sflag:s23], $0xD00  }
0xd7: {  	[sflag:s23] =	ssyncset.done $0x0  }
0xd8: {  	[sflag:s23] =	ssyncadd.s32 $0xFFFFF300  }
0xd9: {  	_ =	swait.ge [sflag:s23], $0xD00  }
0xda: {  	[sflag:s23] =	ssyncset.done $0x0  }
0xdb: {  	[sflag:s23] =	ssyncadd.s32 $0xFFFFF300  }
0xdc: {  	_ =	swait.ge [sflag:s23], $0xD00  }
0xdd: {  	s18 =	simm.s32 $0x3;
	[sflag:s23] =	ssyncset.done $0x0  }
0xde: {  	s3 =	simm.s32 $0x68000;
	s30 =	rddreg [dreg:$0x10];
	[sflag:s23] =	ssyncadd.s32 $0xFFFFF300  }
0xdf: {  	[hbm4b:s30+s2] =	stream.strided.scatter [tilespmem:s17], [sflag:$0x4], $0xD000, s3, s2, $0x38;
	[tilespmem:$0x1D400] =	vst v63  }
0xe0: {  	_ =	swait.ge [sflag:s18], $0xD000  }
0xe1: {  	[sflag:s18] =	ssyncset.done $0x0  }
0xe2: {  	[sflag:s18] =	ssyncadd.s32 $0xFFFF3000  }
0xe3: {  	s30 =	rddreg [dreg:$0x1]  }
0xe4: {  	[tilespmem:s28], [sflag:$0x1] =	stream.indirect.gather [hbm4b:s30+s2], $0x1, s25, s2, $0xb8;
	[tilespmem:$0x1D400] =	vst v63  }
0xe5: {  	_ = 	snop  }
0xe6: {  	[tilespmem:s31], [sflag:$0x1] =	stream.indirect.gather [hbm4b:s16+s2], $0x1, s25, s2, $0xb8;
	[tilespmem:$0x1D400] =	vst v63  }
0xe7: {  	s17 =	simm.s32 $0x4E00  }
0xe8: {  	[tilespmem:s17], [sflag:$0x1] =	stream.indirect.gather [hbm4b:s6+s2], $0x1, s25, s2, $0xb8;
	[tilespmem:$0x1D400] =	vst v63  }
0xe9: {  	s17 =	simm.s32 $0x5B00  }
0xea: {  	[tilespmem:s17], [sflag:$0x1] =	stream.indirect.gather [hbm4b:s7+s2], $0x1, s25, s2, $0xb8;
	[tilespmem:$0x1D400] =	vst v63  }
0xeb: {  	_ = 	snop  }
0xec: {  	[tilespmem:s21], [sflag:$0x1] =	stream.indirect.gather [hbm4b:s8+s2], $0x1, s25, s2, $0xb8;
	[tilespmem:$0x1D400] =	vst v63  }
0xed: {  	s21 =	simm.s32 $0x7500  }
0xee: {  	[tilespmem:s21], [sflag:$0x1] =	stream.indirect.gather [hbm4b:s9+s2], $0x1, s25, s2, $0xb8;
	[tilespmem:$0x1D400] =	vst v63  }
0xef: {  	s21 =	simm.s32 $0x8200  }
0xf0: {  	[tilespmem:s21], [sflag:$0x1] =	stream.indirect.gather [hbm4b:s10+s2], $0x1, s25, s2, $0xb8;
	[tilespmem:$0x1D400] =	vst v63  }
0xf1: {  	s21 =	simm.s32 $0x8F00  }
0xf2: {  	[tilespmem:s21], [sflag:$0x1] =	stream.indirect.gather [hbm4b:s11+s2], $0x1, s25, s2, $0xb8;
	[tilespmem:$0x1D400] =	vst v63  }
0xf3: {  	s21 =	simm.s32 $0x9C00  }
0xf4: {  	[tilespmem:s21], [sflag:$0x1] =	stream.indirect.gather [hbm4b:s12+s2], $0x1, s25, s2, $0xb8;
	[tilespmem:$0x1D400] =	vst v63  }
0xf5: {  	s21 =	simm.s32 $0xA900  }
0xf6: {  	[tilespmem:s21], [sflag:$0x1] =	stream.indirect.gather [hbm4b:s13+s2], $0x1, s25, s2, $0xb8;
	[tilespmem:$0x1D400] =	vst v63  }
0xf7: {  	s21 =	simm.s32 $0xB600  }
0xf8: {  	[tilespmem:s21], [sflag:$0x1] =	stream.indirect.gather [hbm4b:s14+s2], $0x1, s25, s2, $0xb8;
	[tilespmem:$0x1D400] =	vst v63  }
0xf9: {  	s17 =	simm.s32 $0xC300  }
0xfa: {  	[tilespmem:s17], [sflag:$0x1] =	stream.indirect.gather [hbm4b:s15+s2], $0x1, s25, s2, $0xb8;
	[tilespmem:$0x1D400] =	vst v63  }
0xfb: {  	_ = 	snop  }
0xfc: {  	[tilespmem:s29], [sflag:$0x1] =	stream.indirect.gather [hbm4b:s5+s2], $0x1, s25, s2, $0xb8;
	[tilespmem:$0x1D400] =	vst v63  }
0xfd: {  	s18 =	rddreg [dreg:$0x13]  }
0xfe: {  	[tilespmem:s4], [sflag:$0x1] =	stream.indirect.gather [hbm4b:s18+s2], $0x1, s25, s2, $0xb8;
	[tilespmem:$0x1D400] =	vst v63  }
0xff: {  	s17 =	rddreg [dreg:$0x14]  }
0x100: {  	[tilespmem:s22], [sflag:$0x1] =	stream.indirect.gather [hbm4b:s17+s2], $0x1, s25, s2, $0xb8;
	[tilespmem:$0x1D400] =	vst v63  }
0x101: {  	s22 =	rddreg [dreg:$0x15]  }
0x102: {  	[tilespmem:s24], [sflag:$0x1] =	stream.indirect.gather [hbm4b:s22+s2], $0x1, s25, s2, $0xb8;
	[tilespmem:$0x1D400] =	vst v63  }
0x103: {  	s28 =	rddreg [dreg:$0x1];
	_ =	swait.ge [sflag:s0], $0xD00  }
0x104: {  	[sflag:s0] =	ssyncset.done $0x0  }
0x105: {  	[sflag:s0] =	ssyncadd.s32 $0xFFFFF300  }
0x106: {  	_ =	swait.ge [sflag:s0], $0xD00  }
0x107: {  	[sflag:s0] =	ssyncset.done $0x0  }
0x108: {  	[sflag:s0] =	ssyncadd.s32 $0xFFFFF300  }
0x109: {  	_ =	swait.ge [sflag:s0], $0xD00  }
0x10a: {  	[sflag:s0] =	ssyncset.done $0x0  }
0x10b: {  	[sflag:s0] =	ssyncadd.s32 $0xFFFFF300  }
0x10c: {  	_ =	swait.ge [sflag:s0], $0xD00  }
0x10d: {  	[sflag:s0] =	ssyncset.done $0x0  }
0x10e: {  	[sflag:s0] =	ssyncadd.s32 $0xFFFFF300  }
0x10f: {  	_ =	swait.ge [sflag:s0], $0xD00  }
0x110: {  	[sflag:s0] =	ssyncset.done $0x0  }
0x111: {  	[sflag:s0] =	ssyncadd.s32 $0xFFFFF300  }
0x112: {  	_ =	swait.ge [sflag:s0], $0xD00  }
0x113: {  	[sflag:s0] =	ssyncset.done $0x0  }
0x114: {  	[sflag:s0] =	ssyncadd.s32 $0xFFFFF300  }
0x115: {  	_ =	swait.ge [sflag:s0], $0xD00  }
0x116: {  	[sflag:s0] =	ssyncset.done $0x0  }
0x117: {  	[sflag:s0] =	ssyncadd.s32 $0xFFFFF300  }
0x118: {  	_ =	swait.ge [sflag:s0], $0xD00  }
0x119: {  	[sflag:s0] =	ssyncset.done $0x0  }
0x11a: {  	[sflag:s0] =	ssyncadd.s32 $0xFFFFF300  }
0x11b: {  	_ =	swait.ge [sflag:s0], $0xD00  }
0x11c: {  	[sflag:s0] =	ssyncset.done $0x0  }
0x11d: {  	[sflag:s0] =	ssyncadd.s32 $0xFFFFF300  }
0x11e: {  	_ =	swait.ge [sflag:s0], $0xD00  }
0x11f: {  	[sflag:s0] =	ssyncset.done $0x0  }
0x120: {  	[sflag:s0] =	ssyncadd.s32 $0xFFFFF300  }
0x121: {  	_ =	swait.ge [sflag:s0], $0xD00  }
0x122: {  	[sflag:s0] =	ssyncset.done $0x0  }
0x123: {  	[sflag:s0] =	ssyncadd.s32 $0xFFFFF300  }
0x124: {  	_ =	swait.ge [sflag:s0], $0xD00  }
0x125: {  	[sflag:s0] =	ssyncset.done $0x0  }
0x126: {  	[sflag:s0] =	ssyncadd.s32 $0xFFFFF300  }
0x127: {  	_ =	swait.ge [sflag:s0], $0xD00  }
0x128: {  	[sflag:s0] =	ssyncset.done $0x0  }
0x129: {  	[sflag:s0] =	ssyncadd.s32 $0xFFFFF300  }
0x12a: {  	_ =	swait.ge [sflag:s0], $0xD00  }
0x12b: {  	[sflag:s0] =	ssyncset.done $0x0  }
0x12c: {  	[sflag:s0] =	ssyncadd.s32 $0xFFFFF300  }
0x12d: {  	_ =	swait.ge [sflag:s0], $0xD00  }
0x12e: {  	[sflag:s0] =	ssyncset.done $0x0  }
0x12f: {  	[sflag:s0] =	ssyncadd.s32 $0xFFFFF300  }
0x130: {  	_ =	swait.ge [sflag:s0], $0xD00  }
0x131: {  	s31 =	simm.s32 $0x3400;
	[sflag:s0] =	ssyncset.done $0x0  }
0x132: {  	s21 =	simm.s32 $0x4;
	s30 =	rddreg [dreg:$0x11];
	[sflag:s0] =	ssyncadd.s32 $0xFFFFF300  }
0x133: {  	[hbm4b:s30+s2] =	stream.strided.scatter [tilespmem:s31], [sflag:$0x3], $0xD000, s3, s2, $0x38;
	[tilespmem:$0x1D400] =	vst v63  }
0x134: {  	_ =	swait.ge [sflag:s21], $0xD000  }
0x135: {  	[sflag:s21] =	ssyncset.done $0x0  }
0x136: {  	s4 =	simm.s32 $0x10400;
	[sflag:s21] =	ssyncadd.s32 $0xFFFF3000  }
0x137: {  	[tilespmem:s4], [sflag:$0x2] =	stream.indirect.gather [hbm4b:s28+s2], $0x1, s1, s2, $0xb8;
	[tilespmem:$0x1D400] =	vst v63  }
0x138: {  	s24 =	simm.s32 $0x11100  }
0x139: {  	[tilespmem:s24], [sflag:$0x2] =	stream.indirect.gather [hbm4b:s16+s2], $0x1, s1, s2, $0xb8;
	[tilespmem:$0x1D400] =	vst v63  }
0x13a: {  	s17 =	simm.s32 $0x11E00  }
0x13b: {  	[tilespmem:s17], [sflag:$0x2] =	stream.indirect.gather [hbm4b:s6+s2], $0x1, s1, s2, $0xb8;
	[tilespmem:$0x1D400] =	vst v63  }
0x13c: {  	s22 =	simm.s32 $0x12B00  }
0x13d: {  	[tilespmem:s22], [sflag:$0x2] =	stream.indirect.gather [hbm4b:s7+s2], $0x1, s1, s2, $0xb8;
	[tilespmem:$0x1D400] =	vst v63  }
0x13e: {  	s7 =	simm.s32 $0x13800  }
0x13f: {  	[tilespmem:s7], [sflag:$0x2] =	stream.indirect.gather [hbm4b:s8+s2], $0x1, s1, s2, $0xb8;
	[tilespmem:$0x1D400] =	vst v63  }
0x140: {  	s8 =	simm.s32 $0x14500  }
0x141: {  	[tilespmem:s8], [sflag:$0x2] =	stream.indirect.gather [hbm4b:s9+s2], $0x1, s1, s2, $0xb8;
	[tilespmem:$0x1D400] =	vst v63  }
0x142: {  	s9 =	simm.s32 $0x15200  }
0x143: {  	[tilespmem:s9], [sflag:$0x2] =	stream.indirect.gather [hbm4b:s10+s2], $0x1, s1, s2, $0xb8;
	[tilespmem:$0x1D400] =	vst v63  }
0x144: {  	s10 =	simm.s32 $0x15F00  }
0x145: {  	[tilespmem:s10], [sflag:$0x2] =	stream.indirect.gather [hbm4b:s11+s2], $0x1, s1, s2, $0xb8;
	[tilespmem:$0x1D400] =	vst v63  }
0x146: {  	s11 =	simm.s32 $0x16C00  }
0x147: {  	[tilespmem:s11], [sflag:$0x2] =	stream.indirect.gather [hbm4b:s12+s2], $0x1, s1, s2, $0xb8;
	[tilespmem:$0x1D400] =	vst v63  }
0x148: {  	s12 =	simm.s32 $0x17900  }
0x149: {  	[tilespmem:s12], [sflag:$0x2] =	stream.indirect.gather [hbm4b:s13+s2], $0x1, s1, s2, $0xb8;
	[tilespmem:$0x1D400] =	vst v63  }
0x14a: {  	_ = 	snop  }
0x14b: {  	[tilespmem:s20], [sflag:$0x2] =	stream.indirect.gather [hbm4b:s14+s2], $0x1, s1, s2, $0xb8;
	[tilespmem:$0x1D400] =	vst v63  }
0x14c: {  	s13 =	simm.s32 $0x19300  }
0x14d: {  	[tilespmem:s13], [sflag:$0x2] =	stream.indirect.gather [hbm4b:s15+s2], $0x1, s1, s2, $0xb8;
	[tilespmem:$0x1D400] =	vst v63  }
0x14e: {  	s14 =	simm.s32 $0x1A000  }
0x14f: {  	[tilespmem:s14], [sflag:$0x2] =	stream.indirect.gather [hbm4b:s5+s2], $0x1, s1, s2, $0xb8;
	[tilespmem:$0x1D400] =	vst v63  }
0x150: {  	s15 =	simm.s32 $0x1AD00  }
0x151: {  	[tilespmem:s15], [sflag:$0x2] =	stream.indirect.gather [hbm4b:s18+s2], $0x1, s1, s2, $0xb8;
	[tilespmem:$0x1D400] =	vst v63  }
0x152: {  	s24 =	rddreg [dreg:$0x14];
	s16 =	simm.s32 $0x1BA00  }
0x153: {  	[tilespmem:s16], [sflag:$0x2] =	stream.indirect.gather [hbm4b:s24+s2], $0x1, s1, s2, $0xb8;
	[tilespmem:$0x1D400] =	vst v63  }
0x154: {  	s17 =	simm.s32 $0x1C700;
	s20 =	rddreg [dreg:$0x15]  }
0x155: {  	[tilespmem:s17], [sflag:$0x2] =	stream.indirect.gather [hbm4b:s20+s2], $0x1, s1, s2, $0xb8;
	[tilespmem:$0x1D400] =	vst v63  }
0x156: {  	_ =	swait.ge [sflag:s23], $0xD00  }
0x157: {  	[sflag:s23] =	ssyncset.done $0x0  }
0x158: {  	[sflag:s23] =	ssyncadd.s32 $0xFFFFF300  }
0x159: {  	_ =	swait.ge [sflag:s23], $0xD00  }
0x15a: {  	[sflag:s23] =	ssyncset.done $0x0  }
0x15b: {  	[sflag:s23] =	ssyncadd.s32 $0xFFFFF300  }
0x15c: {  	_ =	swait.ge [sflag:s23], $0xD00  }
0x15d: {  	[sflag:s23] =	ssyncset.done $0x0  }
0x15e: {  	[sflag:s23] =	ssyncadd.s32 $0xFFFFF300  }
0x15f: {  	_ =	swait.ge [sflag:s23], $0xD00  }
0x160: {  	[sflag:s23] =	ssyncset.done $0x0  }
0x161: {  	[sflag:s23] =	ssyncadd.s32 $0xFFFFF300  }
0x162: {  	_ =	swait.ge [sflag:s23], $0xD00  }
0x163: {  	[sflag:s23] =	ssyncset.done $0x0  }
0x164: {  	[sflag:s23] =	ssyncadd.s32 $0xFFFFF300  }
0x165: {  	_ =	swait.ge [sflag:s23], $0xD00  }
0x166: {  	[sflag:s23] =	ssyncset.done $0x0  }
0x167: {  	[sflag:s23] =	ssyncadd.s32 $0xFFFFF300  }
0x168: {  	_ =	swait.ge [sflag:s23], $0xD00  }
0x169: {  	[sflag:s23] =	ssyncset.done $0x0  }
0x16a: {  	[sflag:s23] =	ssyncadd.s32 $0xFFFFF300  }
0x16b: {  	_ =	swait.ge [sflag:s23], $0xD00  }
0x16c: {  	[sflag:s23] =	ssyncset.done $0x0  }
0x16d: {  	[sflag:s23] =	ssyncadd.s32 $0xFFFFF300  }
0x16e: {  	_ =	swait.ge [sflag:s23], $0xD00  }
0x16f: {  	[sflag:s23] =	ssyncset.done $0x0  }
0x170: {  	[sflag:s23] =	ssyncadd.s32 $0xFFFFF300  }
0x171: {  	_ =	swait.ge [sflag:s23], $0xD00  }
0x172: {  	[sflag:s23] =	ssyncset.done $0x0  }
0x173: {  	[sflag:s23] =	ssyncadd.s32 $0xFFFFF300  }
0x174: {  	_ =	swait.ge [sflag:s23], $0xD00  }
0x175: {  	[sflag:s23] =	ssyncset.done $0x0  }
0x176: {  	[sflag:s23] =	ssyncadd.s32 $0xFFFFF300  }
0x177: {  	_ =	swait.ge [sflag:s23], $0xD00  }
0x178: {  	[sflag:s23] =	ssyncset.done $0x0  }
0x179: {  	[sflag:s23] =	ssyncadd.s32 $0xFFFFF300  }
0x17a: {  	_ =	swait.ge [sflag:s23], $0xD00  }
0x17b: {  	[sflag:s23] =	ssyncset.done $0x0  }
0x17c: {  	[sflag:s23] =	ssyncadd.s32 $0xFFFFF300  }
0x17d: {  	_ =	swait.ge [sflag:s23], $0xD00  }
0x17e: {  	[sflag:s23] =	ssyncset.done $0x0  }
0x17f: {  	[sflag:s23] =	ssyncadd.s32 $0xFFFFF300  }
0x180: {  	_ =	swait.ge [sflag:s23], $0xD00  }
0x181: {  	[sflag:s23] =	ssyncset.done $0x0  }
0x182: {  	[sflag:s23] =	ssyncadd.s32 $0xFFFFF300  }
0x183: {  	_ =	swait.ge [sflag:s23], $0xD00  }
0x184: {  	p1 =	sne.s32 s19, $0x1;
	s3 =	simm.s32 $0x68000;
	[sflag:s23] =	ssyncset.done $0x0  }
0x185: {  	s22 =	simm.s32 $0x3;
	s30 =	rddreg [dreg:$0x12];
	[sflag:s23] =	ssyncadd.s32 $0xFFFFF300  }
0x186: {  	[hbm4b:s30+s2] =	stream.strided.scatter [tilespmem:s4], [sflag:$0x4], $0xD000, s3, s2, $0x38;
	[tilespmem:$0x1D400] =	vst v63  }
.Ltmp1:
0x187: {  	_ =	swait.ge [sflag:s22], $0xD000;
	(pc) =	sbr.rel @!p1 .LBB3_6-.Ltmp1, $4  }
0x188: {  	[sflag:s22] =	ssyncset.done $0x0  }
0x189: {  	[sflag:s22] =	ssyncadd.s32 $0xFFFF3000  }
0x18a: {  	p0 =	por $0x1, $0x1;
	_ =	swait.ge [sflag:s21], $0xD000  }
0x18b: {  	s29 =	sadd.s32 $0xFFFFFFFF, s19;
	s30 =	rddreg [dreg:$0xe];
	[sflag:s21] =	ssyncset.done $0x0  }
0x18c: {  	s17 =	simm.s32 $0x68000  }
.LBB3_3:
0x18d: {  	[sflag:s21] =	ssyncadd.s32 $0xFFFF3000;
	s3 =	simm.s32 $0x5  }
0x18e: {  	[tilespmem:s26], [sflag:$0x5] =	stream.linear.gather [hbm4b:s30+s26], $0x3400, $0x38;
	[tilespmem:$0x1D400] =	vst v63  }
0x18f: {  	_ =	swait.ge [sflag:s3], $0x3400  }
0x190: {  	[sflag:s3] =	ssyncset.done $0x0  }
0x191: {  	[sflag:s3] =	ssyncadd.s32 $0xFFFFCC00  }
0x192: {  	[tilespmem:s31], [sflag:$0x1] =	stream.indirect.gather [hbm4b:s28+s2], $0x1, s26, s2, $0xb8;
	[tilespmem:$0x1D400] =	vst v63  }
0x193: {  	s31 =	simm.s32 $0x4100;
	s13 =	rddreg [dreg:$0x2]  }
0x194: {  	[tilespmem:s31], [sflag:$0x1] =	stream.indirect.gather [hbm4b:s13+s2], $0x1, s26, s2, $0xb8;
	[tilespmem:$0x1D400] =	vst v63  }
0x195: {  	s28 =	simm.s32 $0x4E00;
	s12 =	rddreg [dreg:$0x3]  }
0x196: {  	[tilespmem:s28], [sflag:$0x1] =	stream.indirect.gather [hbm4b:s12+s2], $0x1, s26, s2, $0xb8;
	[tilespmem:$0x1D400] =	vst v63  }
0x197: {  	s19 =	simm.s32 $0x5B00;
	s10 =	rddreg [dreg:$0x4]  }
0x198: {  	[tilespmem:s19], [sflag:$0x1] =	stream.indirect.gather [hbm4b:s10+s2], $0x1, s26, s2, $0xb8;
	[tilespmem:$0x1D400] =	vst v63  }
0x199: {  	s21 =	simm.s32 $0x6800;
	s11 =	rddreg [dreg:$0x5]  }
0x19a: {  	[tilespmem:s21], [sflag:$0x1] =	stream.indirect.gather [hbm4b:s11+s2], $0x1, s26, s2, $0xb8;
	[tilespmem:$0x1D400] =	vst v63  }
0x19b: {  	s22 =	simm.s32 $0x7500;
	s8 =	rddreg [dreg:$0x6]  }
0x19c: {  	[tilespmem:s22], [sflag:$0x1] =	stream.indirect.gather [hbm4b:s8+s2], $0x1, s26, s2, $0xb8;
	[tilespmem:$0x1D400] =	vst v63  }
0x19d: {  	s6 =	simm.s32 $0x8200;
	s9 =	rddreg [dreg:$0x7]  }
0x19e: {  	[tilespmem:s6], [sflag:$0x1] =	stream.indirect.gather [hbm4b:s9+s2], $0x1, s26, s2, $0xb8;
	[tilespmem:$0x1D400] =	vst v63  }
0x19f: {  	s7 =	simm.s32 $0x8F00;
	s6 =	rddreg [dreg:$0x8]  }
0x1a0: {  	[tilespmem:s7], [sflag:$0x1] =	stream.indirect.gather [hbm4b:s6+s2], $0x1, s26, s2, $0xb8;
	[tilespmem:$0x1D400] =	vst v63  }
0x1a1: {  	s14 =	simm.s32 $0x9C00;
	s7 =	rddreg [dreg:$0x9]  }
0x1a2: {  	[tilespmem:s14], [sflag:$0x1] =	stream.indirect.gather [hbm4b:s7+s2], $0x1, s26, s2, $0xb8;
	[tilespmem:$0x1D400] =	vst v63  }
0x1a3: {  	s15 =	simm.s32 $0xA900;
	s14 =	rddreg [dreg:$0xa]  }
0x1a4: {  	[tilespmem:s15], [sflag:$0x1] =	stream.indirect.gather [hbm4b:s14+s2], $0x1, s26, s2, $0xb8;
	[tilespmem:$0x1D400] =	vst v63  }
0x1a5: {  	s16 =	simm.s32 $0xB600;
	s5 =	rddreg [dreg:$0xb]  }
0x1a6: {  	[tilespmem:s16], [sflag:$0x1] =	stream.indirect.gather [hbm4b:s5+s2], $0x1, s26, s2, $0xb8;
	[tilespmem:$0x1D400] =	vst v63  }
0x1a7: {  	s15 =	rddreg [dreg:$0xc];
	s16 =	simm.s32 $0xC300  }
0x1a8: {  	[tilespmem:s16], [sflag:$0x1] =	stream.indirect.gather [hbm4b:s15+s2], $0x1, s26, s2, $0xb8;
	[tilespmem:$0x1D400] =	vst v63  }
0x1a9: {  	s3 =	rddreg [dreg:$0xd];
	s16 =	simm.s32 $0xD000  }
0x1aa: {  	[tilespmem:s16], [sflag:$0x1] =	stream.indirect.gather [hbm4b:s3+s2], $0x1, s26, s2, $0xb8;
	[tilespmem:$0x1D400] =	vst v63  }
0x1ab: {  	s16 =	simm.s32 $0xDD00  }
0x1ac: {  	[tilespmem:s16], [sflag:$0x1] =	stream.indirect.gather [hbm4b:s18+s2], $0x1, s26, s2, $0xb8;
	[tilespmem:$0x1D400] =	vst v63  }
0x1ad: {  	s18 =	simm.s32 $0xEA00  }
0x1ae: {  	[tilespmem:s18], [sflag:$0x1] =	stream.indirect.gather [hbm4b:s24+s2], $0x1, s26, s2, $0xb8;
	[tilespmem:$0x1D400] =	vst v63  }
0x1af: {  	s24 =	simm.s32 $0xF700  }
0x1b0: {  	[tilespmem:s24], [sflag:$0x1] =	stream.indirect.gather [hbm4b:s20+s2], $0x1, s26, s2, $0xb8;
	[tilespmem:$0x1D400] =	vst v63  }
0x1b1: {  	_ =	swait.ge [sflag:s0], $0xD00  }
0x1b2: {  	[sflag:s0] =	ssyncset.done $0x0  }
0x1b3: {  	[sflag:s0] =	ssyncadd.s32 $0xFFFFF300  }
0x1b4: {  	_ =	swait.ge [sflag:s0], $0xD00  }
0x1b5: {  	[sflag:s0] =	ssyncset.done $0x0  }
0x1b6: {  	[sflag:s0] =	ssyncadd.s32 $0xFFFFF300  }
0x1b7: {  	_ =	swait.ge [sflag:s0], $0xD00  }
0x1b8: {  	[sflag:s0] =	ssyncset.done $0x0  }
0x1b9: {  	[sflag:s0] =	ssyncadd.s32 $0xFFFFF300  }
0x1ba: {  	_ =	swait.ge [sflag:s0], $0xD00  }
0x1bb: {  	[sflag:s0] =	ssyncset.done $0x0  }
0x1bc: {  	[sflag:s0] =	ssyncadd.s32 $0xFFFFF300  }
0x1bd: {  	_ =	swait.ge [sflag:s0], $0xD00  }
0x1be: {  	[sflag:s0] =	ssyncset.done $0x0  }
0x1bf: {  	[sflag:s0] =	ssyncadd.s32 $0xFFFFF300  }
0x1c0: {  	_ =	swait.ge [sflag:s0], $0xD00  }
0x1c1: {  	[sflag:s0] =	ssyncset.done $0x0  }
0x1c2: {  	[sflag:s0] =	ssyncadd.s32 $0xFFFFF300  }
0x1c3: {  	_ =	swait.ge [sflag:s0], $0xD00  }
0x1c4: {  	[sflag:s0] =	ssyncset.done $0x0  }
0x1c5: {  	[sflag:s0] =	ssyncadd.s32 $0xFFFFF300  }
0x1c6: {  	_ =	swait.ge [sflag:s0], $0xD00  }
0x1c7: {  	[sflag:s0] =	ssyncset.done $0x0  }
0x1c8: {  	[sflag:s0] =	ssyncadd.s32 $0xFFFFF300  }
0x1c9: {  	_ =	swait.ge [sflag:s0], $0xD00  }
0x1ca: {  	[sflag:s0] =	ssyncset.done $0x0  }
0x1cb: {  	[sflag:s0] =	ssyncadd.s32 $0xFFFFF300  }
0x1cc: {  	_ =	swait.ge [sflag:s0], $0xD00  }
0x1cd: {  	[sflag:s0] =	ssyncset.done $0x0  }
0x1ce: {  	[sflag:s0] =	ssyncadd.s32 $0xFFFFF300  }
0x1cf: {  	_ =	swait.ge [sflag:s0], $0xD00  }
0x1d0: {  	[sflag:s0] =	ssyncset.done $0x0  }
0x1d1: {  	[sflag:s0] =	ssyncadd.s32 $0xFFFFF300  }
0x1d2: {  	_ =	swait.ge [sflag:s0], $0xD00  }
0x1d3: {  	[sflag:s0] =	ssyncset.done $0x0  }
0x1d4: {  	[sflag:s0] =	ssyncadd.s32 $0xFFFFF300  }
0x1d5: {  	_ =	swait.ge [sflag:s0], $0xD00  }
0x1d6: {  	[sflag:s0] =	ssyncset.done $0x0  }
0x1d7: {  	[sflag:s0] =	ssyncadd.s32 $0xFFFFF300  }
0x1d8: {  	_ =	swait.ge [sflag:s0], $0xD00  }
0x1d9: {  	[sflag:s0] =	ssyncset.done $0x0  }
0x1da: {  	[sflag:s0] =	ssyncadd.s32 $0xFFFFF300  }
0x1db: {  	_ =	swait.ge [sflag:s0], $0xD00  }
0x1dc: {  	[sflag:s0] =	ssyncset.done $0x0  }
0x1dd: {  	[sflag:s0] =	ssyncadd.s32 $0xFFFFF300  }
0x1de: {  	_ =	swait.ge [sflag:s0], $0xD00  }
0x1df: {  	[sflag:s0] =	ssyncset.done $0x0  }
0x1e0: {  	s4 =	simm.s32 $0x3400;
	s30 =	rddreg [dreg:$0xf];
	[sflag:s0] =	ssyncadd.s32 $0xFFFFF300  }
0x1e1: {  	[hbm4b:s30+s2] =	stream.strided.scatter [tilespmem:s4], [sflag:$0x3], $0xD000, s17, s2, $0x38;
	[tilespmem:$0x1D400] =	vst v63  }
0x1e2: {  	s16 =	simm.s32 $0x10400;
	s30 =	rddreg [dreg:$0x1]  }
0x1e3: {  	[tilespmem:s16], [sflag:$0x2] =	stream.indirect.gather [hbm4b:s30+s2], $0x1, s2, s2, $0xb8;
	[tilespmem:$0x1D400] =	vst v63  }
0x1e4: {  	s20 =	simm.s32 $0x11100  }
0x1e5: {  	[tilespmem:s20], [sflag:$0x2] =	stream.indirect.gather [hbm4b:s13+s2], $0x1, s2, s2, $0xb8;
	[tilespmem:$0x1D400] =	vst v63  }
0x1e6: {  	s20 =	simm.s32 $0x11E00  }
0x1e7: {  	[tilespmem:s20], [sflag:$0x2] =	stream.indirect.gather [hbm4b:s12+s2], $0x1, s2, s2, $0xb8;
	[tilespmem:$0x1D400] =	vst v63  }
0x1e8: {  	s20 =	simm.s32 $0x12B00  }
0x1e9: {  	[tilespmem:s20], [sflag:$0x2] =	stream.indirect.gather [hbm4b:s10+s2], $0x1, s2, s2, $0xb8;
	[tilespmem:$0x1D400] =	vst v63  }
0x1ea: {  	s20 =	simm.s32 $0x13800  }
0x1eb: {  	[tilespmem:s20], [sflag:$0x2] =	stream.indirect.gather [hbm4b:s11+s2], $0x1, s2, s2, $0xb8;
	[tilespmem:$0x1D400] =	vst v63  }
0x1ec: {  	s20 =	simm.s32 $0x14500  }
0x1ed: {  	[tilespmem:s20], [sflag:$0x2] =	stream.indirect.gather [hbm4b:s8+s2], $0x1, s2, s2, $0xb8;
	[tilespmem:$0x1D400] =	vst v63  }
0x1ee: {  	s20 =	simm.s32 $0x15200  }
0x1ef: {  	[tilespmem:s20], [sflag:$0x2] =	stream.indirect.gather [hbm4b:s9+s2], $0x1, s2, s2, $0xb8;
	[tilespmem:$0x1D400] =	vst v63  }
0x1f0: {  	s20 =	simm.s32 $0x15F00  }
0x1f1: {  	[tilespmem:s20], [sflag:$0x2] =	stream.indirect.gather [hbm4b:s6+s2], $0x1, s2, s2, $0xb8;
	[tilespmem:$0x1D400] =	vst v63  }
0x1f2: {  	s20 =	simm.s32 $0x16C00  }
0x1f3: {  	[tilespmem:s20], [sflag:$0x2] =	stream.indirect.gather [hbm4b:s7+s2], $0x1, s2, s2, $0xb8;
	[tilespmem:$0x1D400] =	vst v63  }
0x1f4: {  	s20 =	simm.s32 $0x17900  }
0x1f5: {  	[tilespmem:s20], [sflag:$0x2] =	stream.indirect.gather [hbm4b:s14+s2], $0x1, s2, s2, $0xb8;
	[tilespmem:$0x1D400] =	vst v63  }
0x1f6: {  	s20 =	simm.s32 $0x18600  }
0x1f7: {  	[tilespmem:s20], [sflag:$0x2] =	stream.indirect.gather [hbm4b:s5+s2], $0x1, s2, s2, $0xb8;
	[tilespmem:$0x1D400] =	vst v63  }
0x1f8: {  	s30 =	simm.s32 $0x19300  }
0x1f9: {  	[tilespmem:s30], [sflag:$0x2] =	stream.indirect.gather [hbm4b:s15+s2], $0x1, s2, s2, $0xb8;
	[tilespmem:$0x1D400] =	vst v63  }
0x1fa: {  	s30 =	simm.s32 $0x1A000  }
0x1fb: {  	[tilespmem:s30], [sflag:$0x2] =	stream.indirect.gather [hbm4b:s3+s2], $0x1, s2, s2, $0xb8;
	[tilespmem:$0x1D400] =	vst v63  }
0x1fc: {  	s20 =	simm.s32 $0x1AD00;
	s30 =	rddreg [dreg:$0x13]  }
0x1fd: {  	[tilespmem:s20], [sflag:$0x2] =	stream.indirect.gather [hbm4b:s30+s2], $0x1, s2, s2, $0xb8;
	[tilespmem:$0x1D400] =	vst v63  }
0x1fe: {  	s30 =	rddreg [dreg:$0x14];
	s20 =	simm.s32 $0x1BA00  }
0x1ff: {  	[tilespmem:s20], [sflag:$0x2] =	stream.indirect.gather [hbm4b:s30+s2], $0x1, s2, s2, $0xb8;
	[tilespmem:$0x1D400] =	vst v63  }
0x200: {  	s30 =	rddreg [dreg:$0x15];
	s20 =	simm.s32 $0x1C700  }
0x201: {  	[tilespmem:s20], [sflag:$0x2] =	stream.indirect.gather [hbm4b:s30+s2], $0x1, s2, s2, $0xb8;
	[tilespmem:$0x1D400] =	vst v63  }
0x202: {  	_ =	swait.ge [sflag:s23], $0xD00  }
0x203: {  	[sflag:s23] =	ssyncset.done $0x0  }
0x204: {  	[sflag:s23] =	ssyncadd.s32 $0xFFFFF300  }
0x205: {  	_ =	swait.ge [sflag:s23], $0xD00  }
0x206: {  	[sflag:s23] =	ssyncset.done $0x0  }
0x207: {  	[sflag:s23] =	ssyncadd.s32 $0xFFFFF300  }
0x208: {  	_ =	swait.ge [sflag:s23], $0xD00  }
0x209: {  	[sflag:s23] =	ssyncset.done $0x0  }
0x20a: {  	[sflag:s23] =	ssyncadd.s32 $0xFFFFF300  }
0x20b: {  	_ =	swait.ge [sflag:s23], $0xD00  }
0x20c: {  	[sflag:s23] =	ssyncset.done $0x0  }
0x20d: {  	[sflag:s23] =	ssyncadd.s32 $0xFFFFF300  }
0x20e: {  	_ =	swait.ge [sflag:s23], $0xD00  }
0x20f: {  	[sflag:s23] =	ssyncset.done $0x0  }
0x210: {  	[sflag:s23] =	ssyncadd.s32 $0xFFFFF300  }
0x211: {  	_ =	swait.ge [sflag:s23], $0xD00  }
0x212: {  	[sflag:s23] =	ssyncset.done $0x0  }
0x213: {  	[sflag:s23] =	ssyncadd.s32 $0xFFFFF300  }
0x214: {  	_ =	swait.ge [sflag:s23], $0xD00  }
0x215: {  	[sflag:s23] =	ssyncset.done $0x0  }
0x216: {  	[sflag:s23] =	ssyncadd.s32 $0xFFFFF300  }
0x217: {  	_ =	swait.ge [sflag:s23], $0xD00  }
0x218: {  	[sflag:s23] =	ssyncset.done $0x0  }
0x219: {  	[sflag:s23] =	ssyncadd.s32 $0xFFFFF300  }
0x21a: {  	_ =	swait.ge [sflag:s23], $0xD00  }
0x21b: {  	[sflag:s23] =	ssyncset.done $0x0  }
0x21c: {  	[sflag:s23] =	ssyncadd.s32 $0xFFFFF300  }
0x21d: {  	_ =	swait.ge [sflag:s23], $0xD00  }
0x21e: {  	[sflag:s23] =	ssyncset.done $0x0  }
0x21f: {  	[sflag:s23] =	ssyncadd.s32 $0xFFFFF300  }
0x220: {  	_ =	swait.ge [sflag:s23], $0xD00  }
0x221: {  	[sflag:s23] =	ssyncset.done $0x0  }
0x222: {  	[sflag:s23] =	ssyncadd.s32 $0xFFFFF300  }
0x223: {  	_ =	swait.ge [sflag:s23], $0xD00  }
0x224: {  	[sflag:s23] =	ssyncset.done $0x0  }
0x225: {  	[sflag:s23] =	ssyncadd.s32 $0xFFFFF300  }
0x226: {  	_ =	swait.ge [sflag:s23], $0xD00  }
0x227: {  	[sflag:s23] =	ssyncset.done $0x0  }
0x228: {  	[sflag:s23] =	ssyncadd.s32 $0xFFFFF300  }
0x229: {  	_ =	swait.ge [sflag:s23], $0xD00  }
0x22a: {  	[sflag:s23] =	ssyncset.done $0x0  }
0x22b: {  	[sflag:s23] =	ssyncadd.s32 $0xFFFFF300  }
0x22c: {  	_ =	swait.ge [sflag:s23], $0xD00  }
0x22d: {  	[sflag:s23] =	ssyncset.done $0x0  }
0x22e: {  	[sflag:s23] =	ssyncadd.s32 $0xFFFFF300  }
0x22f: {  	_ =	swait.ge [sflag:s23], $0xD00  }
0x230: {  	[sflag:s23] =	ssyncset.done $0x0  }
0x231: {  	s18 =	simm.s32 $0x3;
	s30 =	rddreg [dreg:$0x10];
	[sflag:s23] =	ssyncadd.s32 $0xFFFFF300  }
0x232: {  	[hbm4b:s30+s2] =	stream.strided.scatter [tilespmem:s16], [sflag:$0x4], $0xD000, s17, s2, $0x38;
	[tilespmem:$0x1D400] =	vst v63  }
0x233: {  	_ =	swait.ge [sflag:s18], $0xD000  }
0x234: {  	[sflag:s18] =	ssyncset.done $0x0  }
0x235: {  	[sflag:s18] =	ssyncadd.s32 $0xFFFF3000  }
0x236: {  	s30 =	rddreg [dreg:$0x1]  }
0x237: {  	[tilespmem:s4], [sflag:$0x1] =	stream.indirect.gather [hbm4b:s30+s2], $0x1, s25, s2, $0xb8;
	[tilespmem:$0x1D400] =	vst v63  }
0x238: {  	_ = 	snop  }
0x239: {  	[tilespmem:s31], [sflag:$0x1] =	stream.indirect.gather [hbm4b:s13+s2], $0x1, s25, s2, $0xb8;
	[tilespmem:$0x1D400] =	vst v63  }
0x23a: {  	_ = 	snop  }
0x23b: {  	[tilespmem:s28], [sflag:$0x1] =	stream.indirect.gather [hbm4b:s12+s2], $0x1, s25, s2, $0xb8;
	[tilespmem:$0x1D400] =	vst v63  }
0x23c: {  	_ = 	snop  }
0x23d: {  	[tilespmem:s19], [sflag:$0x1] =	stream.indirect.gather [hbm4b:s10+s2], $0x1, s25, s2, $0xb8;
	[tilespmem:$0x1D400] =	vst v63  }
0x23e: {  	_ = 	snop  }
0x23f: {  	[tilespmem:s21], [sflag:$0x1] =	stream.indirect.gather [hbm4b:s11+s2], $0x1, s25, s2, $0xb8;
	[tilespmem:$0x1D400] =	vst v63  }
0x240: {  	_ = 	snop  }
0x241: {  	[tilespmem:s22], [sflag:$0x1] =	stream.indirect.gather [hbm4b:s8+s2], $0x1, s25, s2, $0xb8;
	[tilespmem:$0x1D400] =	vst v63  }
0x242: {  	s19 =	simm.s32 $0x8200  }
0x243: {  	[tilespmem:s19], [sflag:$0x1] =	stream.indirect.gather [hbm4b:s9+s2], $0x1, s25, s2, $0xb8;
	[tilespmem:$0x1D400] =	vst v63  }
0x244: {  	s20 =	simm.s32 $0x8F00  }
0x245: {  	[tilespmem:s20], [sflag:$0x1] =	stream.indirect.gather [hbm4b:s6+s2], $0x1, s25, s2, $0xb8;
	[tilespmem:$0x1D400] =	vst v63  }
0x246: {  	s21 =	simm.s32 $0x9C00  }
0x247: {  	[tilespmem:s21], [sflag:$0x1] =	stream.indirect.gather [hbm4b:s7+s2], $0x1, s25, s2, $0xb8;
	[tilespmem:$0x1D400] =	vst v63  }
0x248: {  	s22 =	simm.s32 $0xA900  }
0x249: {  	[tilespmem:s22], [sflag:$0x1] =	stream.indirect.gather [hbm4b:s14+s2], $0x1, s25, s2, $0xb8;
	[tilespmem:$0x1D400] =	vst v63  }
0x24a: {  	s19 =	simm.s32 $0xB600  }
0x24b: {  	[tilespmem:s19], [sflag:$0x1] =	stream.indirect.gather [hbm4b:s5+s2], $0x1, s25, s2, $0xb8;
	[tilespmem:$0x1D400] =	vst v63  }
0x24c: {  	s20 =	simm.s32 $0xC300  }
0x24d: {  	[tilespmem:s20], [sflag:$0x1] =	stream.indirect.gather [hbm4b:s15+s2], $0x1, s25, s2, $0xb8;
	[tilespmem:$0x1D400] =	vst v63  }
0x24e: {  	s22 =	simm.s32 $0xD000  }
0x24f: {  	[tilespmem:s22], [sflag:$0x1] =	stream.indirect.gather [hbm4b:s3+s2], $0x1, s25, s2, $0xb8;
	[tilespmem:$0x1D400] =	vst v63  }
0x250: {  	s18 =	rddreg [dreg:$0x13];
	s19 =	simm.s32 $0xDD00  }
0x251: {  	[tilespmem:s19], [sflag:$0x1] =	stream.indirect.gather [hbm4b:s18+s2], $0x1, s25, s2, $0xb8;
	[tilespmem:$0x1D400] =	vst v63  }
0x252: {  	s20 =	rddreg [dreg:$0x14];
	s22 =	simm.s32 $0xEA00  }
0x253: {  	[tilespmem:s22], [sflag:$0x1] =	stream.indirect.gather [hbm4b:s20+s2], $0x1, s25, s2, $0xb8;
	[tilespmem:$0x1D400] =	vst v63  }
0x254: {  	s19 =	rddreg [dreg:$0x15]  }
0x255: {  	[tilespmem:s24], [sflag:$0x1] =	stream.indirect.gather [hbm4b:s19+s2], $0x1, s25, s2, $0xb8;
	[tilespmem:$0x1D400] =	vst v63  }
0x256: {  	s28 =	rddreg [dreg:$0x1];
	_ =	swait.ge [sflag:s0], $0xD00  }
0x257: {  	[sflag:s0] =	ssyncset.done $0x0  }
0x258: {  	[sflag:s0] =	ssyncadd.s32 $0xFFFFF300  }
0x259: {  	_ =	swait.ge [sflag:s0], $0xD00  }
0x25a: {  	[sflag:s0] =	ssyncset.done $0x0  }
0x25b: {  	[sflag:s0] =	ssyncadd.s32 $0xFFFFF300  }
0x25c: {  	_ =	swait.ge [sflag:s0], $0xD00  }
0x25d: {  	[sflag:s0] =	ssyncset.done $0x0  }
0x25e: {  	[sflag:s0] =	ssyncadd.s32 $0xFFFFF300  }
0x25f: {  	_ =	swait.ge [sflag:s0], $0xD00  }
0x260: {  	[sflag:s0] =	ssyncset.done $0x0  }
0x261: {  	[sflag:s0] =	ssyncadd.s32 $0xFFFFF300  }
0x262: {  	_ =	swait.ge [sflag:s0], $0xD00  }
0x263: {  	[sflag:s0] =	ssyncset.done $0x0  }
0x264: {  	[sflag:s0] =	ssyncadd.s32 $0xFFFFF300  }
0x265: {  	_ =	swait.ge [sflag:s0], $0xD00  }
0x266: {  	[sflag:s0] =	ssyncset.done $0x0  }
0x267: {  	[sflag:s0] =	ssyncadd.s32 $0xFFFFF300  }
0x268: {  	_ =	swait.ge [sflag:s0], $0xD00  }
0x269: {  	[sflag:s0] =	ssyncset.done $0x0  }
0x26a: {  	[sflag:s0] =	ssyncadd.s32 $0xFFFFF300  }
0x26b: {  	_ =	swait.ge [sflag:s0], $0xD00  }
0x26c: {  	[sflag:s0] =	ssyncset.done $0x0  }
0x26d: {  	[sflag:s0] =	ssyncadd.s32 $0xFFFFF300  }
0x26e: {  	_ =	swait.ge [sflag:s0], $0xD00  }
0x26f: {  	[sflag:s0] =	ssyncset.done $0x0  }
0x270: {  	[sflag:s0] =	ssyncadd.s32 $0xFFFFF300  }
0x271: {  	_ =	swait.ge [sflag:s0], $0xD00  }
0x272: {  	[sflag:s0] =	ssyncset.done $0x0  }
0x273: {  	[sflag:s0] =	ssyncadd.s32 $0xFFFFF300  }
0x274: {  	_ =	swait.ge [sflag:s0], $0xD00  }
0x275: {  	[sflag:s0] =	ssyncset.done $0x0  }
0x276: {  	[sflag:s0] =	ssyncadd.s32 $0xFFFFF300  }
0x277: {  	_ =	swait.ge [sflag:s0], $0xD00  }
0x278: {  	[sflag:s0] =	ssyncset.done $0x0  }
0x279: {  	[sflag:s0] =	ssyncadd.s32 $0xFFFFF300  }
0x27a: {  	_ =	swait.ge [sflag:s0], $0xD00  }
0x27b: {  	[sflag:s0] =	ssyncset.done $0x0  }
0x27c: {  	[sflag:s0] =	ssyncadd.s32 $0xFFFFF300  }
0x27d: {  	_ =	swait.ge [sflag:s0], $0xD00  }
0x27e: {  	[sflag:s0] =	ssyncset.done $0x0  }
0x27f: {  	[sflag:s0] =	ssyncadd.s32 $0xFFFFF300  }
0x280: {  	_ =	swait.ge [sflag:s0], $0xD00  }
0x281: {  	[sflag:s0] =	ssyncset.done $0x0  }
0x282: {  	[sflag:s0] =	ssyncadd.s32 $0xFFFFF300  }
0x283: {  	_ =	swait.ge [sflag:s0], $0xD00  }
0x284: {  	s31 =	simm.s32 $0x3400;
	[sflag:s0] =	ssyncset.done $0x0  }
0x285: {  	s21 =	simm.s32 $0x4;
	s30 =	rddreg [dreg:$0x11];
	[sflag:s0] =	ssyncadd.s32 $0xFFFFF300  }
0x286: {  	[hbm4b:s30+s2] =	stream.strided.scatter [tilespmem:s31], [sflag:$0x3], $0xD000, s17, s2, $0x38;
	[tilespmem:$0x1D400] =	vst v63  }
0x287: {  	_ =	swait.ge [sflag:s21], $0xD000  }
0x288: {  	[sflag:s21] =	ssyncset.done $0x0  }
0x289: {  	[sflag:s21] =	ssyncadd.s32 $0xFFFF3000  }
0x28a: {  	[tilespmem:s16], [sflag:$0x2] =	stream.indirect.gather [hbm4b:s28+s2], $0x1, s1, s2, $0xb8;
	[tilespmem:$0x1D400] =	vst v63  }
0x28b: {  	s20 =	simm.s32 $0x11100  }
0x28c: {  	[tilespmem:s20], [sflag:$0x2] =	stream.indirect.gather [hbm4b:s13+s2], $0x1, s1, s2, $0xb8;
	[tilespmem:$0x1D400] =	vst v63  }
0x28d: {  	s22 =	simm.s32 $0x11E00  }
0x28e: {  	[tilespmem:s22], [sflag:$0x2] =	stream.indirect.gather [hbm4b:s12+s2], $0x1, s1, s2, $0xb8;
	[tilespmem:$0x1D400] =	vst v63  }
0x28f: {  	s13 =	simm.s32 $0x12B00  }
0x290: {  	[tilespmem:s13], [sflag:$0x2] =	stream.indirect.gather [hbm4b:s10+s2], $0x1, s1, s2, $0xb8;
	[tilespmem:$0x1D400] =	vst v63  }
0x291: {  	s19 =	simm.s32 $0x13800  }
0x292: {  	[tilespmem:s19], [sflag:$0x2] =	stream.indirect.gather [hbm4b:s11+s2], $0x1, s1, s2, $0xb8;
	[tilespmem:$0x1D400] =	vst v63  }
0x293: {  	s20 =	simm.s32 $0x14500  }
0x294: {  	[tilespmem:s20], [sflag:$0x2] =	stream.indirect.gather [hbm4b:s8+s2], $0x1, s1, s2, $0xb8;
	[tilespmem:$0x1D400] =	vst v63  }
0x295: {  	s22 =	simm.s32 $0x15200  }
0x296: {  	[tilespmem:s22], [sflag:$0x2] =	stream.indirect.gather [hbm4b:s9+s2], $0x1, s1, s2, $0xb8;
	[tilespmem:$0x1D400] =	vst v63  }
0x297: {  	s8 =	simm.s32 $0x15F00  }
0x298: {  	[tilespmem:s8], [sflag:$0x2] =	stream.indirect.gather [hbm4b:s6+s2], $0x1, s1, s2, $0xb8;
	[tilespmem:$0x1D400] =	vst v63  }
0x299: {  	s9 =	simm.s32 $0x16C00  }
0x29a: {  	[tilespmem:s9], [sflag:$0x2] =	stream.indirect.gather [hbm4b:s7+s2], $0x1, s1, s2, $0xb8;
	[tilespmem:$0x1D400] =	vst v63  }
0x29b: {  	s10 =	simm.s32 $0x17900  }
0x29c: {  	[tilespmem:s10], [sflag:$0x2] =	stream.indirect.gather [hbm4b:s14+s2], $0x1, s1, s2, $0xb8;
	[tilespmem:$0x1D400] =	vst v63  }
0x29d: {  	s11 =	simm.s32 $0x18600  }
0x29e: {  	[tilespmem:s11], [sflag:$0x2] =	stream.indirect.gather [hbm4b:s5+s2], $0x1, s1, s2, $0xb8;
	[tilespmem:$0x1D400] =	vst v63  }
0x29f: {  	s12 =	simm.s32 $0x19300  }
0x2a0: {  	[tilespmem:s12], [sflag:$0x2] =	stream.indirect.gather [hbm4b:s15+s2], $0x1, s1, s2, $0xb8;
	[tilespmem:$0x1D400] =	vst v63  }
0x2a1: {  	s13 =	simm.s32 $0x1A000  }
0x2a2: {  	[tilespmem:s13], [sflag:$0x2] =	stream.indirect.gather [hbm4b:s3+s2], $0x1, s1, s2, $0xb8;
	[tilespmem:$0x1D400] =	vst v63  }
0x2a3: {  	s14 =	simm.s32 $0x1AD00  }
0x2a4: {  	[tilespmem:s14], [sflag:$0x2] =	stream.indirect.gather [hbm4b:s18+s2], $0x1, s1, s2, $0xb8;
	[tilespmem:$0x1D400] =	vst v63  }
0x2a5: {  	s24 =	rddreg [dreg:$0x14];
	s15 =	simm.s32 $0x1BA00  }
0x2a6: {  	[tilespmem:s15], [sflag:$0x2] =	stream.indirect.gather [hbm4b:s24+s2], $0x1, s1, s2, $0xb8;
	[tilespmem:$0x1D400] =	vst v63  }
0x2a7: {  	s19 =	simm.s32 $0x1C700;
	s20 =	rddreg [dreg:$0x15]  }
0x2a8: {  	[tilespmem:s19], [sflag:$0x2] =	stream.indirect.gather [hbm4b:s20+s2], $0x1, s1, s2, $0xb8;
	[tilespmem:$0x1D400] =	vst v63  }
0x2a9: {  	_ =	swait.ge [sflag:s23], $0xD00  }
0x2aa: {  	[sflag:s23] =	ssyncset.done $0x0  }
0x2ab: {  	[sflag:s23] =	ssyncadd.s32 $0xFFFFF300  }
0x2ac: {  	_ =	swait.ge [sflag:s23], $0xD00  }
0x2ad: {  	[sflag:s23] =	ssyncset.done $0x0  }
0x2ae: {  	[sflag:s23] =	ssyncadd.s32 $0xFFFFF300  }
0x2af: {  	_ =	swait.ge [sflag:s23], $0xD00  }
0x2b0: {  	[sflag:s23] =	ssyncset.done $0x0  }
0x2b1: {  	[sflag:s23] =	ssyncadd.s32 $0xFFFFF300  }
0x2b2: {  	_ =	swait.ge [sflag:s23], $0xD00  }
0x2b3: {  	[sflag:s23] =	ssyncset.done $0x0  }
0x2b4: {  	[sflag:s23] =	ssyncadd.s32 $0xFFFFF300  }
0x2b5: {  	_ =	swait.ge [sflag:s23], $0xD00  }
0x2b6: {  	[sflag:s23] =	ssyncset.done $0x0  }
0x2b7: {  	[sflag:s23] =	ssyncadd.s32 $0xFFFFF300  }
0x2b8: {  	_ =	swait.ge [sflag:s23], $0xD00  }
0x2b9: {  	[sflag:s23] =	ssyncset.done $0x0  }
0x2ba: {  	[sflag:s23] =	ssyncadd.s32 $0xFFFFF300  }
0x2bb: {  	_ =	swait.ge [sflag:s23], $0xD00  }
0x2bc: {  	[sflag:s23] =	ssyncset.done $0x0  }
0x2bd: {  	[sflag:s23] =	ssyncadd.s32 $0xFFFFF300  }
0x2be: {  	_ =	swait.ge [sflag:s23], $0xD00  }
0x2bf: {  	[sflag:s23] =	ssyncset.done $0x0  }
0x2c0: {  	[sflag:s23] =	ssyncadd.s32 $0xFFFFF300  }
0x2c1: {  	_ =	swait.ge [sflag:s23], $0xD00  }
0x2c2: {  	[sflag:s23] =	ssyncset.done $0x0  }
0x2c3: {  	[sflag:s23] =	ssyncadd.s32 $0xFFFFF300  }
0x2c4: {  	_ =	swait.ge [sflag:s23], $0xD00  }
0x2c5: {  	[sflag:s23] =	ssyncset.done $0x0  }
0x2c6: {  	[sflag:s23] =	ssyncadd.s32 $0xFFFFF300  }
0x2c7: {  	_ =	swait.ge [sflag:s23], $0xD00  }
0x2c8: {  	[sflag:s23] =	ssyncset.done $0x0  }
0x2c9: {  	[sflag:s23] =	ssyncadd.s32 $0xFFFFF300  }
0x2ca: {  	_ =	swait.ge [sflag:s23], $0xD00  }
0x2cb: {  	[sflag:s23] =	ssyncset.done $0x0  }
0x2cc: {  	[sflag:s23] =	ssyncadd.s32 $0xFFFFF300  }
0x2cd: {  	_ =	swait.ge [sflag:s23], $0xD00  }
0x2ce: {  	[sflag:s23] =	ssyncset.done $0x0  }
0x2cf: {  	[sflag:s23] =	ssyncadd.s32 $0xFFFFF300  }
0x2d0: {  	_ =	swait.ge [sflag:s23], $0xD00  }
0x2d1: {  	[sflag:s23] =	ssyncset.done $0x0  }
0x2d2: {  	[sflag:s23] =	ssyncadd.s32 $0xFFFFF300  }
0x2d3: {  	_ =	swait.ge [sflag:s23], $0xD00  }
0x2d4: {  	[sflag:s23] =	ssyncset.done $0x0  }
0x2d5: {  	[sflag:s23] =	ssyncadd.s32 $0xFFFFF300  }
0x2d6: {  	_ =	swait.ge [sflag:s23], $0xD00  }
0x2d7: {  	p1 =	sne.s32 s29, $0x1;
	[sflag:s23] =	ssyncset.done $0x0  }
0x2d8: {  	s22 =	simm.s32 $0x3;
	s30 =	rddreg [dreg:$0x12];
	[sflag:s23] =	ssyncadd.s32 $0xFFFFF300  }
0x2d9: {  	[hbm4b:s30+s2] =	stream.strided.scatter [tilespmem:s16], [sflag:$0x4], $0xD000, s17, s2, $0x38;
	[tilespmem:$0x1D400] =	vst v63  }
.Ltmp2:
0x2da: {  	_ =	swait.ge [sflag:s22], $0xD000;
	(pc) =	sbr.rel @p1 .LBB3_3-.Ltmp2, $4  }
0x2db: {  	[sflag:s22] =	ssyncset.done $0x0  }
0x2dc: {  	[sflag:s22] =	ssyncadd.s32 $0xFFFF3000  }
0x2dd: {  	_ =	swait.ge [sflag:s21], $0xD000  }
0x2de: {  	s29 =	sadd.s32 $0xFFFFFFFF, s29;
	s30 =	rddreg [dreg:$0xe];
	[sflag:s21] =	ssyncset.done $0x0  }
0x2df: {  	s5 =	rddreg [dreg:$0x2]  }
0x2e0: {  	s6 =	rddreg [dreg:$0x3]  }
0x2e1: {  	s7 =	rddreg [dreg:$0x4]  }
0x2e2: {  	s8 =	rddreg [dreg:$0x5]  }
0x2e3: {  	s9 =	rddreg [dreg:$0x6]  }
0x2e4: {  	s10 =	rddreg [dreg:$0x7]  }
0x2e5: {  	s11 =	rddreg [dreg:$0x8]  }
0x2e6: {  	s12 =	rddreg [dreg:$0x9]  }
0x2e7: {  	s13 =	rddreg [dreg:$0xa]  }
0x2e8: {  	s14 =	rddreg [dreg:$0xb]  }
0x2e9: {  	s3 =	simm.s32 $0x5;
	s15 =	rddreg [dreg:$0xc]  }
0x2ea: {  	s4 =	rddreg [dreg:$0xd];
	s16 =	simm.s32 $0x68000;
	s17 =	simm.s32 $0x10400  }
.LBB3_5:
0x2eb: {  	[sflag:s21] =	ssyncadd.s32 @p0 $0xFFFF3000  }
0x2ec: {  	[tilespmem:s26], [sflag:$0x5] =	stream.linear.gather [hbm4b:s30+s26], $0x3400, $0x38;
	[tilespmem:$0x1D400] =	vst v63  }
0x2ed: {  	_ =	swait.ge [sflag:s3], $0x3400  }
0x2ee: {  	[sflag:s3] =	ssyncset.done $0x0  }
0x2ef: {  	[sflag:s3] =	ssyncadd.s32 $0xFFFFCC00  }
0x2f0: {  	[tilespmem:s31], [sflag:$0x1] =	stream.indirect.gather [hbm4b:s28+s2], $0x1, s26, s2, $0xb8;
	[tilespmem:$0x1D400] =	vst v63  }
0x2f1: {  	s30 =	simm.s32 $0x4100  }
0x2f2: {  	[tilespmem:s30], [sflag:$0x1] =	stream.indirect.gather [hbm4b:s5+s2], $0x1, s26, s2, $0xb8;
	[tilespmem:$0x1D400] =	vst v63  }
0x2f3: {  	s31 =	simm.s32 $0x4E00  }
0x2f4: {  	[tilespmem:s31], [sflag:$0x1] =	stream.indirect.gather [hbm4b:s6+s2], $0x1, s26, s2, $0xb8;
	[tilespmem:$0x1D400] =	vst v63  }
0x2f5: {  	s19 =	simm.s32 $0x5B00  }
0x2f6: {  	[tilespmem:s19], [sflag:$0x1] =	stream.indirect.gather [hbm4b:s7+s2], $0x1, s26, s2, $0xb8;
	[tilespmem:$0x1D400] =	vst v63  }
0x2f7: {  	s24 =	simm.s32 $0x6800  }
0x2f8: {  	[tilespmem:s24], [sflag:$0x1] =	stream.indirect.gather [hbm4b:s8+s2], $0x1, s26, s2, $0xb8;
	[tilespmem:$0x1D400] =	vst v63  }
0x2f9: {  	s29 =	simm.s32 $0x7500  }
0x2fa: {  	[tilespmem:s29], [sflag:$0x1] =	stream.indirect.gather [hbm4b:s9+s2], $0x1, s26, s2, $0xb8;
	[tilespmem:$0x1D400] =	vst v63  }
0x2fb: {  	s30 =	simm.s32 $0x8200  }
0x2fc: {  	[tilespmem:s30], [sflag:$0x1] =	stream.indirect.gather [hbm4b:s10+s2], $0x1, s26, s2, $0xb8;
	[tilespmem:$0x1D400] =	vst v63  }
0x2fd: {  	s31 =	simm.s32 $0x8F00  }
0x2fe: {  	[tilespmem:s31], [sflag:$0x1] =	stream.indirect.gather [hbm4b:s11+s2], $0x1, s26, s2, $0xb8;
	[tilespmem:$0x1D400] =	vst v63  }
0x2ff: {  	s19 =	simm.s32 $0x9C00  }
0x300: {  	[tilespmem:s19], [sflag:$0x1] =	stream.indirect.gather [hbm4b:s12+s2], $0x1, s26, s2, $0xb8;
	[tilespmem:$0x1D400] =	vst v63  }
0x301: {  	s24 =	simm.s32 $0xA900  }
0x302: {  	[tilespmem:s24], [sflag:$0x1] =	stream.indirect.gather [hbm4b:s13+s2], $0x1, s26, s2, $0xb8;
	[tilespmem:$0x1D400] =	vst v63  }
0x303: {  	s29 =	simm.s32 $0xB600  }
0x304: {  	[tilespmem:s29], [sflag:$0x1] =	stream.indirect.gather [hbm4b:s14+s2], $0x1, s26, s2, $0xb8;
	[tilespmem:$0x1D400] =	vst v63  }
0x305: {  	s30 =	simm.s32 $0xC300  }
0x306: {  	[tilespmem:s30], [sflag:$0x1] =	stream.indirect.gather [hbm4b:s15+s2], $0x1, s26, s2, $0xb8;
	[tilespmem:$0x1D400] =	vst v63  }
0x307: {  	s30 =	simm.s32 $0xD000  }
0x308: {  	[tilespmem:s30], [sflag:$0x1] =	stream.indirect.gather [hbm4b:s4+s2], $0x1, s26, s2, $0xb8;
	[tilespmem:$0x1D400] =	vst v63  }
0x309: {  	s31 =	simm.s32 $0xDD00  }
0x30a: {  	[tilespmem:s31], [sflag:$0x1] =	stream.indirect.gather [hbm4b:s18+s2], $0x1, s26, s2, $0xb8;
	[tilespmem:$0x1D400] =	vst v63  }
0x30b: {  	s3 =	smov.u32 s28;
	s28 =	simm.s32 $0xEA00;
	s19 =	rddreg [dreg:$0x14]  }
0x30c: {  	[tilespmem:s28], [sflag:$0x1] =	stream.indirect.gather [hbm4b:s19+s2], $0x1, s26, s2, $0xb8;
	[tilespmem:$0x1D400] =	vst v63  }
0x30d: {  	s29 =	simm.s32 $0xF700  }
0x30e: {  	[tilespmem:s29], [sflag:$0x1] =	stream.indirect.gather [hbm4b:s20+s2], $0x1, s26, s2, $0xb8;
	[tilespmem:$0x1D400] =	vst v63  }
0x30f: {  	_ =	swait.ge [sflag:s0], $0xD00  }
0x310: {  	[sflag:s0] =	ssyncset.done $0x0  }
0x311: {  	[sflag:s0] =	ssyncadd.s32 $0xFFFFF300  }
0x312: {  	_ =	swait.ge [sflag:s0], $0xD00  }
0x313: {  	[sflag:s0] =	ssyncset.done $0x0  }
0x314: {  	[sflag:s0] =	ssyncadd.s32 $0xFFFFF300  }
0x315: {  	_ =	swait.ge [sflag:s0], $0xD00  }
0x316: {  	[sflag:s0] =	ssyncset.done $0x0  }
0x317: {  	[sflag:s0] =	ssyncadd.s32 $0xFFFFF300  }
0x318: {  	_ =	swait.ge [sflag:s0], $0xD00  }
0x319: {  	[sflag:s0] =	ssyncset.done $0x0  }
0x31a: {  	[sflag:s0] =	ssyncadd.s32 $0xFFFFF300  }
0x31b: {  	_ =	swait.ge [sflag:s0], $0xD00  }
0x31c: {  	[sflag:s0] =	ssyncset.done $0x0  }
0x31d: {  	[sflag:s0] =	ssyncadd.s32 $0xFFFFF300  }
0x31e: {  	_ =	swait.ge [sflag:s0], $0xD00  }
0x31f: {  	[sflag:s0] =	ssyncset.done $0x0  }
0x320: {  	[sflag:s0] =	ssyncadd.s32 $0xFFFFF300  }
0x321: {  	_ =	swait.ge [sflag:s0], $0xD00  }
0x322: {  	[sflag:s0] =	ssyncset.done $0x0  }
0x323: {  	[sflag:s0] =	ssyncadd.s32 $0xFFFFF300  }
0x324: {  	_ =	swait.ge [sflag:s0], $0xD00  }
0x325: {  	[sflag:s0] =	ssyncset.done $0x0  }
0x326: {  	[sflag:s0] =	ssyncadd.s32 $0xFFFFF300  }
0x327: {  	_ =	swait.ge [sflag:s0], $0xD00  }
0x328: {  	[sflag:s0] =	ssyncset.done $0x0  }
0x329: {  	[sflag:s0] =	ssyncadd.s32 $0xFFFFF300  }
0x32a: {  	_ =	swait.ge [sflag:s0], $0xD00  }
0x32b: {  	[sflag:s0] =	ssyncset.done $0x0  }
0x32c: {  	[sflag:s0] =	ssyncadd.s32 $0xFFFFF300  }
0x32d: {  	_ =	swait.ge [sflag:s0], $0xD00  }
0x32e: {  	[sflag:s0] =	ssyncset.done $0x0  }
0x32f: {  	[sflag:s0] =	ssyncadd.s32 $0xFFFFF300  }
0x330: {  	_ =	swait.ge [sflag:s0], $0xD00  }
0x331: {  	[sflag:s0] =	ssyncset.done $0x0  }
0x332: {  	[sflag:s0] =	ssyncadd.s32 $0xFFFFF300  }
0x333: {  	_ =	swait.ge [sflag:s0], $0xD00  }
0x334: {  	[sflag:s0] =	ssyncset.done $0x0  }
0x335: {  	[sflag:s0] =	ssyncadd.s32 $0xFFFFF300  }
0x336: {  	_ =	swait.ge [sflag:s0], $0xD00  }
0x337: {  	[sflag:s0] =	ssyncset.done $0x0  }
0x338: {  	[sflag:s0] =	ssyncadd.s32 $0xFFFFF300  }
0x339: {  	_ =	swait.ge [sflag:s0], $0xD00  }
0x33a: {  	[sflag:s0] =	ssyncset.done $0x0  }
0x33b: {  	[sflag:s0] =	ssyncadd.s32 $0xFFFFF300  }
0x33c: {  	_ =	swait.ge [sflag:s0], $0xD00  }
0x33d: {  	[sflag:s0] =	ssyncset.done $0x0  }
0x33e: {  	s24 =	simm.s32 $0x3400;
	s26 =	rddreg [dreg:$0xf];
	[sflag:s0] =	ssyncadd.s32 $0xFFFFF300  }
0x33f: {  	[hbm4b:s26+s2] =	stream.strided.scatter [tilespmem:s24], [sflag:$0x3], $0xD000, s16, s2, $0x38;
	[tilespmem:$0x1D400] =	vst v63  }
0x340: {  	_ = 	snop  }
0x341: {  	[tilespmem:s17], [sflag:$0x2] =	stream.indirect.gather [hbm4b:s3+s2], $0x1, s2, s2, $0xb8;
	[tilespmem:$0x1D400] =	vst v63  }
0x342: {  	s26 =	simm.s32 $0x11100  }
0x343: {  	[tilespmem:s26], [sflag:$0x2] =	stream.indirect.gather [hbm4b:s5+s2], $0x1, s2, s2, $0xb8;
	[tilespmem:$0x1D400] =	vst v63  }
0x344: {  	s26 =	simm.s32 $0x11E00  }
0x345: {  	[tilespmem:s26], [sflag:$0x2] =	stream.indirect.gather [hbm4b:s6+s2], $0x1, s2, s2, $0xb8;
	[tilespmem:$0x1D400] =	vst v63  }
0x346: {  	s26 =	simm.s32 $0x12B00  }
0x347: {  	[tilespmem:s26], [sflag:$0x2] =	stream.indirect.gather [hbm4b:s7+s2], $0x1, s2, s2, $0xb8;
	[tilespmem:$0x1D400] =	vst v63  }
0x348: {  	s26 =	simm.s32 $0x13800  }
0x349: {  	[tilespmem:s26], [sflag:$0x2] =	stream.indirect.gather [hbm4b:s8+s2], $0x1, s2, s2, $0xb8;
	[tilespmem:$0x1D400] =	vst v63  }
0x34a: {  	s26 =	simm.s32 $0x14500  }
0x34b: {  	[tilespmem:s26], [sflag:$0x2] =	stream.indirect.gather [hbm4b:s9+s2], $0x1, s2, s2, $0xb8;
	[tilespmem:$0x1D400] =	vst v63  }
0x34c: {  	s26 =	simm.s32 $0x15200  }
0x34d: {  	[tilespmem:s26], [sflag:$0x2] =	stream.indirect.gather [hbm4b:s10+s2], $0x1, s2, s2, $0xb8;
	[tilespmem:$0x1D400] =	vst v63  }
0x34e: {  	s26 =	simm.s32 $0x15F00  }
0x34f: {  	[tilespmem:s26], [sflag:$0x2] =	stream.indirect.gather [hbm4b:s11+s2], $0x1, s2, s2, $0xb8;
	[tilespmem:$0x1D400] =	vst v63  }
0x350: {  	s26 =	simm.s32 $0x16C00  }
0x351: {  	[tilespmem:s26], [sflag:$0x2] =	stream.indirect.gather [hbm4b:s12+s2], $0x1, s2, s2, $0xb8;
	[tilespmem:$0x1D400] =	vst v63  }
0x352: {  	s26 =	simm.s32 $0x17900  }
0x353: {  	[tilespmem:s26], [sflag:$0x2] =	stream.indirect.gather [hbm4b:s13+s2], $0x1, s2, s2, $0xb8;
	[tilespmem:$0x1D400] =	vst v63  }
0x354: {  	s26 =	simm.s32 $0x18600  }
0x355: {  	[tilespmem:s26], [sflag:$0x2] =	stream.indirect.gather [hbm4b:s14+s2], $0x1, s2, s2, $0xb8;
	[tilespmem:$0x1D400] =	vst v63  }
0x356: {  	s26 =	simm.s32 $0x19300  }
0x357: {  	[tilespmem:s26], [sflag:$0x2] =	stream.indirect.gather [hbm4b:s15+s2], $0x1, s2, s2, $0xb8;
	[tilespmem:$0x1D400] =	vst v63  }
0x358: {  	s26 =	simm.s32 $0x1A000  }
0x359: {  	[tilespmem:s26], [sflag:$0x2] =	stream.indirect.gather [hbm4b:s4+s2], $0x1, s2, s2, $0xb8;
	[tilespmem:$0x1D400] =	vst v63  }
0x35a: {  	s26 =	simm.s32 $0x1AD00  }
0x35b: {  	[tilespmem:s26], [sflag:$0x2] =	stream.indirect.gather [hbm4b:s18+s2], $0x1, s2, s2, $0xb8;
	[tilespmem:$0x1D400] =	vst v63  }
0x35c: {  	s26 =	simm.s32 $0x1BA00  }
0x35d: {  	[tilespmem:s26], [sflag:$0x2] =	stream.indirect.gather [hbm4b:s19+s2], $0x1, s2, s2, $0xb8;
	[tilespmem:$0x1D400] =	vst v63  }
0x35e: {  	s26 =	simm.s32 $0x1C700  }
0x35f: {  	[tilespmem:s26], [sflag:$0x2] =	stream.indirect.gather [hbm4b:s20+s2], $0x1, s2, s2, $0xb8;
	[tilespmem:$0x1D400] =	vst v63  }
0x360: {  	_ =	swait.ge [sflag:s23], $0xD00  }
0x361: {  	[sflag:s23] =	ssyncset.done $0x0  }
0x362: {  	[sflag:s23] =	ssyncadd.s32 $0xFFFFF300  }
0x363: {  	_ =	swait.ge [sflag:s23], $0xD00  }
0x364: {  	[sflag:s23] =	ssyncset.done $0x0  }
0x365: {  	[sflag:s23] =	ssyncadd.s32 $0xFFFFF300  }
0x366: {  	_ =	swait.ge [sflag:s23], $0xD00  }
0x367: {  	[sflag:s23] =	ssyncset.done $0x0  }
0x368: {  	[sflag:s23] =	ssyncadd.s32 $0xFFFFF300  }
0x369: {  	_ =	swait.ge [sflag:s23], $0xD00  }
0x36a: {  	[sflag:s23] =	ssyncset.done $0x0  }
0x36b: {  	[sflag:s23] =	ssyncadd.s32 $0xFFFFF300  }
0x36c: {  	_ =	swait.ge [sflag:s23], $0xD00  }
0x36d: {  	[sflag:s23] =	ssyncset.done $0x0  }
0x36e: {  	[sflag:s23] =	ssyncadd.s32 $0xFFFFF300  }
0x36f: {  	_ =	swait.ge [sflag:s23], $0xD00  }
0x370: {  	[sflag:s23] =	ssyncset.done $0x0  }
0x371: {  	[sflag:s23] =	ssyncadd.s32 $0xFFFFF300  }
0x372: {  	_ =	swait.ge [sflag:s23], $0xD00  }
0x373: {  	[sflag:s23] =	ssyncset.done $0x0  }
0x374: {  	[sflag:s23] =	ssyncadd.s32 $0xFFFFF300  }
0x375: {  	_ =	swait.ge [sflag:s23], $0xD00  }
0x376: {  	[sflag:s23] =	ssyncset.done $0x0  }
0x377: {  	[sflag:s23] =	ssyncadd.s32 $0xFFFFF300  }
0x378: {  	_ =	swait.ge [sflag:s23], $0xD00  }
0x379: {  	[sflag:s23] =	ssyncset.done $0x0  }
0x37a: {  	[sflag:s23] =	ssyncadd.s32 $0xFFFFF300  }
0x37b: {  	_ =	swait.ge [sflag:s23], $0xD00  }
0x37c: {  	[sflag:s23] =	ssyncset.done $0x0  }
0x37d: {  	[sflag:s23] =	ssyncadd.s32 $0xFFFFF300  }
0x37e: {  	_ =	swait.ge [sflag:s23], $0xD00  }
0x37f: {  	[sflag:s23] =	ssyncset.done $0x0  }
0x380: {  	[sflag:s23] =	ssyncadd.s32 $0xFFFFF300  }
0x381: {  	_ =	swait.ge [sflag:s23], $0xD00  }
0x382: {  	[sflag:s23] =	ssyncset.done $0x0  }
0x383: {  	[sflag:s23] =	ssyncadd.s32 $0xFFFFF300  }
0x384: {  	_ =	swait.ge [sflag:s23], $0xD00  }
0x385: {  	[sflag:s23] =	ssyncset.done $0x0  }
0x386: {  	[sflag:s23] =	ssyncadd.s32 $0xFFFFF300  }
0x387: {  	_ =	swait.ge [sflag:s23], $0xD00  }
0x388: {  	[sflag:s23] =	ssyncset.done $0x0  }
0x389: {  	[sflag:s23] =	ssyncadd.s32 $0xFFFFF300  }
0x38a: {  	_ =	swait.ge [sflag:s23], $0xD00  }
0x38b: {  	[sflag:s23] =	ssyncset.done $0x0  }
0x38c: {  	[sflag:s23] =	ssyncadd.s32 $0xFFFFF300  }
0x38d: {  	_ =	swait.ge [sflag:s23], $0xD00  }
0x38e: {  	[sflag:s23] =	ssyncset.done $0x0  }
0x38f: {  	s26 =	rddreg [dreg:$0x10];
	[sflag:s23] =	ssyncadd.s32 $0xFFFFF300  }
0x390: {  	[hbm4b:s26+s2] =	stream.strided.scatter [tilespmem:s17], [sflag:$0x4], $0xD000, s16, s2, $0x38;
	[tilespmem:$0x1D400] =	vst v63  }
0x391: {  	_ =	swait.ge [sflag:s22], $0xD000  }
0x392: {  	[sflag:s22] =	ssyncset.done $0x0  }
0x393: {  	[sflag:s22] =	ssyncadd.s32 $0xFFFF3000  }
0x394: {  	[tilespmem:s24], [sflag:$0x1] =	stream.indirect.gather [hbm4b:s3+s2], $0x1, s25, s2, $0xb8;
	[tilespmem:$0x1D400] =	vst v63  }
0x395: {  	s26 =	simm.s32 $0x4100  }
0x396: {  	[tilespmem:s26], [sflag:$0x1] =	stream.indirect.gather [hbm4b:s5+s2], $0x1, s25, s2, $0xb8;
	[tilespmem:$0x1D400] =	vst v63  }
0x397: {  	s26 =	simm.s32 $0x4E00  }
0x398: {  	[tilespmem:s26], [sflag:$0x1] =	stream.indirect.gather [hbm4b:s6+s2], $0x1, s25, s2, $0xb8;
	[tilespmem:$0x1D400] =	vst v63  }
0x399: {  	s26 =	simm.s32 $0x5B00  }
0x39a: {  	[tilespmem:s26], [sflag:$0x1] =	stream.indirect.gather [hbm4b:s7+s2], $0x1, s25, s2, $0xb8;
	[tilespmem:$0x1D400] =	vst v63  }
0x39b: {  	s26 =	simm.s32 $0x6800  }
0x39c: {  	[tilespmem:s26], [sflag:$0x1] =	stream.indirect.gather [hbm4b:s8+s2], $0x1, s25, s2, $0xb8;
	[tilespmem:$0x1D400] =	vst v63  }
0x39d: {  	s26 =	simm.s32 $0x7500  }
0x39e: {  	[tilespmem:s26], [sflag:$0x1] =	stream.indirect.gather [hbm4b:s9+s2], $0x1, s25, s2, $0xb8;
	[tilespmem:$0x1D400] =	vst v63  }
0x39f: {  	s26 =	simm.s32 $0x8200  }
0x3a0: {  	[tilespmem:s26], [sflag:$0x1] =	stream.indirect.gather [hbm4b:s10+s2], $0x1, s25, s2, $0xb8;
	[tilespmem:$0x1D400] =	vst v63  }
0x3a1: {  	s26 =	simm.s32 $0x8F00  }
0x3a2: {  	[tilespmem:s26], [sflag:$0x1] =	stream.indirect.gather [hbm4b:s11+s2], $0x1, s25, s2, $0xb8;
	[tilespmem:$0x1D400] =	vst v63  }
0x3a3: {  	s26 =	simm.s32 $0x9C00  }
0x3a4: {  	[tilespmem:s26], [sflag:$0x1] =	stream.indirect.gather [hbm4b:s12+s2], $0x1, s25, s2, $0xb8;
	[tilespmem:$0x1D400] =	vst v63  }
0x3a5: {  	s26 =	simm.s32 $0xA900  }
0x3a6: {  	[tilespmem:s26], [sflag:$0x1] =	stream.indirect.gather [hbm4b:s13+s2], $0x1, s25, s2, $0xb8;
	[tilespmem:$0x1D400] =	vst v63  }
0x3a7: {  	s26 =	simm.s32 $0xB600  }
0x3a8: {  	[tilespmem:s26], [sflag:$0x1] =	stream.indirect.gather [hbm4b:s14+s2], $0x1, s25, s2, $0xb8;
	[tilespmem:$0x1D400] =	vst v63  }
0x3a9: {  	s26 =	simm.s32 $0xC300  }
0x3aa: {  	[tilespmem:s26], [sflag:$0x1] =	stream.indirect.gather [hbm4b:s15+s2], $0x1, s25, s2, $0xb8;
	[tilespmem:$0x1D400] =	vst v63  }
0x3ab: {  	_ = 	snop  }
0x3ac: {  	[tilespmem:s30], [sflag:$0x1] =	stream.indirect.gather [hbm4b:s4+s2], $0x1, s25, s2, $0xb8;
	[tilespmem:$0x1D400] =	vst v63  }
0x3ad: {  	_ = 	snop  }
0x3ae: {  	[tilespmem:s31], [sflag:$0x1] =	stream.indirect.gather [hbm4b:s18+s2], $0x1, s25, s2, $0xb8;
	[tilespmem:$0x1D400] =	vst v63  }
0x3af: {  	_ = 	snop  }
0x3b0: {  	[tilespmem:s28], [sflag:$0x1] =	stream.indirect.gather [hbm4b:s19+s2], $0x1, s25, s2, $0xb8;
	[tilespmem:$0x1D400] =	vst v63  }
0x3b1: {  	_ = 	snop  }
0x3b2: {  	[tilespmem:s29], [sflag:$0x1] =	stream.indirect.gather [hbm4b:s20+s2], $0x1, s25, s2, $0xb8;
	[tilespmem:$0x1D400] =	vst v63  }
0x3b3: {  	_ =	swait.ge [sflag:s0], $0xD00  }
0x3b4: {  	[sflag:s0] =	ssyncset.done $0x0  }
0x3b5: {  	[sflag:s0] =	ssyncadd.s32 $0xFFFFF300  }
0x3b6: {  	_ =	swait.ge [sflag:s0], $0xD00  }
0x3b7: {  	[sflag:s0] =	ssyncset.done $0x0  }
0x3b8: {  	[sflag:s0] =	ssyncadd.s32 $0xFFFFF300  }
0x3b9: {  	_ =	swait.ge [sflag:s0], $0xD00  }
0x3ba: {  	[sflag:s0] =	ssyncset.done $0x0  }
0x3bb: {  	[sflag:s0] =	ssyncadd.s32 $0xFFFFF300  }
0x3bc: {  	_ =	swait.ge [sflag:s0], $0xD00  }
0x3bd: {  	[sflag:s0] =	ssyncset.done $0x0  }
0x3be: {  	[sflag:s0] =	ssyncadd.s32 $0xFFFFF300  }
0x3bf: {  	_ =	swait.ge [sflag:s0], $0xD00  }
0x3c0: {  	[sflag:s0] =	ssyncset.done $0x0  }
0x3c1: {  	[sflag:s0] =	ssyncadd.s32 $0xFFFFF300  }
0x3c2: {  	_ =	swait.ge [sflag:s0], $0xD00  }
0x3c3: {  	[sflag:s0] =	ssyncset.done $0x0  }
0x3c4: {  	[sflag:s0] =	ssyncadd.s32 $0xFFFFF300  }
0x3c5: {  	_ =	swait.ge [sflag:s0], $0xD00  }
0x3c6: {  	[sflag:s0] =	ssyncset.done $0x0  }
0x3c7: {  	[sflag:s0] =	ssyncadd.s32 $0xFFFFF300  }
0x3c8: {  	_ =	swait.ge [sflag:s0], $0xD00  }
0x3c9: {  	[sflag:s0] =	ssyncset.done $0x0  }
0x3ca: {  	[sflag:s0] =	ssyncadd.s32 $0xFFFFF300  }
0x3cb: {  	_ =	swait.ge [sflag:s0], $0xD00  }
0x3cc: {  	[sflag:s0] =	ssyncset.done $0x0  }
0x3cd: {  	[sflag:s0] =	ssyncadd.s32 $0xFFFFF300  }
0x3ce: {  	_ =	swait.ge [sflag:s0], $0xD00  }
0x3cf: {  	[sflag:s0] =	ssyncset.done $0x0  }
0x3d0: {  	[sflag:s0] =	ssyncadd.s32 $0xFFFFF300  }
0x3d1: {  	_ =	swait.ge [sflag:s0], $0xD00  }
0x3d2: {  	[sflag:s0] =	ssyncset.done $0x0  }
0x3d3: {  	[sflag:s0] =	ssyncadd.s32 $0xFFFFF300  }
0x3d4: {  	_ =	swait.ge [sflag:s0], $0xD00  }
0x3d5: {  	[sflag:s0] =	ssyncset.done $0x0  }
0x3d6: {  	[sflag:s0] =	ssyncadd.s32 $0xFFFFF300  }
0x3d7: {  	_ =	swait.ge [sflag:s0], $0xD00  }
0x3d8: {  	[sflag:s0] =	ssyncset.done $0x0  }
0x3d9: {  	[sflag:s0] =	ssyncadd.s32 $0xFFFFF300  }
0x3da: {  	_ =	swait.ge [sflag:s0], $0xD00  }
0x3db: {  	[sflag:s0] =	ssyncset.done $0x0  }
0x3dc: {  	[sflag:s0] =	ssyncadd.s32 $0xFFFFF300  }
0x3dd: {  	_ =	swait.ge [sflag:s0], $0xD00  }
0x3de: {  	[sflag:s0] =	ssyncset.done $0x0  }
0x3df: {  	[sflag:s0] =	ssyncadd.s32 $0xFFFFF300  }
0x3e0: {  	_ =	swait.ge [sflag:s0], $0xD00  }
0x3e1: {  	[sflag:s0] =	ssyncset.done $0x0  }
0x3e2: {  	s31 =	rddreg [dreg:$0x11];
	[sflag:s0] =	ssyncadd.s32 $0xFFFFF300  }
0x3e3: {  	[hbm4b:s31+s2] =	stream.strided.scatter [tilespmem:s24], [sflag:$0x3], $0xD000, s16, s2, $0x38;
	[tilespmem:$0x1D400] =	vst v63  }
0x3e4: {  	_ =	swait.ge [sflag:s21], $0xD000  }
0x3e5: {  	[sflag:s21] =	ssyncset.done $0x0  }
0x3e6: {  	[sflag:s21] =	ssyncadd.s32 $0xFFFF3000  }
0x3e7: {  	[tilespmem:s17], [sflag:$0x2] =	stream.indirect.gather [hbm4b:s3+s2], $0x1, s1, s2, $0xb8;
	[tilespmem:$0x1D400] =	vst v63  }
0x3e8: {  	s3 =	simm.s32 $0x11100  }
0x3e9: {  	[tilespmem:s3], [sflag:$0x2] =	stream.indirect.gather [hbm4b:s5+s2], $0x1, s1, s2, $0xb8;
	[tilespmem:$0x1D400] =	vst v63  }
0x3ea: {  	s5 =	simm.s32 $0x11E00  }
0x3eb: {  	[tilespmem:s5], [sflag:$0x2] =	stream.indirect.gather [hbm4b:s6+s2], $0x1, s1, s2, $0xb8;
	[tilespmem:$0x1D400] =	vst v63  }
0x3ec: {  	s6 =	simm.s32 $0x12B00  }
0x3ed: {  	[tilespmem:s6], [sflag:$0x2] =	stream.indirect.gather [hbm4b:s7+s2], $0x1, s1, s2, $0xb8;
	[tilespmem:$0x1D400] =	vst v63  }
0x3ee: {  	s7 =	simm.s32 $0x13800  }
0x3ef: {  	[tilespmem:s7], [sflag:$0x2] =	stream.indirect.gather [hbm4b:s8+s2], $0x1, s1, s2, $0xb8;
	[tilespmem:$0x1D400] =	vst v63  }
0x3f0: {  	s8 =	simm.s32 $0x14500  }
0x3f1: {  	[tilespmem:s8], [sflag:$0x2] =	stream.indirect.gather [hbm4b:s9+s2], $0x1, s1, s2, $0xb8;
	[tilespmem:$0x1D400] =	vst v63  }
0x3f2: {  	s9 =	simm.s32 $0x15200  }
0x3f3: {  	[tilespmem:s9], [sflag:$0x2] =	stream.indirect.gather [hbm4b:s10+s2], $0x1, s1, s2, $0xb8;
	[tilespmem:$0x1D400] =	vst v63  }
0x3f4: {  	s10 =	simm.s32 $0x15F00  }
0x3f5: {  	[tilespmem:s10], [sflag:$0x2] =	stream.indirect.gather [hbm4b:s11+s2], $0x1, s1, s2, $0xb8;
	[tilespmem:$0x1D400] =	vst v63  }
0x3f6: {  	s11 =	simm.s32 $0x16C00  }
0x3f7: {  	[tilespmem:s11], [sflag:$0x2] =	stream.indirect.gather [hbm4b:s12+s2], $0x1, s1, s2, $0xb8;
	[tilespmem:$0x1D400] =	vst v63  }
0x3f8: {  	s12 =	simm.s32 $0x17900  }
0x3f9: {  	[tilespmem:s12], [sflag:$0x2] =	stream.indirect.gather [hbm4b:s13+s2], $0x1, s1, s2, $0xb8;
	[tilespmem:$0x1D400] =	vst v63  }
0x3fa: {  	s13 =	simm.s32 $0x18600  }
0x3fb: {  	[tilespmem:s13], [sflag:$0x2] =	stream.indirect.gather [hbm4b:s14+s2], $0x1, s1, s2, $0xb8;
	[tilespmem:$0x1D400] =	vst v63  }
0x3fc: {  	s24 =	simm.s32 $0x19300  }
0x3fd: {  	[tilespmem:s24], [sflag:$0x2] =	stream.indirect.gather [hbm4b:s15+s2], $0x1, s1, s2, $0xb8;
	[tilespmem:$0x1D400] =	vst v63  }
0x3fe: {  	s25 =	simm.s32 $0x1A000  }
0x3ff: {  	[tilespmem:s25], [sflag:$0x2] =	stream.indirect.gather [hbm4b:s4+s2], $0x1, s1, s2, $0xb8;
	[tilespmem:$0x1D400] =	vst v63  }
0x400: {  	s26 =	simm.s32 $0x1AD00  }
0x401: {  	[tilespmem:s26], [sflag:$0x2] =	stream.indirect.gather [hbm4b:s18+s2], $0x1, s1, s2, $0xb8;
	[tilespmem:$0x1D400] =	vst v63  }
0x402: {  	s28 =	simm.s32 $0x1BA00  }
0x403: {  	[tilespmem:s28], [sflag:$0x2] =	stream.indirect.gather [hbm4b:s19+s2], $0x1, s1, s2, $0xb8;
	[tilespmem:$0x1D400] =	vst v63  }
0x404: {  	s29 =	simm.s32 $0x1C700  }
0x405: {  	[tilespmem:s29], [sflag:$0x2] =	stream.indirect.gather [hbm4b:s20+s2], $0x1, s1, s2, $0xb8;
	[tilespmem:$0x1D400] =	vst v63  }
0x406: {  	_ =	swait.ge [sflag:s23], $0xD00  }
0x407: {  	[sflag:s23] =	ssyncset.done $0x0  }
0x408: {  	[sflag:s23] =	ssyncadd.s32 $0xFFFFF300  }
0x409: {  	_ =	swait.ge [sflag:s23], $0xD00  }
0x40a: {  	[sflag:s23] =	ssyncset.done $0x0  }
0x40b: {  	[sflag:s23] =	ssyncadd.s32 $0xFFFFF300  }
0x40c: {  	_ =	swait.ge [sflag:s23], $0xD00  }
0x40d: {  	[sflag:s23] =	ssyncset.done $0x0  }
0x40e: {  	[sflag:s23] =	ssyncadd.s32 $0xFFFFF300  }
0x40f: {  	_ =	swait.ge [sflag:s23], $0xD00  }
0x410: {  	[sflag:s23] =	ssyncset.done $0x0  }
0x411: {  	[sflag:s23] =	ssyncadd.s32 $0xFFFFF300  }
0x412: {  	_ =	swait.ge [sflag:s23], $0xD00  }
0x413: {  	[sflag:s23] =	ssyncset.done $0x0  }
0x414: {  	[sflag:s23] =	ssyncadd.s32 $0xFFFFF300  }
0x415: {  	_ =	swait.ge [sflag:s23], $0xD00  }
0x416: {  	[sflag:s23] =	ssyncset.done $0x0  }
0x417: {  	[sflag:s23] =	ssyncadd.s32 $0xFFFFF300  }
0x418: {  	_ =	swait.ge [sflag:s23], $0xD00  }
0x419: {  	[sflag:s23] =	ssyncset.done $0x0  }
0x41a: {  	[sflag:s23] =	ssyncadd.s32 $0xFFFFF300  }
0x41b: {  	_ =	swait.ge [sflag:s23], $0xD00  }
0x41c: {  	[sflag:s23] =	ssyncset.done $0x0  }
0x41d: {  	[sflag:s23] =	ssyncadd.s32 $0xFFFFF300  }
0x41e: {  	_ =	swait.ge [sflag:s23], $0xD00  }
0x41f: {  	[sflag:s23] =	ssyncset.done $0x0  }
0x420: {  	[sflag:s23] =	ssyncadd.s32 $0xFFFFF300  }
0x421: {  	_ =	swait.ge [sflag:s23], $0xD00  }
0x422: {  	[sflag:s23] =	ssyncset.done $0x0  }
0x423: {  	[sflag:s23] =	ssyncadd.s32 $0xFFFFF300  }
0x424: {  	_ =	swait.ge [sflag:s23], $0xD00  }
0x425: {  	[sflag:s23] =	ssyncset.done $0x0  }
0x426: {  	[sflag:s23] =	ssyncadd.s32 $0xFFFFF300  }
0x427: {  	_ =	swait.ge [sflag:s23], $0xD00  }
0x428: {  	[sflag:s23] =	ssyncset.done $0x0  }
0x429: {  	[sflag:s23] =	ssyncadd.s32 $0xFFFFF300  }
0x42a: {  	_ =	swait.ge [sflag:s23], $0xD00  }
0x42b: {  	[sflag:s23] =	ssyncset.done $0x0  }
0x42c: {  	[sflag:s23] =	ssyncadd.s32 $0xFFFFF300  }
0x42d: {  	_ =	swait.ge [sflag:s23], $0xD00  }
0x42e: {  	[sflag:s23] =	ssyncset.done $0x0  }
0x42f: {  	[sflag:s23] =	ssyncadd.s32 $0xFFFFF300  }
0x430: {  	_ =	swait.ge [sflag:s23], $0xD00  }
0x431: {  	[sflag:s23] =	ssyncset.done $0x0  }
0x432: {  	[sflag:s23] =	ssyncadd.s32 $0xFFFFF300  }
0x433: {  	_ =	swait.ge [sflag:s23], $0xD00  }
0x434: {  	[sflag:s23] =	ssyncset.done $0x0  }
0x435: {  	s30 =	rddreg [dreg:$0x12];
	[sflag:s23] =	ssyncadd.s32 $0xFFFFF300  }
0x436: {  	[hbm4b:s30+s2] =	stream.strided.scatter [tilespmem:s17], [sflag:$0x4], $0xD000, s16, s2, $0x38;
	[tilespmem:$0x1D400] =	vst v63  }
0x437: {  	_ =	swait.ge [sflag:s22], $0xD000  }
0x438: {  	[sflag:s22] =	ssyncset.done $0x0  }
0x439: {  	[sflag:s22] =	ssyncadd.s32 $0xFFFF3000  }
0x43a: {  	_ =	swait.ge [sflag:s21], $0xD000  }
0x43b: {  	[sflag:s21] =	ssyncset.done $0x0  }
0x43c: {  	[sflag:s21] =	ssyncadd.s32 $0xFFFF3000  }
0x43d: {  	_ =	sfence.sel $0x180000  }
0x43e: {  	[bflag:$0x0] =	sbarrier.arrive $0xFFFF  }
0x43f: {  	_ =	strace $0x90000047  }
0x440: {  	s31 =	stileid.u32;
	[bflag:$0x2] =	sbarrier.arrive $0xFFFF  }
0x441: {  	p0 =	sne.s32 s31, $0x0;
	s0 =	rddreg [dreg:$0x16]  }
0x442: {  	s0 =	sadd.s32 @!p0 $0x100000, s0  }
0x443: {  	[sflag:s0] =	ssyncadd.tile.s32 @!p0 $0x1;
	_ =	shalt  }
.LBB3_6:
0x444: {  	s5 =	rddreg [dreg:$0x2]  }
0x445: {  	s6 =	rddreg [dreg:$0x3]  }
0x446: {  	s7 =	rddreg [dreg:$0x4]  }
0x447: {  	s8 =	rddreg [dreg:$0x5]  }
0x448: {  	s9 =	rddreg [dreg:$0x6]  }
0x449: {  	s10 =	rddreg [dreg:$0x7]  }
0x44a: {  	s11 =	rddreg [dreg:$0x8]  }
.Ltmp3:
0x44b: {  	s12 =	rddreg [dreg:$0x9];
	(pc) =	sbr.rel .LBB3_5-.Ltmp3, $4  }
0x44c: {  	s13 =	rddreg [dreg:$0xa]  }
0x44d: {  	s14 =	rddreg [dreg:$0xb]  }
0x44e: {  	s3 =	simm.s32 $0x5;
	s15 =	rddreg [dreg:$0xc]  }
0x44f: {  	s4 =	rddreg [dreg:$0xd];
	s16 =	simm.s32 $0x68000;
	s17 =	simm.s32 $0x10400  }
.Lfunc_end3:
_tile_overlayer_lowered:
.L_overlay_start_3:
0x450: {  	(tag) =	ssettag $0x3  }
0x451: {  	s0 =	rddreg [dreg:$0x0];
	s2 =	stileid.u32  }
0x452: {  	s1 =	rddreg [dreg:$0x1];
	p0 =	sne.s32 s2, $0x0  }
0x453: {  	s3 =	rddreg [dreg:$0x2];
	[bflag:$0x3] =	sbarrier.arrive $0xFFFF;
	s2 =	simm.s32 @!p0 $0x1C05  }
0x454: {  	[timem:s3], [sflag:s2] =	dma.local @!p0 [hbm:s0], s1  }
0x455: {  	s0 =	simm.s32 @!p0 $0x5  }
0x456: {  	_ =	swait.ge @!p0 [sflag:s0], s1  }
0x457: {  	s1 =	ssub.s32 @!p0 $0x0, s1;
	[sflag:s0] =	ssyncset.done @!p0 $0x0  }
0x458: {  	[sflag:s0] =	ssyncadd.s32 @!p0 s1  }
0x459: {  	[bflag:$0x3] =	sbarrier.arrive $0xFFFF  }
0x45a: {  	_ =	shalt  }

</sc_bundles>
